<compile_context>
chip_gen: v7x
topology: tpu7x:2x2x1
jax: 0.10.2.dev20260603
libtpu: 0.0.44.dev20260713+nightly
codegen_flags: <defaults>
</compile_context>

<pallas_src>
import functools

import jax
import jax.numpy as jnp
from jax import lax
from jax.experimental import pallas as pl
from jax.experimental.pallas import tpu as pltpu
from jax.experimental.pallas import tpu_sc as plsc

_E = 320000
_D = 128
_N0, _N1, _N2 = 5, 6, 2
_NT = _N0 * _N1 * _N2

_NC = 2
_NS = 16
_NW = _NC * _NS
_PER_W = _E // _NW
_SB = 80
_GPC = 5
_CH = _SB * _GPC
_NCHUNK = _PER_W // _CH
_L = 16


def _table_body(w0_ref, w1_ref, w2_ref, t_ref):
    r = lax.broadcasted_iota(jnp.int32, (_NT, 1), 0)
    oh0 = (lax.broadcasted_iota(jnp.int32, (_NT, _N0), 1)
           == r // (_N1 * _N2)).astype(jnp.float32)
    oh1 = (lax.broadcasted_iota(jnp.int32, (_NT, _N1), 1)
           == (r // _N2) % _N1).astype(jnp.float32)
    oh2 = (lax.broadcasted_iota(jnp.int32, (_NT, _N2), 1)
           == r % _N2).astype(jnp.float32)
    t_ref[...] = (
        jnp.dot(oh0, w0_ref[...], preferred_element_type=jnp.float32,
                precision=lax.Precision.HIGHEST)
        + jnp.dot(oh1, w1_ref[...], preferred_element_type=jnp.float32,
                  precision=lax.Precision.HIGHEST)
        + jnp.dot(oh2, w2_ref[...], preferred_element_type=jnp.float32,
                  precision=lax.Precision.HIGHEST)
    )


def _prep_body(ea_ref, w0_ref, w1_ref, w2_ref, eap_ref, t_ref):
    eap_ref[0] = jnp.transpose(ea_ref[0], (0, 2, 1))

    @pl.when(pl.program_id(0) == 0)
    def _():
        _table_body(w0_ref, w1_ref, w2_ref, t_ref)


_prep = pl.pallas_call(
    _prep_body,
    grid=(_NW,),
    in_specs=[
        pl.BlockSpec((1, _NCHUNK, _CH, 3), lambda i: (i, 0, 0, 0)),
        pl.BlockSpec((_N0, _D), lambda i: (0, 0)),
        pl.BlockSpec((_N1, _D), lambda i: (0, 0)),
        pl.BlockSpec((_N2, _D), lambda i: (0, 0)),
    ],
    out_specs=[
        pl.BlockSpec((1, _NCHUNK, 3, _CH), lambda i: (i, 0, 0, 0)),
        pl.BlockSpec((_NT, _D), lambda i: (0, 0)),
    ],
    out_shape=[
        jax.ShapeDtypeStruct((_NW, _NCHUNK, 3, _CH), jnp.int32),
        jax.ShapeDtypeStruct((_NT, _D), jnp.float32),
    ],
)


@functools.cache
def _make_sc_kernel():
    @functools.partial(
        pl.kernel,
        mesh=plsc.VectorSubcoreMesh(core_axis_name="c", subcore_axis_name="s"),
        out_type=jax.ShapeDtypeStruct((_E, _D), jnp.float32),
        scratch_types=[
            pltpu.VMEM((2, 3, _CH), jnp.int32),
            pltpu.VMEM((_GPC, _SB), jnp.int32),
            pltpu.VMEM((2, _CH, _D), jnp.float32),
            pltpu.VMEM_SHARED((_NT, _D), jnp.float32),
            pltpu.SemaphoreType.DMA,
            pltpu.SemaphoreType.DMA,
            pltpu.SemaphoreType.DMA,
        ],
    )
    def _sc_body(t_hbm, ea_hbm, out_hbm, av, iv, rows_v, t_sh,
                 gsem, ssem, asem):
        sid = lax.axis_index("s")
        wid = sid * _NC + lax.axis_index("c")
        base = wid * _PER_W
        @pl.when(sid == 0)
        def _():
            pltpu.sync_copy(t_hbm, t_sh)

        plsc.subcore_barrier()

        def issue_attr(c, ab):
            return pltpu.async_copy(ea_hbm.at[wid, c], av.at[ab], asem)

        def wait_attr(c, ab):
            pltpu.make_async_copy(ea_hbm.at[wid, c], av.at[ab], asem).wait()

        def fold_from(ab):
            for g in range(_GPC):
                for k in range(_SB // _L):
                    o = g * _SB + k * _L
                    a0 = av[ab, 0, pl.ds(o, _L)]
                    a1 = av[ab, 1, pl.ds(o, _L)]
                    a2 = av[ab, 2, pl.ds(o, _L)]
                    iv[g, pl.ds(k * _L, _L)] = (
                        a0 * (_N1 * _N2) + a1 * _N2 + a2
                    )

        def gather_chunk(buf):
            return [
                pltpu.async_copy(
                    t_sh.at[iv.at[g]],
                    rows_v.at[buf].at[pl.ds(g * _SB, _SB)],
                    gsem,
                )
                for g in range(_GPC)
            ]

        def store_chunk(c, buf):
            return pltpu.async_copy(
                rows_v.at[buf], out_hbm.at[pl.ds(base + c * _CH, _CH)], ssem
            )

        issue_attr(0, 0).wait()
        fold_from(0)
        issue_attr(1, 1)
        for cp in gather_chunk(0):
            cp.wait()

        def chunk(c, carry):
            buf = lax.rem(c, 2)
            ab = lax.rem(c + 1, 2)
            st = store_chunk(c, buf)
            wait_attr(c + 1, ab)
            fold_from(ab)

            @pl.when(c + 2 < _NCHUNK)
            def _():
                issue_attr(c + 2, 1 - ab)

            for cp in gather_chunk(1 - buf):
                cp.wait()
            st.wait()
            return carry

        lax.fori_loop(0, _NCHUNK - 1, chunk, 0)
        store_chunk(_NCHUNK - 1, (_NCHUNK - 1) % 2).wait()

    return _sc_body


def kernel(edge_attr, W0, W1, W2):
    ea4 = edge_attr.astype(jnp.int32).reshape(_NW, _NCHUNK, _CH, 3)
    eap, t = _prep(ea4, W0, W1, W2)
    return _make_sc_kernel()(t, eap)

# --- scband reference (transcript-rebuilt; emitter-appended) ---
"""Pipeline reference for scband-my-ogbbond-encoder-9182640079083 (READ-ONLY COPY).

The authoritative reference and input builder live on the scoring server;
editing this copy changes nothing except your own understanding.
"""

import jax, jax.numpy as jnp
import numpy as np

HIDDEN = 128
E = 320000
# OGB full_bond_feature_dims = [5, 6, 2]
BOND_DIMS = [5, 6, 2]

def setup_inputs(seed: int = 0) -> dict:
    key = jax.random.key(seed)
    k0, k1, k2, k3 = jax.random.split(key, 4)
    edge_attr = jax.random.randint(k0, (E, 3), 0, 2, dtype=jnp.int64) if jax.config.jax_enable_x64 else jax.random.randint(k0, (E, 3), 0, 2, dtype=jnp.int32)
    # embedding tables, xavier_uniform-like init (OGB uses xavier_uniform_)
    W0 = jax.random.normal(k1, (BOND_DIMS[0], HIDDEN), dtype=jnp.float32) * 0.1
    W1 = jax.random.normal(k2, (BOND_DIMS[1], HIDDEN), dtype=jnp.float32) * 0.1
    W2 = jax.random.normal(k3, (BOND_DIMS[2], HIDDEN), dtype=jnp.float32) * 0.1
    return {"edge_attr": edge_attr, "W0": W0, "W1": W1, "W2": W2}

def reference(edge_attr, W0, W1, W2):
    # OGB BondEncoder: sum of per-feature-column embedding lookups
    out = jnp.take(W0, edge_attr[:, 0], axis=0)
    out = out + jnp.take(W1, edge_attr[:, 1], axis=0)
    out = out + jnp.take(W2, edge_attr[:, 2], axis=0)
    return out

if __name__ == "__main__":
    import jax
    _d = setup_inputs()
    print(jax.jit(kernel)(*tuple(_d.values())))

</pallas_src>

<mosaic_0001>
#map = affine_map<(d0, d1) -> (0, 0)>
#map1 = affine_map<(d0, d1) -> (0, 0, 0, 0)>
module attributes {stable_mosaic.version = 14 : i64} {
  func.func @_sc_body(%arg0: i32, %arg1: i32, %arg2: memref<60x128xf32, #tpu.memory_space<hbm>>, %arg3: memref<32x25x3x400xi32, #tpu.memory_space<hbm>>, %arg4: memref<320000x128xf32, #tpu.memory_space<hbm>>, %arg5: memref<2x3x400xi32, #tpu.memory_space<vmem>>, %arg6: memref<5x80xi32, #tpu.memory_space<vmem>>, %arg7: memref<2x400x128xf32, #tpu.memory_space<vmem>>, %arg8: memref<60x128xf32, #tpu.memory_space<vmem_shared>>, %arg9: memref<!tpu.dma_semaphore, #tpu.memory_space<semaphore_mem>>, %arg10: memref<!tpu.dma_semaphore, #tpu.memory_space<semaphore_mem>>, %arg11: memref<!tpu.dma_semaphore, #tpu.memory_space<semaphore_mem>>) attributes {dimension_semantics = [#tpu.dimension_semantics<core_parallel>, #tpu.dimension_semantics<subcore_parallel>], iteration_bounds = array<i64: 2, 16>, scalar_prefetch = 0 : i64, scratch_operands = 7 : i64, tpu.core_type = #tpu.core_type<sc_vector_subcore>, window_params = [{transform_indices = #map}, {transform_indices = #map1}, {transform_indices = #map}]} {
    %mul3A = arith.constant 2 : i32
    %mul3A_0 = arith.muli %arg1, %mul3A : i32
    %add3A = arith.addi %mul3A_0, %arg0 : i32
    %mul3A_1 = arith.constant 10000 : i32
    %mul3A_2 = arith.muli %add3A, %mul3A_1 : i32
    %eq3A = arith.constant 0 : i32
    %eq3A_3 = arith.cmpi eq, %arg1, %eq3A : i32
    %convert_element_type3A = arith.extui %eq3A_3 : i1 to i32
    %cond3A = arith.constant 0 : i32
    %cond3A_4 = arith.cmpi ne, %convert_element_type3A, %cond3A : i32
    scf.if %cond3A_4 {
      "tpu.region"() ({
        %run_scoped3A = tpu.sem_alloc : memref<!tpu.dma_semaphore, #tpu.memory_space<semaphore_mem>>
        tpu.enqueue_dma source(%arg2 : memref<60x128xf32, #tpu.memory_space<hbm>>) target(%arg8 : memref<60x128xf32, #tpu.memory_space<vmem_shared>>) target_semaphore(%run_scoped3A : memref<!tpu.dma_semaphore, #tpu.memory_space<semaphore_mem>>)
        tpu.wait_dma2 semaphore(%run_scoped3A : memref<!tpu.dma_semaphore, #tpu.memory_space<semaphore_mem>>) src(%arg2 : memref<60x128xf32, #tpu.memory_space<hbm>>) dst(%arg8 : memref<60x128xf32, #tpu.memory_space<vmem_shared>>)
        tpu.yield
      }) : () -> ()
    } else {
    }
    %barrier3A = arith.constant 0 : index
    tpu.barrier barrier_id(%barrier3A)
    %dma_start3A = arith.constant 0 : i32
    %dma_start3A_5 = arith.constant 0 : i32
    %dma_start3A_6 = arith.constant 0 : i32
    %dma_start3A_7 = arith.constant 0 : i32
    %dma_start3A_8 = tpu.memref_slice %arg5[%dma_start3A_5, %dma_start3A_6, %dma_start3A_7] : memref<2x3x400xi32, #tpu.memory_space<vmem>> -> memref<1x3x400xi32, #tpu.memory_space<vmem>>
    %dma_start3A_9 = tpu.memref_squeeze %dma_start3A_8 : memref<1x3x400xi32, #tpu.memory_space<vmem>> -> memref<3x400xi32, #tpu.memory_space<vmem>>
    %dma_start3A_10 = arith.constant 0 : i32
    %dma_start3A_11 = arith.constant 0 : i32
    %dma_start3A_12 = tpu.memref_slice %arg3[%add3A, %dma_start3A, %dma_start3A_10, %dma_start3A_11] : memref<32x25x3x400xi32, #tpu.memory_space<hbm>> -> memref<1x1x3x400xi32, #tpu.memory_space<hbm>>
    %dma_start3A_13 = tpu.memref_squeeze %dma_start3A_12 : memref<1x1x3x400xi32, #tpu.memory_space<hbm>> -> memref<3x400xi32, #tpu.memory_space<hbm>>
    %dma_start3A_14 = arith.constant 0 : i32
    %dma_start3A_15 = arith.constant 0 : i32
    %dma_start3A_16 = tpu.memref_slice %arg5[%dma_start3A_5, %dma_start3A_14, %dma_start3A_15] : memref<2x3x400xi32, #tpu.memory_space<vmem>> -> memref<1x3x400xi32, #tpu.memory_space<vmem>>
    %dma_start3A_17 = tpu.memref_squeeze %dma_start3A_16 : memref<1x3x400xi32, #tpu.memory_space<vmem>> -> memref<3x400xi32, #tpu.memory_space<vmem>>
    %dma_start3A_18 = arith.constant 0 : i32
    %dma_start3A_19 = arith.constant 0 : i32
    %dma_start3A_20 = tpu.memref_slice %arg3[%add3A, %dma_start3A, %dma_start3A_18, %dma_start3A_19] : memref<32x25x3x400xi32, #tpu.memory_space<hbm>> -> memref<1x1x3x400xi32, #tpu.memory_space<hbm>>
    %dma_start3A_21 = tpu.memref_squeeze %dma_start3A_20 : memref<1x1x3x400xi32, #tpu.memory_space<hbm>> -> memref<3x400xi32, #tpu.memory_space<hbm>>
    tpu.enqueue_dma source(%dma_start3A_21 : memref<3x400xi32, #tpu.memory_space<hbm>>) target(%dma_start3A_17 : memref<3x400xi32, #tpu.memory_space<vmem>>) target_semaphore(%arg11 : memref<!tpu.dma_semaphore, #tpu.memory_space<semaphore_mem>>)
    %dma_wait3A = arith.constant 0 : i32
    %dma_wait3A_22 = arith.constant 0 : i32
    %dma_wait3A_23 = arith.constant 0 : i32
    %dma_wait3A_24 = arith.constant 0 : i32
    %dma_wait3A_25 = tpu.memref_slice %arg5[%dma_wait3A_22, %dma_wait3A_23, %dma_wait3A_24] : memref<2x3x400xi32, #tpu.memory_space<vmem>> -> memref<1x3x400xi32, #tpu.memory_space<vmem>>
    %dma_wait3A_26 = tpu.memref_squeeze %dma_wait3A_25 : memref<1x3x400xi32, #tpu.memory_space<vmem>> -> memref<3x400xi32, #tpu.memory_space<vmem>>
    %dma_wait3A_27 = arith.constant 0 : i32
    %dma_wait3A_28 = arith.constant 0 : i32
    %dma_wait3A_29 = tpu.memref_slice %arg3[%add3A, %dma_wait3A, %dma_wait3A_27, %dma_wait3A_28] : memref<32x25x3x400xi32, #tpu.memory_space<hbm>> -> memref<1x1x3x400xi32, #tpu.memory_space<hbm>>
    %dma_wait3A_30 = tpu.memref_squeeze %dma_wait3A_29 : memref<1x1x3x400xi32, #tpu.memory_space<hbm>> -> memref<3x400xi32, #tpu.memory_space<hbm>>
    %dma_wait3A_31 = arith.constant 0 : i32
    %dma_wait3A_32 = arith.constant 0 : i32
    %dma_wait3A_33 = tpu.memref_slice %arg5[%dma_wait3A_22, %dma_wait3A_31, %dma_wait3A_32] : memref<2x3x400xi32, #tpu.memory_space<vmem>> -> memref<1x3x400xi32, #tpu.memory_space<vmem>>
    %dma_wait3A_34 = tpu.memref_squeeze %dma_wait3A_33 : memref<1x3x400xi32, #tpu.memory_space<vmem>> -> memref<3x400xi32, #tpu.memory_space<vmem>>
    %dma_wait3A_35 = arith.constant 0 : i32
    %dma_wait3A_36 = arith.constant 0 : i32
    %dma_wait3A_37 = tpu.memref_slice %arg3[%add3A, %dma_wait3A, %dma_wait3A_35, %dma_wait3A_36] : memref<32x25x3x400xi32, #tpu.memory_space<hbm>> -> memref<1x1x3x400xi32, #tpu.memory_space<hbm>>
    %dma_wait3A_38 = tpu.memref_squeeze %dma_wait3A_37 : memref<1x1x3x400xi32, #tpu.memory_space<hbm>> -> memref<3x400xi32, #tpu.memory_space<hbm>>
    tpu.wait_dma2 semaphore(%arg11 : memref<!tpu.dma_semaphore, #tpu.memory_space<semaphore_mem>>) src(%dma_wait3A_38 : memref<3x400xi32, #tpu.memory_space<hbm>>) dst(%dma_wait3A_34 : memref<3x400xi32, #tpu.memory_space<vmem>>)
    %get3A = arith.constant 0 : i32
    %get3A_39 = arith.constant 0 : i32
    %get3A_40 = arith.index_cast %get3A : i32 to index
    %get3A_41 = arith.index_cast %get3A_39 : i32 to index
    %get3A_42 = arith.constant 0 : index
    %get3A_43 = tpu.vector_load %arg5[%get3A_40, %get3A_41, %get3A_42] {strides = array<i32>} : memref<2x3x400xi32, #tpu.memory_space<vmem>>, vector<1x1x16xi32>,
    %get3A_44 = vector.shape_cast %get3A_43 : vector<1x1x16xi32> to vector<16xi32>
    %get3A_45 = arith.constant 0 : i32
    %get3A_46 = arith.constant 1 : i32
    %get3A_47 = arith.index_cast %get3A_45 : i32 to index
    %get3A_48 = arith.index_cast %get3A_46 : i32 to index
    %get3A_49 = arith.constant 0 : index
    %get3A_50 = tpu.vector_load %arg5[%get3A_47, %get3A_48, %get3A_49] {strides = array<i32>} : memref<2x3x400xi32, #tpu.memory_space<vmem>>, vector<1x1x16xi32>,
    %get3A_51 = vector.shape_cast %get3A_50 : vector<1x1x16xi32> to vector<16xi32>
    %get3A_52 = arith.constant 0 : i32
    %get3A_53 = arith.constant 2 : i32
    %get3A_54 = arith.index_cast %get3A_52 : i32 to index
    %get3A_55 = arith.index_cast %get3A_53 : i32 to index
    %get3A_56 = arith.constant 0 : index
    %get3A_57 = tpu.vector_load %arg5[%get3A_54, %get3A_55, %get3A_56] {strides = array<i32>} : memref<2x3x400xi32, #tpu.memory_space<vmem>>, vector<1x1x16xi32>,
    %get3A_58 = vector.shape_cast %get3A_57 : vector<1x1x16xi32> to vector<16xi32>
    %mul3A_59 = arith.constant 12 : i32
    %mul3A_60 = vector.broadcast %mul3A_59 : i32 to vector<16xi32>
    %mul3A_61 = arith.muli %get3A_44, %mul3A_60 : vector<16xi32>
    %mul3A_62 = arith.constant 2 : i32
    %mul3A_63 = vector.broadcast %mul3A_62 : i32 to vector<16xi32>
    %mul3A_64 = arith.muli %get3A_51, %mul3A_63 : vector<16xi32>
    %add3A_65 = arith.addi %mul3A_61, %mul3A_64 : vector<16xi32>
    %add3A_66 = arith.addi %add3A_65, %get3A_58 : vector<16xi32>
    %swap3A = arith.constant 0 : i32
    %swap3A_67 = arith.index_cast %swap3A : i32 to index
    %swap3A_68 = arith.constant 0 : index
    %swap3A_69 = tpu.vector_load %arg6[%swap3A_67, %swap3A_68] {strides = array<i32>} : memref<5x80xi32, #tpu.memory_space<vmem>>, vector<1x16xi32>,
    %swap3A_70 = vector.shape_cast %swap3A_69 : vector<1x16xi32> to vector<16xi32>
    %swap3A_71 = vector.shape_cast %add3A_66 : vector<16xi32> to vector<1x16xi32>
    tpu.vector_store %arg6[%swap3A_67, %swap3A_68], %swap3A_71 {strides = array<i32>} : memref<5x80xi32, #tpu.memory_space<vmem>>, vector<1x16xi32>,
    %get3A_72 = arith.constant 0 : i32
    %get3A_73 = arith.constant 0 : i32
    %get3A_74 = arith.index_cast %get3A_72 : i32 to index
    %get3A_75 = arith.index_cast %get3A_73 : i32 to index
    %get3A_76 = arith.constant 16 : index
    %get3A_77 = tpu.vector_load %arg5[%get3A_74, %get3A_75, %get3A_76] {strides = array<i32>} : memref<2x3x400xi32, #tpu.memory_space<vmem>>, vector<1x1x16xi32>,
    %get3A_78 = vector.shape_cast %get3A_77 : vector<1x1x16xi32> to vector<16xi32>
    %get3A_79 = arith.constant 0 : i32
    %get3A_80 = arith.constant 1 : i32
    %get3A_81 = arith.index_cast %get3A_79 : i32 to index
    %get3A_82 = arith.index_cast %get3A_80 : i32 to index
    %get3A_83 = arith.constant 16 : index
    %get3A_84 = tpu.vector_load %arg5[%get3A_81, %get3A_82, %get3A_83] {strides = array<i32>} : memref<2x3x400xi32, #tpu.memory_space<vmem>>, vector<1x1x16xi32>,
    %get3A_85 = vector.shape_cast %get3A_84 : vector<1x1x16xi32> to vector<16xi32>
    %get3A_86 = arith.constant 0 : i32
    %get3A_87 = arith.constant 2 : i32
    %get3A_88 = arith.index_cast %get3A_86 : i32 to index
    %get3A_89 = arith.index_cast %get3A_87 : i32 to index
    %get3A_90 = arith.constant 16 : index
    %get3A_91 = tpu.vector_load %arg5[%get3A_88, %get3A_89, %get3A_90] {strides = array<i32>} : memref<2x3x400xi32, #tpu.memory_space<vmem>>, vector<1x1x16xi32>,
    %get3A_92 = vector.shape_cast %get3A_91 : vector<1x1x16xi32> to vector<16xi32>
    %mul3A_93 = arith.constant 12 : i32
    %mul3A_94 = vector.broadcast %mul3A_93 : i32 to vector<16xi32>
    %mul3A_95 = arith.muli %get3A_78, %mul3A_94 : vector<16xi32>
    %mul3A_96 = arith.constant 2 : i32
    %mul3A_97 = vector.broadcast %mul3A_96 : i32 to vector<16xi32>
    %mul3A_98 = arith.muli %get3A_85, %mul3A_97 : vector<16xi32>
    %add3A_99 = arith.addi %mul3A_95, %mul3A_98 : vector<16xi32>
    %add3A_100 = arith.addi %add3A_99, %get3A_92 : vector<16xi32>
    %swap3A_101 = arith.constant 0 : i32
    %swap3A_102 = arith.index_cast %swap3A_101 : i32 to index
    %swap3A_103 = arith.constant 16 : index
    %swap3A_104 = tpu.vector_load %arg6[%swap3A_102, %swap3A_103] {strides = array<i32>} : memref<5x80xi32, #tpu.memory_space<vmem>>, vector<1x16xi32>,
    %swap3A_105 = vector.shape_cast %swap3A_104 : vector<1x16xi32> to vector<16xi32>
    %swap3A_106 = vector.shape_cast %add3A_100 : vector<16xi32> to vector<1x16xi32>
    tpu.vector_store %arg6[%swap3A_102, %swap3A_103], %swap3A_106 {strides = array<i32>} : memref<5x80xi32, #tpu.memory_space<vmem>>, vector<1x16xi32>,
    %get3A_107 = arith.constant 0 : i32
    %get3A_108 = arith.constant 0 : i32
    %get3A_109 = arith.index_cast %get3A_107 : i32 to index
    %get3A_110 = arith.index_cast %get3A_108 : i32 to index
    %get3A_111 = arith.constant 32 : index
    %get3A_112 = tpu.vector_load %arg5[%get3A_109, %get3A_110, %get3A_111] {strides = array<i32>} : memref<2x3x400xi32, #tpu.memory_space<vmem>>, vector<1x1x16xi32>,
    %get3A_113 = vector.shape_cast %get3A_112 : vector<1x1x16xi32> to vector<16xi32>
    %get3A_114 = arith.constant 0 : i32
    %get3A_115 = arith.constant 1 : i32
    %get3A_116 = arith.index_cast %get3A_114 : i32 to index
    %get3A_117 = arith.index_cast %get3A_115 : i32 to index
    %get3A_118 = arith.constant 32 : index
    %get3A_119 = tpu.vector_load %arg5[%get3A_116, %get3A_117, %get3A_118] {strides = array<i32>} : memref<2x3x400xi32, #tpu.memory_space<vmem>>, vector<1x1x16xi32>,
    %get3A_120 = vector.shape_cast %get3A_119 : vector<1x1x16xi32> to vector<16xi32>
    %get3A_121 = arith.constant 0 : i32
    %get3A_122 = arith.constant 2 : i32
    %get3A_123 = arith.index_cast %get3A_121 : i32 to index
    %get3A_124 = arith.index_cast %get3A_122 : i32 to index
    %get3A_125 = arith.constant 32 : index
    %get3A_126 = tpu.vector_load %arg5[%get3A_123, %get3A_124, %get3A_125] {strides = array<i32>} : memref<2x3x400xi32, #tpu.memory_space<vmem>>, vector<1x1x16xi32>,
    %get3A_127 = vector.shape_cast %get3A_126 : vector<1x1x16xi32> to vector<16xi32>
    %mul3A_128 = arith.constant 12 : i32
    %mul3A_129 = vector.broadcast %mul3A_128 : i32 to vector<16xi32>
    %mul3A_130 = arith.muli %get3A_113, %mul3A_129 : vector<16xi32>
    %mul3A_131 = arith.constant 2 : i32
    %mul3A_132 = vector.broadcast %mul3A_131 : i32 to vector<16xi32>
    %mul3A_133 = arith.muli %get3A_120, %mul3A_132 : vector<16xi32>
    %add3A_134 = arith.addi %mul3A_130, %mul3A_133 : vector<16xi32>
    %add3A_135 = arith.addi %add3A_134, %get3A_127 : vector<16xi32>
    %swap3A_136 = arith.constant 0 : i32
    %swap3A_137 = arith.index_cast %swap3A_136 : i32 to index
    %swap3A_138 = arith.constant 32 : index
    %swap3A_139 = tpu.vector_load %arg6[%swap3A_137, %swap3A_138] {strides = array<i32>} : memref<5x80xi32, #tpu.memory_space<vmem>>, vector<1x16xi32>,
    %swap3A_140 = vector.shape_cast %swap3A_139 : vector<1x16xi32> to vector<16xi32>
    %swap3A_141 = vector.shape_cast %add3A_135 : vector<16xi32> to vector<1x16xi32>
    tpu.vector_store %arg6[%swap3A_137, %swap3A_138], %swap3A_141 {strides = array<i32>} : memref<5x80xi32, #tpu.memory_space<vmem>>, vector<1x16xi32>,
    %get3A_142 = arith.constant 0 : i32
    %get3A_143 = arith.constant 0 : i32
    %get3A_144 = arith.index_cast %get3A_142 : i32 to index
    %get3A_145 = arith.index_cast %get3A_143 : i32 to index
    %get3A_146 = arith.constant 48 : index
    %get3A_147 = tpu.vector_load %arg5[%get3A_144, %get3A_145, %get3A_146] {strides = array<i32>} : memref<2x3x400xi32, #tpu.memory_space<vmem>>, vector<1x1x16xi32>,
    %get3A_148 = vector.shape_cast %get3A_147 : vector<1x1x16xi32> to vector<16xi32>
    %get3A_149 = arith.constant 0 : i32
    %get3A_150 = arith.constant 1 : i32
    %get3A_151 = arith.index_cast %get3A_149 : i32 to index
    %get3A_152 = arith.index_cast %get3A_150 : i32 to index
    %get3A_153 = arith.constant 48 : index
    %get3A_154 = tpu.vector_load %arg5[%get3A_151, %get3A_152, %get3A_153] {strides = array<i32>} : memref<2x3x400xi32, #tpu.memory_space<vmem>>, vector<1x1x16xi32>,
    %get3A_155 = vector.shape_cast %get3A_154 : vector<1x1x16xi32> to vector<16xi32>
    %get3A_156 = arith.constant 0 : i32
    %get3A_157 = arith.constant 2 : i32
    %get3A_158 = arith.index_cast %get3A_156 : i32 to index
    %get3A_159 = arith.index_cast %get3A_157 : i32 to index
    %get3A_160 = arith.constant 48 : index
    %get3A_161 = tpu.vector_load %arg5[%get3A_158, %get3A_159, %get3A_160] {strides = array<i32>} : memref<2x3x400xi32, #tpu.memory_space<vmem>>, vector<1x1x16xi32>,
    %get3A_162 = vector.shape_cast %get3A_161 : vector<1x1x16xi32> to vector<16xi32>
    %mul3A_163 = arith.constant 12 : i32
    %mul3A_164 = vector.broadcast %mul3A_163 : i32 to vector<16xi32>
    %mul3A_165 = arith.muli %get3A_148, %mul3A_164 : vector<16xi32>
    %mul3A_166 = arith.constant 2 : i32
    %mul3A_167 = vector.broadcast %mul3A_166 : i32 to vector<16xi32>
    %mul3A_168 = arith.muli %get3A_155, %mul3A_167 : vector<16xi32>
    %add3A_169 = arith.addi %mul3A_165, %mul3A_168 : vector<16xi32>
    %add3A_170 = arith.addi %add3A_169, %get3A_162 : vector<16xi32>
    %swap3A_171 = arith.constant 0 : i32
    %swap3A_172 = arith.index_cast %swap3A_171 : i32 to index
    %swap3A_173 = arith.constant 48 : index
    %swap3A_174 = tpu.vector_load %arg6[%swap3A_172, %swap3A_173] {strides = array<i32>} : memref<5x80xi32, #tpu.memory_space<vmem>>, vector<1x16xi32>,
    %swap3A_175 = vector.shape_cast %swap3A_174 : vector<1x16xi32> to vector<16xi32>
    %swap3A_176 = vector.shape_cast %add3A_170 : vector<16xi32> to vector<1x16xi32>
    tpu.vector_store %arg6[%swap3A_172, %swap3A_173], %swap3A_176 {strides = array<i32>} : memref<5x80xi32, #tpu.memory_space<vmem>>, vector<1x16xi32>,
    %get3A_177 = arith.constant 0 : i32
    %get3A_178 = arith.constant 0 : i32
    %get3A_179 = arith.index_cast %get3A_177 : i32 to index
    %get3A_180 = arith.index_cast %get3A_178 : i32 to index
    %get3A_181 = arith.constant 64 : index
    %get3A_182 = tpu.vector_load %arg5[%get3A_179, %get3A_180, %get3A_181] {strides = array<i32>} : memref<2x3x400xi32, #tpu.memory_space<vmem>>, vector<1x1x16xi32>,
    %get3A_183 = vector.shape_cast %get3A_182 : vector<1x1x16xi32> to vector<16xi32>
    %get3A_184 = arith.constant 0 : i32
    %get3A_185 = arith.constant 1 : i32
    %get3A_186 = arith.index_cast %get3A_184 : i32 to index
    %get3A_187 = arith.index_cast %get3A_185 : i32 to index
    %get3A_188 = arith.constant 64 : index
    %get3A_189 = tpu.vector_load %arg5[%get3A_186, %get3A_187, %get3A_188] {strides = array<i32>} : memref<2x3x400xi32, #tpu.memory_space<vmem>>, vector<1x1x16xi32>,
    %get3A_190 = vector.shape_cast %get3A_189 : vector<1x1x16xi32> to vector<16xi32>
    %get3A_191 = arith.constant 0 : i32
    %get3A_192 = arith.constant 2 : i32
    %get3A_193 = arith.index_cast %get3A_191 : i32 to index
    %get3A_194 = arith.index_cast %get3A_192 : i32 to index
    %get3A_195 = arith.constant 64 : index
    %get3A_196 = tpu.vector_load %arg5[%get3A_193, %get3A_194, %get3A_195] {strides = array<i32>} : memref<2x3x400xi32, #tpu.memory_space<vmem>>, vector<1x1x16xi32>,
    %get3A_197 = vector.shape_cast %get3A_196 : vector<1x1x16xi32> to vector<16xi32>
    %mul3A_198 = arith.constant 12 : i32
    %mul3A_199 = vector.broadcast %mul3A_198 : i32 to vector<16xi32>
    %mul3A_200 = arith.muli %get3A_183, %mul3A_199 : vector<16xi32>
    %mul3A_201 = arith.constant 2 : i32
    %mul3A_202 = vector.broadcast %mul3A_201 : i32 to vector<16xi32>
    %mul3A_203 = arith.muli %get3A_190, %mul3A_202 : vector<16xi32>
    %add3A_204 = arith.addi %mul3A_200, %mul3A_203 : vector<16xi32>
    %add3A_205 = arith.addi %add3A_204, %get3A_197 : vector<16xi32>
    %swap3A_206 = arith.constant 0 : i32
    %swap3A_207 = arith.index_cast %swap3A_206 : i32 to index
    %swap3A_208 = arith.constant 64 : index
    %swap3A_209 = tpu.vector_load %arg6[%swap3A_207, %swap3A_208] {strides = array<i32>} : memref<5x80xi32, #tpu.memory_space<vmem>>, vector<1x16xi32>,
    %swap3A_210 = vector.shape_cast %swap3A_209 : vector<1x16xi32> to vector<16xi32>
    %swap3A_211 = vector.shape_cast %add3A_205 : vector<16xi32> to vector<1x16xi32>
    tpu.vector_store %arg6[%swap3A_207, %swap3A_208], %swap3A_211 {strides = array<i32>} : memref<5x80xi32, #tpu.memory_space<vmem>>, vector<1x16xi32>,
    %get3A_212 = arith.constant 0 : i32
    %get3A_213 = arith.constant 0 : i32
    %get3A_214 = arith.index_cast %get3A_212 : i32 to index
    %get3A_215 = arith.index_cast %get3A_213 : i32 to index
    %get3A_216 = arith.constant 80 : index
    %get3A_217 = tpu.vector_load %arg5[%get3A_214, %get3A_215, %get3A_216] {strides = array<i32>} : memref<2x3x400xi32, #tpu.memory_space<vmem>>, vector<1x1x16xi32>,
    %get3A_218 = vector.shape_cast %get3A_217 : vector<1x1x16xi32> to vector<16xi32>
    %get3A_219 = arith.constant 0 : i32
    %get3A_220 = arith.constant 1 : i32
    %get3A_221 = arith.index_cast %get3A_219 : i32 to index
    %get3A_222 = arith.index_cast %get3A_220 : i32 to index
    %get3A_223 = arith.constant 80 : index
    %get3A_224 = tpu.vector_load %arg5[%get3A_221, %get3A_222, %get3A_223] {strides = array<i32>} : memref<2x3x400xi32, #tpu.memory_space<vmem>>, vector<1x1x16xi32>,
    %get3A_225 = vector.shape_cast %get3A_224 : vector<1x1x16xi32> to vector<16xi32>
    %get3A_226 = arith.constant 0 : i32
    %get3A_227 = arith.constant 2 : i32
    %get3A_228 = arith.index_cast %get3A_226 : i32 to index
    %get3A_229 = arith.index_cast %get3A_227 : i32 to index
    %get3A_230 = arith.constant 80 : index
    %get3A_231 = tpu.vector_load %arg5[%get3A_228, %get3A_229, %get3A_230] {strides = array<i32>} : memref<2x3x400xi32, #tpu.memory_space<vmem>>, vector<1x1x16xi32>,
    %get3A_232 = vector.shape_cast %get3A_231 : vector<1x1x16xi32> to vector<16xi32>
    %mul3A_233 = arith.constant 12 : i32
    %mul3A_234 = vector.broadcast %mul3A_233 : i32 to vector<16xi32>
    %mul3A_235 = arith.muli %get3A_218, %mul3A_234 : vector<16xi32>
    %mul3A_236 = arith.constant 2 : i32
    %mul3A_237 = vector.broadcast %mul3A_236 : i32 to vector<16xi32>
    %mul3A_238 = arith.muli %get3A_225, %mul3A_237 : vector<16xi32>
    %add3A_239 = arith.addi %mul3A_235, %mul3A_238 : vector<16xi32>
    %add3A_240 = arith.addi %add3A_239, %get3A_232 : vector<16xi32>
    %swap3A_241 = arith.constant 1 : i32
    %swap3A_242 = arith.index_cast %swap3A_241 : i32 to index
    %swap3A_243 = arith.constant 0 : index
    %swap3A_244 = tpu.vector_load %arg6[%swap3A_242, %swap3A_243] {strides = array<i32>} : memref<5x80xi32, #tpu.memory_space<vmem>>, vector<1x16xi32>,
    %swap3A_245 = vector.shape_cast %swap3A_244 : vector<1x16xi32> to vector<16xi32>
    %swap3A_246 = vector.shape_cast %add3A_240 : vector<16xi32> to vector<1x16xi32>
    tpu.vector_store %arg6[%swap3A_242, %swap3A_243], %swap3A_246 {strides = array<i32>} : memref<5x80xi32, #tpu.memory_space<vmem>>, vector<1x16xi32>,
    %get3A_247 = arith.constant 0 : i32
    %get3A_248 = arith.constant 0 : i32
    %get3A_249 = arith.index_cast %get3A_247 : i32 to index
    %get3A_250 = arith.index_cast %get3A_248 : i32 to index
    %get3A_251 = arith.constant 96 : index
    %get3A_252 = tpu.vector_load %arg5[%get3A_249, %get3A_250, %get3A_251] {strides = array<i32>} : memref<2x3x400xi32, #tpu.memory_space<vmem>>, vector<1x1x16xi32>,
    %get3A_253 = vector.shape_cast %get3A_252 : vector<1x1x16xi32> to vector<16xi32>
    %get3A_254 = arith.constant 0 : i32
    %get3A_255 = arith.constant 1 : i32
    %get3A_256 = arith.index_cast %get3A_254 : i32 to index
    %get3A_257 = arith.index_cast %get3A_255 : i32 to index
    %get3A_258 = arith.constant 96 : index
    %get3A_259 = tpu.vector_load %arg5[%get3A_256, %get3A_257, %get3A_258] {strides = array<i32>} : memref<2x3x400xi32, #tpu.memory_space<vmem>>, vector<1x1x16xi32>,
    %get3A_260 = vector.shape_cast %get3A_259 : vector<1x1x16xi32> to vector<16xi32>
    %get3A_261 = arith.constant 0 : i32
    %get3A_262 = arith.constant 2 : i32
    %get3A_263 = arith.index_cast %get3A_261 : i32 to index
    %get3A_264 = arith.index_cast %get3A_262 : i32 to index
    %get3A_265 = arith.constant 96 : index
    %get3A_266 = tpu.vector_load %arg5[%get3A_263, %get3A_264, %get3A_265] {strides = array<i32>} : memref<2x3x400xi32, #tpu.memory_space<vmem>>, vector<1x1x16xi32>,
    %get3A_267 = vector.shape_cast %get3A_266 : vector<1x1x16xi32> to vector<16xi32>
    %mul3A_268 = arith.constant 12 : i32
    %mul3A_269 = vector.broadcast %mul3A_268 : i32 to vector<16xi32>
    %mul3A_270 = arith.muli %get3A_253, %mul3A_269 : vector<16xi32>
    %mul3A_271 = arith.constant 2 : i32
    %mul3A_272 = vector.broadcast %mul3A_271 : i32 to vector<16xi32>
    %mul3A_273 = arith.muli %get3A_260, %mul3A_272 : vector<16xi32>
    %add3A_274 = arith.addi %mul3A_270, %mul3A_273 : vector<16xi32>
    %add3A_275 = arith.addi %add3A_274, %get3A_267 : vector<16xi32>
    %swap3A_276 = arith.constant 1 : i32
    %swap3A_277 = arith.index_cast %swap3A_276 : i32 to index
    %swap3A_278 = arith.constant 16 : index
    %swap3A_279 = tpu.vector_load %arg6[%swap3A_277, %swap3A_278] {strides = array<i32>} : memref<5x80xi32, #tpu.memory_space<vmem>>, vector<1x16xi32>,
    %swap3A_280 = vector.shape_cast %swap3A_279 : vector<1x16xi32> to vector<16xi32>
    %swap3A_281 = vector.shape_cast %add3A_275 : vector<16xi32> to vector<1x16xi32>
    tpu.vector_store %arg6[%swap3A_277, %swap3A_278], %swap3A_281 {strides = array<i32>} : memref<5x80xi32, #tpu.memory_space<vmem>>, vector<1x16xi32>,
    %get3A_282 = arith.constant 0 : i32
    %get3A_283 = arith.constant 0 : i32
    %get3A_284 = arith.index_cast %get3A_282 : i32 to index
    %get3A_285 = arith.index_cast %get3A_283 : i32 to index
    %get3A_286 = arith.constant 112 : index
    %get3A_287 = tpu.vector_load %arg5[%get3A_284, %get3A_285, %get3A_286] {strides = array<i32>} : memref<2x3x400xi32, #tpu.memory_space<vmem>>, vector<1x1x16xi32>,
    %get3A_288 = vector.shape_cast %get3A_287 : vector<1x1x16xi32> to vector<16xi32>
    %get3A_289 = arith.constant 0 : i32
    %get3A_290 = arith.constant 1 : i32
    %get3A_291 = arith.index_cast %get3A_289 : i32 to index
    %get3A_292 = arith.index_cast %get3A_290 : i32 to index
    %get3A_293 = arith.constant 112 : index
    %get3A_294 = tpu.vector_load %arg5[%get3A_291, %get3A_292, %get3A_293] {strides = array<i32>} : memref<2x3x400xi32, #tpu.memory_space<vmem>>, vector<1x1x16xi32>,
    %get3A_295 = vector.shape_cast %get3A_294 : vector<1x1x16xi32> to vector<16xi32>
    %get3A_296 = arith.constant 0 : i32
    %get3A_297 = arith.constant 2 : i32
    %get3A_298 = arith.index_cast %get3A_296 : i32 to index
    %get3A_299 = arith.index_cast %get3A_297 : i32 to index
    %get3A_300 = arith.constant 112 : index
    %get3A_301 = tpu.vector_load %arg5[%get3A_298, %get3A_299, %get3A_300] {strides = array<i32>} : memref<2x3x400xi32, #tpu.memory_space<vmem>>, vector<1x1x16xi32>,
    %get3A_302 = vector.shape_cast %get3A_301 : vector<1x1x16xi32> to vector<16xi32>
    %mul3A_303 = arith.constant 12 : i32
    %mul3A_304 = vector.broadcast %mul3A_303 : i32 to vector<16xi32>
    %mul3A_305 = arith.muli %get3A_288, %mul3A_304 : vector<16xi32>
    %mul3A_306 = arith.constant 2 : i32
    %mul3A_307 = vector.broadcast %mul3A_306 : i32 to vector<16xi32>
    %mul3A_308 = arith.muli %get3A_295, %mul3A_307 : vector<16xi32>
    %add3A_309 = arith.addi %mul3A_305, %mul3A_308 : vector<16xi32>
    %add3A_310 = arith.addi %add3A_309, %get3A_302 : vector<16xi32>
    %swap3A_311 = arith.constant 1 : i32
    %swap3A_312 = arith.index_cast %swap3A_311 : i32 to index
    %swap3A_313 = arith.constant 32 : index
    %swap3A_314 = tpu.vector_load %arg6[%swap3A_312, %swap3A_313] {strides = array<i32>} : memref<5x80xi32, #tpu.memory_space<vmem>>, vector<1x16xi32>,
    %swap3A_315 = vector.shape_cast %swap3A_314 : vector<1x16xi32> to vector<16xi32>
    %swap3A_316 = vector.shape_cast %add3A_310 : vector<16xi32> to vector<1x16xi32>
    tpu.vector_store %arg6[%swap3A_312, %swap3A_313], %swap3A_316 {strides = array<i32>} : memref<5x80xi32, #tpu.memory_space<vmem>>, vector<1x16xi32>,
    %get3A_317 = arith.constant 0 : i32
    %get3A_318 = arith.constant 0 : i32
    %get3A_319 = arith.index_cast %get3A_317 : i32 to index
    %get3A_320 = arith.index_cast %get3A_318 : i32 to index
    %get3A_321 = arith.constant 128 : index
    %get3A_322 = tpu.vector_load %arg5[%get3A_319, %get3A_320, %get3A_321] {strides = array<i32>} : memref<2x3x400xi32, #tpu.memory_space<vmem>>, vector<1x1x16xi32>,
    %get3A_323 = vector.shape_cast %get3A_322 : vector<1x1x16xi32> to vector<16xi32>
    %get3A_324 = arith.constant 0 : i32
    %get3A_325 = arith.constant 1 : i32
    %get3A_326 = arith.index_cast %get3A_324 : i32 to index
    %get3A_327 = arith.index_cast %get3A_325 : i32 to index
    %get3A_328 = arith.constant 128 : index
    %get3A_329 = tpu.vector_load %arg5[%get3A_326, %get3A_327, %get3A_328] {strides = array<i32>} : memref<2x3x400xi32, #tpu.memory_space<vmem>>, vector<1x1x16xi32>,
    %get3A_330 = vector.shape_cast %get3A_329 : vector<1x1x16xi32> to vector<16xi32>
    %get3A_331 = arith.constant 0 : i32
    %get3A_332 = arith.constant 2 : i32
    %get3A_333 = arith.index_cast %get3A_331 : i32 to index
    %get3A_334 = arith.index_cast %get3A_332 : i32 to index
    %get3A_335 = arith.constant 128 : index
    %get3A_336 = tpu.vector_load %arg5[%get3A_333, %get3A_334, %get3A_335] {strides = array<i32>} : memref<2x3x400xi32, #tpu.memory_space<vmem>>, vector<1x1x16xi32>,
    %get3A_337 = vector.shape_cast %get3A_336 : vector<1x1x16xi32> to vector<16xi32>
    %mul3A_338 = arith.constant 12 : i32
    %mul3A_339 = vector.broadcast %mul3A_338 : i32 to vector<16xi32>
    %mul3A_340 = arith.muli %get3A_323, %mul3A_339 : vector<16xi32>
    %mul3A_341 = arith.constant 2 : i32
    %mul3A_342 = vector.broadcast %mul3A_341 : i32 to vector<16xi32>
    %mul3A_343 = arith.muli %get3A_330, %mul3A_342 : vector<16xi32>
    %add3A_344 = arith.addi %mul3A_340, %mul3A_343 : vector<16xi32>
    %add3A_345 = arith.addi %add3A_344, %get3A_337 : vector<16xi32>
    %swap3A_346 = arith.constant 1 : i32
    %swap3A_347 = arith.index_cast %swap3A_346 : i32 to index
    %swap3A_348 = arith.constant 48 : index
    %swap3A_349 = tpu.vector_load %arg6[%swap3A_347, %swap3A_348] {strides = array<i32>} : memref<5x80xi32, #tpu.memory_space<vmem>>, vector<1x16xi32>,
    %swap3A_350 = vector.shape_cast %swap3A_349 : vector<1x16xi32> to vector<16xi32>
    %swap3A_351 = vector.shape_cast %add3A_345 : vector<16xi32> to vector<1x16xi32>
    tpu.vector_store %arg6[%swap3A_347, %swap3A_348], %swap3A_351 {strides = array<i32>} : memref<5x80xi32, #tpu.memory_space<vmem>>, vector<1x16xi32>,
    %get3A_352 = arith.constant 0 : i32
    %get3A_353 = arith.constant 0 : i32
    %get3A_354 = arith.index_cast %get3A_352 : i32 to index
    %get3A_355 = arith.index_cast %get3A_353 : i32 to index
    %get3A_356 = arith.constant 144 : index
    %get3A_357 = tpu.vector_load %arg5[%get3A_354, %get3A_355, %get3A_356] {strides = array<i32>} : memref<2x3x400xi32, #tpu.memory_space<vmem>>, vector<1x1x16xi32>,
    %get3A_358 = vector.shape_cast %get3A_357 : vector<1x1x16xi32> to vector<16xi32>
    %get3A_359 = arith.constant 0 : i32
    %get3A_360 = arith.constant 1 : i32
    %get3A_361 = arith.index_cast %get3A_359 : i32 to index
    %get3A_362 = arith.index_cast %get3A_360 : i32 to index
    %get3A_363 = arith.constant 144 : index
    %get3A_364 = tpu.vector_load %arg5[%get3A_361, %get3A_362, %get3A_363] {strides = array<i32>} : memref<2x3x400xi32, #tpu.memory_space<vmem>>, vector<1x1x16xi32>,
    %get3A_365 = vector.shape_cast %get3A_364 : vector<1x1x16xi32> to vector<16xi32>
    %get3A_366 = arith.constant 0 : i32
    %get3A_367 = arith.constant 2 : i32
    %get3A_368 = arith.index_cast %get3A_366 : i32 to index
    %get3A_369 = arith.index_cast %get3A_367 : i32 to index
    %get3A_370 = arith.constant 144 : index
    %get3A_371 = tpu.vector_load %arg5[%get3A_368, %get3A_369, %get3A_370] {strides = array<i32>} : memref<2x3x400xi32, #tpu.memory_space<vmem>>, vector<1x1x16xi32>,
    %get3A_372 = vector.shape_cast %get3A_371 : vector<1x1x16xi32> to vector<16xi32>
    %mul3A_373 = arith.constant 12 : i32
    %mul3A_374 = vector.broadcast %mul3A_373 : i32 to vector<16xi32>
    %mul3A_375 = arith.muli %get3A_358, %mul3A_374 : vector<16xi32>
    %mul3A_376 = arith.constant 2 : i32
    %mul3A_377 = vector.broadcast %mul3A_376 : i32 to vector<16xi32>
    %mul3A_378 = arith.muli %get3A_365, %mul3A_377 : vector<16xi32>
    %add3A_379 = arith.addi %mul3A_375, %mul3A_378 : vector<16xi32>
    %add3A_380 = arith.addi %add3A_379, %get3A_372 : vector<16xi32>
    %swap3A_381 = arith.constant 1 : i32
    %swap3A_382 = arith.index_cast %swap3A_381 : i32 to index
    %swap3A_383 = arith.constant 64 : index
    %swap3A_384 = tpu.vector_load %arg6[%swap3A_382, %swap3A_383] {strides = array<i32>} : memref<5x80xi32, #tpu.memory_space<vmem>>, vector<1x16xi32>,
    %swap3A_385 = vector.shape_cast %swap3A_384 : vector<1x16xi32> to vector<16xi32>
    %swap3A_386 = vector.shape_cast %add3A_380 : vector<16xi32> to vector<1x16xi32>
    tpu.vector_store %arg6[%swap3A_382, %swap3A_383], %swap3A_386 {strides = array<i32>} : memref<5x80xi32, #tpu.memory_space<vmem>>, vector<1x16xi32>,
    %get3A_387 = arith.constant 0 : i32
    %get3A_388 = arith.constant 0 : i32
    %get3A_389 = arith.index_cast %get3A_387 : i32 to index
    %get3A_390 = arith.index_cast %get3A_388 : i32 to index
    %get3A_391 = arith.constant 160 : index
    %get3A_392 = tpu.vector_load %arg5[%get3A_389, %get3A_390, %get3A_391] {strides = array<i32>} : memref<2x3x400xi32, #tpu.memory_space<vmem>>, vector<1x1x16xi32>,
    %get3A_393 = vector.shape_cast %get3A_392 : vector<1x1x16xi32> to vector<16xi32>
    %get3A_394 = arith.constant 0 : i32
    %get3A_395 = arith.constant 1 : i32
    %get3A_396 = arith.index_cast %get3A_394 : i32 to index
    %get3A_397 = arith.index_cast %get3A_395 : i32 to index
    %get3A_398 = arith.constant 160 : index
    %get3A_399 = tpu.vector_load %arg5[%get3A_396, %get3A_397, %get3A_398] {strides = array<i32>} : memref<2x3x400xi32, #tpu.memory_space<vmem>>, vector<1x1x16xi32>,
    %get3A_400 = vector.shape_cast %get3A_399 : vector<1x1x16xi32> to vector<16xi32>
    %get3A_401 = arith.constant 0 : i32
    %get3A_402 = arith.constant 2 : i32
    %get3A_403 = arith.index_cast %get3A_401 : i32 to index
    %get3A_404 = arith.index_cast %get3A_402 : i32 to index
    %get3A_405 = arith.constant 160 : index
    %get3A_406 = tpu.vector_load %arg5[%get3A_403, %get3A_404, %get3A_405] {strides = array<i32>} : memref<2x3x400xi32, #tpu.memory_space<vmem>>, vector<1x1x16xi32>,
    %get3A_407 = vector.shape_cast %get3A_406 : vector<1x1x16xi32> to vector<16xi32>
    %mul3A_408 = arith.constant 12 : i32
    %mul3A_409 = vector.broadcast %mul3A_408 : i32 to vector<16xi32>
    %mul3A_410 = arith.muli %get3A_393, %mul3A_409 : vector<16xi32>
    %mul3A_411 = arith.constant 2 : i32
    %mul3A_412 = vector.broadcast %mul3A_411 : i32 to vector<16xi32>
    %mul3A_413 = arith.muli %get3A_400, %mul3A_412 : vector<16xi32>
    %add3A_414 = arith.addi %mul3A_410, %mul3A_413 : vector<16xi32>
    %add3A_415 = arith.addi %add3A_414, %get3A_407 : vector<16xi32>
    %swap3A_416 = arith.constant 2 : i32
    %swap3A_417 = arith.index_cast %swap3A_416 : i32 to index
    %swap3A_418 = arith.constant 0 : index
    %swap3A_419 = tpu.vector_load %arg6[%swap3A_417, %swap3A_418] {strides = array<i32>} : memref<5x80xi32, #tpu.memory_space<vmem>>, vector<1x16xi32>,
    %swap3A_420 = vector.shape_cast %swap3A_419 : vector<1x16xi32> to vector<16xi32>
    %swap3A_421 = vector.shape_cast %add3A_415 : vector<16xi32> to vector<1x16xi32>
    tpu.vector_store %arg6[%swap3A_417, %swap3A_418], %swap3A_421 {strides = array<i32>} : memref<5x80xi32, #tpu.memory_space<vmem>>, vector<1x16xi32>,
    %get3A_422 = arith.constant 0 : i32
    %get3A_423 = arith.constant 0 : i32
    %get3A_424 = arith.index_cast %get3A_422 : i32 to index
    %get3A_425 = arith.index_cast %get3A_423 : i32 to index
    %get3A_426 = arith.constant 176 : index
    %get3A_427 = tpu.vector_load %arg5[%get3A_424, %get3A_425, %get3A_426] {strides = array<i32>} : memref<2x3x400xi32, #tpu.memory_space<vmem>>, vector<1x1x16xi32>,
    %get3A_428 = vector.shape_cast %get3A_427 : vector<1x1x16xi32> to vector<16xi32>
    %get3A_429 = arith.constant 0 : i32
    %get3A_430 = arith.constant 1 : i32
    %get3A_431 = arith.index_cast %get3A_429 : i32 to index
    %get3A_432 = arith.index_cast %get3A_430 : i32 to index
    %get3A_433 = arith.constant 176 : index
    %get3A_434 = tpu.vector_load %arg5[%get3A_431, %get3A_432, %get3A_433] {strides = array<i32>} : memref<2x3x400xi32, #tpu.memory_space<vmem>>, vector<1x1x16xi32>,
    %get3A_435 = vector.shape_cast %get3A_434 : vector<1x1x16xi32> to vector<16xi32>
    %get3A_436 = arith.constant 0 : i32
    %get3A_437 = arith.constant 2 : i32
    %get3A_438 = arith.index_cast %get3A_436 : i32 to index
    %get3A_439 = arith.index_cast %get3A_437 : i32 to index
    %get3A_440 = arith.constant 176 : index
    %get3A_441 = tpu.vector_load %arg5[%get3A_438, %get3A_439, %get3A_440] {strides = array<i32>} : memref<2x3x400xi32, #tpu.memory_space<vmem>>, vector<1x1x16xi32>,
    %get3A_442 = vector.shape_cast %get3A_441 : vector<1x1x16xi32> to vector<16xi32>
    %mul3A_443 = arith.constant 12 : i32
    %mul3A_444 = vector.broadcast %mul3A_443 : i32 to vector<16xi32>
    %mul3A_445 = arith.muli %get3A_428, %mul3A_444 : vector<16xi32>
    %mul3A_446 = arith.constant 2 : i32
    %mul3A_447 = vector.broadcast %mul3A_446 : i32 to vector<16xi32>
    %mul3A_448 = arith.muli %get3A_435, %mul3A_447 : vector<16xi32>
    %add3A_449 = arith.addi %mul3A_445, %mul3A_448 : vector<16xi32>
    %add3A_450 = arith.addi %add3A_449, %get3A_442 : vector<16xi32>
    %swap3A_451 = arith.constant 2 : i32
    %swap3A_452 = arith.index_cast %swap3A_451 : i32 to index
    %swap3A_453 = arith.constant 16 : index
    %swap3A_454 = tpu.vector_load %arg6[%swap3A_452, %swap3A_453] {strides = array<i32>} : memref<5x80xi32, #tpu.memory_space<vmem>>, vector<1x16xi32>,
    %swap3A_455 = vector.shape_cast %swap3A_454 : vector<1x16xi32> to vector<16xi32>
    %swap3A_456 = vector.shape_cast %add3A_450 : vector<16xi32> to vector<1x16xi32>
    tpu.vector_store %arg6[%swap3A_452, %swap3A_453], %swap3A_456 {strides = array<i32>} : memref<5x80xi32, #tpu.memory_space<vmem>>, vector<1x16xi32>,
    %get3A_457 = arith.constant 0 : i32
    %get3A_458 = arith.constant 0 : i32
    %get3A_459 = arith.index_cast %get3A_457 : i32 to index
    %get3A_460 = arith.index_cast %get3A_458 : i32 to index
    %get3A_461 = arith.constant 192 : index
    %get3A_462 = tpu.vector_load %arg5[%get3A_459, %get3A_460, %get3A_461] {strides = array<i32>} : memref<2x3x400xi32, #tpu.memory_space<vmem>>, vector<1x1x16xi32>,
    %get3A_463 = vector.shape_cast %get3A_462 : vector<1x1x16xi32> to vector<16xi32>
    %get3A_464 = arith.constant 0 : i32
    %get3A_465 = arith.constant 1 : i32
    %get3A_466 = arith.index_cast %get3A_464 : i32 to index
    %get3A_467 = arith.index_cast %get3A_465 : i32 to index
    %get3A_468 = arith.constant 192 : index
    %get3A_469 = tpu.vector_load %arg5[%get3A_466, %get3A_467, %get3A_468] {strides = array<i32>} : memref<2x3x400xi32, #tpu.memory_space<vmem>>, vector<1x1x16xi32>,
    %get3A_470 = vector.shape_cast %get3A_469 : vector<1x1x16xi32> to vector<16xi32>
    %get3A_471 = arith.constant 0 : i32
    %get3A_472 = arith.constant 2 : i32
    %get3A_473 = arith.index_cast %get3A_471 : i32 to index
    %get3A_474 = arith.index_cast %get3A_472 : i32 to index
    %get3A_475 = arith.constant 192 : index
    %get3A_476 = tpu.vector_load %arg5[%get3A_473, %get3A_474, %get3A_475] {strides = array<i32>} : memref<2x3x400xi32, #tpu.memory_space<vmem>>, vector<1x1x16xi32>,
    %get3A_477 = vector.shape_cast %get3A_476 : vector<1x1x16xi32> to vector<16xi32>
    %mul3A_478 = arith.constant 12 : i32
    %mul3A_479 = vector.broadcast %mul3A_478 : i32 to vector<16xi32>
    %mul3A_480 = arith.muli %get3A_463, %mul3A_479 : vector<16xi32>
    %mul3A_481 = arith.constant 2 : i32
    %mul3A_482 = vector.broadcast %mul3A_481 : i32 to vector<16xi32>
    %mul3A_483 = arith.muli %get3A_470, %mul3A_482 : vector<16xi32>
    %add3A_484 = arith.addi %mul3A_480, %mul3A_483 : vector<16xi32>
    %add3A_485 = arith.addi %add3A_484, %get3A_477 : vector<16xi32>
    %swap3A_486 = arith.constant 2 : i32
    %swap3A_487 = arith.index_cast %swap3A_486 : i32 to index
    %swap3A_488 = arith.constant 32 : index
    %swap3A_489 = tpu.vector_load %arg6[%swap3A_487, %swap3A_488] {strides = array<i32>} : memref<5x80xi32, #tpu.memory_space<vmem>>, vector<1x16xi32>,
    %swap3A_490 = vector.shape_cast %swap3A_489 : vector<1x16xi32> to vector<16xi32>
    %swap3A_491 = vector.shape_cast %add3A_485 : vector<16xi32> to vector<1x16xi32>
    tpu.vector_store %arg6[%swap3A_487, %swap3A_488], %swap3A_491 {strides = array<i32>} : memref<5x80xi32, #tpu.memory_space<vmem>>, vector<1x16xi32>,
    %get3A_492 = arith.constant 0 : i32
    %get3A_493 = arith.constant 0 : i32
    %get3A_494 = arith.index_cast %get3A_492 : i32 to index
    %get3A_495 = arith.index_cast %get3A_493 : i32 to index
    %get3A_496 = arith.constant 208 : index
    %get3A_497 = tpu.vector_load %arg5[%get3A_494, %get3A_495, %get3A_496] {strides = array<i32>} : memref<2x3x400xi32, #tpu.memory_space<vmem>>, vector<1x1x16xi32>,
    %get3A_498 = vector.shape_cast %get3A_497 : vector<1x1x16xi32> to vector<16xi32>
    %get3A_499 = arith.constant 0 : i32
    %get3A_500 = arith.constant 1 : i32
    %get3A_501 = arith.index_cast %get3A_499 : i32 to index
    %get3A_502 = arith.index_cast %get3A_500 : i32 to index
    %get3A_503 = arith.constant 208 : index
    %get3A_504 = tpu.vector_load %arg5[%get3A_501, %get3A_502, %get3A_503] {strides = array<i32>} : memref<2x3x400xi32, #tpu.memory_space<vmem>>, vector<1x1x16xi32>,
    %get3A_505 = vector.shape_cast %get3A_504 : vector<1x1x16xi32> to vector<16xi32>
    %get3A_506 = arith.constant 0 : i32
    %get3A_507 = arith.constant 2 : i32
    %get3A_508 = arith.index_cast %get3A_506 : i32 to index
    %get3A_509 = arith.index_cast %get3A_507 : i32 to index
    %get3A_510 = arith.constant 208 : index
    %get3A_511 = tpu.vector_load %arg5[%get3A_508, %get3A_509, %get3A_510] {strides = array<i32>} : memref<2x3x400xi32, #tpu.memory_space<vmem>>, vector<1x1x16xi32>,
    %get3A_512 = vector.shape_cast %get3A_511 : vector<1x1x16xi32> to vector<16xi32>
    %mul3A_513 = arith.constant 12 : i32
    %mul3A_514 = vector.broadcast %mul3A_513 : i32 to vector<16xi32>
    %mul3A_515 = arith.muli %get3A_498, %mul3A_514 : vector<16xi32>
    %mul3A_516 = arith.constant 2 : i32
    %mul3A_517 = vector.broadcast %mul3A_516 : i32 to vector<16xi32>
    %mul3A_518 = arith.muli %get3A_505, %mul3A_517 : vector<16xi32>
    %add3A_519 = arith.addi %mul3A_515, %mul3A_518 : vector<16xi32>
    %add3A_520 = arith.addi %add3A_519, %get3A_512 : vector<16xi32>
    %swap3A_521 = arith.constant 2 : i32
    %swap3A_522 = arith.index_cast %swap3A_521 : i32 to index
    %swap3A_523 = arith.constant 48 : index
    %swap3A_524 = tpu.vector_load %arg6[%swap3A_522, %swap3A_523] {strides = array<i32>} : memref<5x80xi32, #tpu.memory_space<vmem>>, vector<1x16xi32>,
    %swap3A_525 = vector.shape_cast %swap3A_524 : vector<1x16xi32> to vector<16xi32>
    %swap3A_526 = vector.shape_cast %add3A_520 : vector<16xi32> to vector<1x16xi32>
    tpu.vector_store %arg6[%swap3A_522, %swap3A_523], %swap3A_526 {strides = array<i32>} : memref<5x80xi32, #tpu.memory_space<vmem>>, vector<1x16xi32>,
    %get3A_527 = arith.constant 0 : i32
    %get3A_528 = arith.constant 0 : i32
    %get3A_529 = arith.index_cast %get3A_527 : i32 to index
    %get3A_530 = arith.index_cast %get3A_528 : i32 to index
    %get3A_531 = arith.constant 224 : index
    %get3A_532 = tpu.vector_load %arg5[%get3A_529, %get3A_530, %get3A_531] {strides = array<i32>} : memref<2x3x400xi32, #tpu.memory_space<vmem>>, vector<1x1x16xi32>,
    %get3A_533 = vector.shape_cast %get3A_532 : vector<1x1x16xi32> to vector<16xi32>
    %get3A_534 = arith.constant 0 : i32
    %get3A_535 = arith.constant 1 : i32
    %get3A_536 = arith.index_cast %get3A_534 : i32 to index
    %get3A_537 = arith.index_cast %get3A_535 : i32 to index
    %get3A_538 = arith.constant 224 : index
    %get3A_539 = tpu.vector_load %arg5[%get3A_536, %get3A_537, %get3A_538] {strides = array<i32>} : memref<2x3x400xi32, #tpu.memory_space<vmem>>, vector<1x1x16xi32>,
    %get3A_540 = vector.shape_cast %get3A_539 : vector<1x1x16xi32> to vector<16xi32>
    %get3A_541 = arith.constant 0 : i32
    %get3A_542 = arith.constant 2 : i32
    %get3A_543 = arith.index_cast %get3A_541 : i32 to index
    %get3A_544 = arith.index_cast %get3A_542 : i32 to index
    %get3A_545 = arith.constant 224 : index
    %get3A_546 = tpu.vector_load %arg5[%get3A_543, %get3A_544, %get3A_545] {strides = array<i32>} : memref<2x3x400xi32, #tpu.memory_space<vmem>>, vector<1x1x16xi32>,
    %get3A_547 = vector.shape_cast %get3A_546 : vector<1x1x16xi32> to vector<16xi32>
    %mul3A_548 = arith.constant 12 : i32
    %mul3A_549 = vector.broadcast %mul3A_548 : i32 to vector<16xi32>
    %mul3A_550 = arith.muli %get3A_533, %mul3A_549 : vector<16xi32>
    %mul3A_551 = arith.constant 2 : i32
    %mul3A_552 = vector.broadcast %mul3A_551 : i32 to vector<16xi32>
    %mul3A_553 = arith.muli %get3A_540, %mul3A_552 : vector<16xi32>
    %add3A_554 = arith.addi %mul3A_550, %mul3A_553 : vector<16xi32>
    %add3A_555 = arith.addi %add3A_554, %get3A_547 : vector<16xi32>
    %swap3A_556 = arith.constant 2 : i32
    %swap3A_557 = arith.index_cast %swap3A_556 : i32 to index
    %swap3A_558 = arith.constant 64 : index
    %swap3A_559 = tpu.vector_load %arg6[%swap3A_557, %swap3A_558] {strides = array<i32>} : memref<5x80xi32, #tpu.memory_space<vmem>>, vector<1x16xi32>,
    %swap3A_560 = vector.shape_cast %swap3A_559 : vector<1x16xi32> to vector<16xi32>
    %swap3A_561 = vector.shape_cast %add3A_555 : vector<16xi32> to vector<1x16xi32>
    tpu.vector_store %arg6[%swap3A_557, %swap3A_558], %swap3A_561 {strides = array<i32>} : memref<5x80xi32, #tpu.memory_space<vmem>>, vector<1x16xi32>,
    %get3A_562 = arith.constant 0 : i32
    %get3A_563 = arith.constant 0 : i32
    %get3A_564 = arith.index_cast %get3A_562 : i32 to index
    %get3A_565 = arith.index_cast %get3A_563 : i32 to index
    %get3A_566 = arith.constant 240 : index
    %get3A_567 = tpu.vector_load %arg5[%get3A_564, %get3A_565, %get3A_566] {strides = array<i32>} : memref<2x3x400xi32, #tpu.memory_space<vmem>>, vector<1x1x16xi32>,
    %get3A_568 = vector.shape_cast %get3A_567 : vector<1x1x16xi32> to vector<16xi32>
    %get3A_569 = arith.constant 0 : i32
    %get3A_570 = arith.constant 1 : i32
    %get3A_571 = arith.index_cast %get3A_569 : i32 to index
    %get3A_572 = arith.index_cast %get3A_570 : i32 to index
    %get3A_573 = arith.constant 240 : index
    %get3A_574 = tpu.vector_load %arg5[%get3A_571, %get3A_572, %get3A_573] {strides = array<i32>} : memref<2x3x400xi32, #tpu.memory_space<vmem>>, vector<1x1x16xi32>,
    %get3A_575 = vector.shape_cast %get3A_574 : vector<1x1x16xi32> to vector<16xi32>
    %get3A_576 = arith.constant 0 : i32
    %get3A_577 = arith.constant 2 : i32
    %get3A_578 = arith.index_cast %get3A_576 : i32 to index
    %get3A_579 = arith.index_cast %get3A_577 : i32 to index
    %get3A_580 = arith.constant 240 : index
    %get3A_581 = tpu.vector_load %arg5[%get3A_578, %get3A_579, %get3A_580] {strides = array<i32>} : memref<2x3x400xi32, #tpu.memory_space<vmem>>, vector<1x1x16xi32>,
    %get3A_582 = vector.shape_cast %get3A_581 : vector<1x1x16xi32> to vector<16xi32>
    %mul3A_583 = arith.constant 12 : i32
    %mul3A_584 = vector.broadcast %mul3A_583 : i32 to vector<16xi32>
    %mul3A_585 = arith.muli %get3A_568, %mul3A_584 : vector<16xi32>
    %mul3A_586 = arith.constant 2 : i32
    %mul3A_587 = vector.broadcast %mul3A_586 : i32 to vector<16xi32>
    %mul3A_588 = arith.muli %get3A_575, %mul3A_587 : vector<16xi32>
    %add3A_589 = arith.addi %mul3A_585, %mul3A_588 : vector<16xi32>
    %add3A_590 = arith.addi %add3A_589, %get3A_582 : vector<16xi32>
    %swap3A_591 = arith.constant 3 : i32
    %swap3A_592 = arith.index_cast %swap3A_591 : i32 to index
    %swap3A_593 = arith.constant 0 : index
    %swap3A_594 = tpu.vector_load %arg6[%swap3A_592, %swap3A_593] {strides = array<i32>} : memref<5x80xi32, #tpu.memory_space<vmem>>, vector<1x16xi32>,
    %swap3A_595 = vector.shape_cast %swap3A_594 : vector<1x16xi32> to vector<16xi32>
    %swap3A_596 = vector.shape_cast %add3A_590 : vector<16xi32> to vector<1x16xi32>
    tpu.vector_store %arg6[%swap3A_592, %swap3A_593], %swap3A_596 {strides = array<i32>} : memref<5x80xi32, #tpu.memory_space<vmem>>, vector<1x16xi32>,
    %get3A_597 = arith.constant 0 : i32
    %get3A_598 = arith.constant 0 : i32
    %get3A_599 = arith.index_cast %get3A_597 : i32 to index
    %get3A_600 = arith.index_cast %get3A_598 : i32 to index
    %get3A_601 = arith.constant 256 : index
    %get3A_602 = tpu.vector_load %arg5[%get3A_599, %get3A_600, %get3A_601] {strides = array<i32>} : memref<2x3x400xi32, #tpu.memory_space<vmem>>, vector<1x1x16xi32>,
    %get3A_603 = vector.shape_cast %get3A_602 : vector<1x1x16xi32> to vector<16xi32>
    %get3A_604 = arith.constant 0 : i32
    %get3A_605 = arith.constant 1 : i32
    %get3A_606 = arith.index_cast %get3A_604 : i32 to index
    %get3A_607 = arith.index_cast %get3A_605 : i32 to index
    %get3A_608 = arith.constant 256 : index
    %get3A_609 = tpu.vector_load %arg5[%get3A_606, %get3A_607, %get3A_608] {strides = array<i32>} : memref<2x3x400xi32, #tpu.memory_space<vmem>>, vector<1x1x16xi32>,
    %get3A_610 = vector.shape_cast %get3A_609 : vector<1x1x16xi32> to vector<16xi32>
    %get3A_611 = arith.constant 0 : i32
    %get3A_612 = arith.constant 2 : i32
    %get3A_613 = arith.index_cast %get3A_611 : i32 to index
    %get3A_614 = arith.index_cast %get3A_612 : i32 to index
    %get3A_615 = arith.constant 256 : index
    %get3A_616 = tpu.vector_load %arg5[%get3A_613, %get3A_614, %get3A_615] {strides = array<i32>} : memref<2x3x400xi32, #tpu.memory_space<vmem>>, vector<1x1x16xi32>,
    %get3A_617 = vector.shape_cast %get3A_616 : vector<1x1x16xi32> to vector<16xi32>
    %mul3A_618 = arith.constant 12 : i32
    %mul3A_619 = vector.broadcast %mul3A_618 : i32 to vector<16xi32>
    %mul3A_620 = arith.muli %get3A_603, %mul3A_619 : vector<16xi32>
    %mul3A_621 = arith.constant 2 : i32
    %mul3A_622 = vector.broadcast %mul3A_621 : i32 to vector<16xi32>
    %mul3A_623 = arith.muli %get3A_610, %mul3A_622 : vector<16xi32>
    %add3A_624 = arith.addi %mul3A_620, %mul3A_623 : vector<16xi32>
    %add3A_625 = arith.addi %add3A_624, %get3A_617 : vector<16xi32>
    %swap3A_626 = arith.constant 3 : i32
    %swap3A_627 = arith.index_cast %swap3A_626 : i32 to index
    %swap3A_628 = arith.constant 16 : index
    %swap3A_629 = tpu.vector_load %arg6[%swap3A_627, %swap3A_628] {strides = array<i32>} : memref<5x80xi32, #tpu.memory_space<vmem>>, vector<1x16xi32>,
    %swap3A_630 = vector.shape_cast %swap3A_629 : vector<1x16xi32> to vector<16xi32>
    %swap3A_631 = vector.shape_cast %add3A_625 : vector<16xi32> to vector<1x16xi32>
    tpu.vector_store %arg6[%swap3A_627, %swap3A_628], %swap3A_631 {strides = array<i32>} : memref<5x80xi32, #tpu.memory_space<vmem>>, vector<1x16xi32>,
    %get3A_632 = arith.constant 0 : i32
    %get3A_633 = arith.constant 0 : i32
    %get3A_634 = arith.index_cast %get3A_632 : i32 to index
    %get3A_635 = arith.index_cast %get3A_633 : i32 to index
    %get3A_636 = arith.constant 272 : index
    %get3A_637 = tpu.vector_load %arg5[%get3A_634, %get3A_635, %get3A_636] {strides = array<i32>} : memref<2x3x400xi32, #tpu.memory_space<vmem>>, vector<1x1x16xi32>,
    %get3A_638 = vector.shape_cast %get3A_637 : vector<1x1x16xi32> to vector<16xi32>
    %get3A_639 = arith.constant 0 : i32
    %get3A_640 = arith.constant 1 : i32
    %get3A_641 = arith.index_cast %get3A_639 : i32 to index
    %get3A_642 = arith.index_cast %get3A_640 : i32 to index
    %get3A_643 = arith.constant 272 : index
    %get3A_644 = tpu.vector_load %arg5[%get3A_641, %get3A_642, %get3A_643] {strides = array<i32>} : memref<2x3x400xi32, #tpu.memory_space<vmem>>, vector<1x1x16xi32>,
    %get3A_645 = vector.shape_cast %get3A_644 : vector<1x1x16xi32> to vector<16xi32>
    %get3A_646 = arith.constant 0 : i32
    %get3A_647 = arith.constant 2 : i32
    %get3A_648 = arith.index_cast %get3A_646 : i32 to index
    %get3A_649 = arith.index_cast %get3A_647 : i32 to index
    %get3A_650 = arith.constant 272 : index
    %get3A_651 = tpu.vector_load %arg5[%get3A_648, %get3A_649, %get3A_650] {strides = array<i32>} : memref<2x3x400xi32, #tpu.memory_space<vmem>>, vector<1x1x16xi32>,
    %get3A_652 = vector.shape_cast %get3A_651 : vector<1x1x16xi32> to vector<16xi32>
    %mul3A_653 = arith.constant 12 : i32
    %mul3A_654 = vector.broadcast %mul3A_653 : i32 to vector<16xi32>
    %mul3A_655 = arith.muli %get3A_638, %mul3A_654 : vector<16xi32>
    %mul3A_656 = arith.constant 2 : i32
    %mul3A_657 = vector.broadcast %mul3A_656 : i32 to vector<16xi32>
    %mul3A_658 = arith.muli %get3A_645, %mul3A_657 : vector<16xi32>
    %add3A_659 = arith.addi %mul3A_655, %mul3A_658 : vector<16xi32>
    %add3A_660 = arith.addi %add3A_659, %get3A_652 : vector<16xi32>
    %swap3A_661 = arith.constant 3 : i32
    %swap3A_662 = arith.index_cast %swap3A_661 : i32 to index
    %swap3A_663 = arith.constant 32 : index
    %swap3A_664 = tpu.vector_load %arg6[%swap3A_662, %swap3A_663] {strides = array<i32>} : memref<5x80xi32, #tpu.memory_space<vmem>>, vector<1x16xi32>,
    %swap3A_665 = vector.shape_cast %swap3A_664 : vector<1x16xi32> to vector<16xi32>
    %swap3A_666 = vector.shape_cast %add3A_660 : vector<16xi32> to vector<1x16xi32>
    tpu.vector_store %arg6[%swap3A_662, %swap3A_663], %swap3A_666 {strides = array<i32>} : memref<5x80xi32, #tpu.memory_space<vmem>>, vector<1x16xi32>,
    %get3A_667 = arith.constant 0 : i32
    %get3A_668 = arith.constant 0 : i32
    %get3A_669 = arith.index_cast %get3A_667 : i32 to index
    %get3A_670 = arith.index_cast %get3A_668 : i32 to index
    %get3A_671 = arith.constant 288 : index
    %get3A_672 = tpu.vector_load %arg5[%get3A_669, %get3A_670, %get3A_671] {strides = array<i32>} : memref<2x3x400xi32, #tpu.memory_space<vmem>>, vector<1x1x16xi32>,
    %get3A_673 = vector.shape_cast %get3A_672 : vector<1x1x16xi32> to vector<16xi32>
    %get3A_674 = arith.constant 0 : i32
    %get3A_675 = arith.constant 1 : i32
    %get3A_676 = arith.index_cast %get3A_674 : i32 to index
    %get3A_677 = arith.index_cast %get3A_675 : i32 to index
    %get3A_678 = arith.constant 288 : index
    %get3A_679 = tpu.vector_load %arg5[%get3A_676, %get3A_677, %get3A_678] {strides = array<i32>} : memref<2x3x400xi32, #tpu.memory_space<vmem>>, vector<1x1x16xi32>,
    %get3A_680 = vector.shape_cast %get3A_679 : vector<1x1x16xi32> to vector<16xi32>
    %get3A_681 = arith.constant 0 : i32
    %get3A_682 = arith.constant 2 : i32
    %get3A_683 = arith.index_cast %get3A_681 : i32 to index
    %get3A_684 = arith.index_cast %get3A_682 : i32 to index
    %get3A_685 = arith.constant 288 : index
    %get3A_686 = tpu.vector_load %arg5[%get3A_683, %get3A_684, %get3A_685] {strides = array<i32>} : memref<2x3x400xi32, #tpu.memory_space<vmem>>, vector<1x1x16xi32>,
    %get3A_687 = vector.shape_cast %get3A_686 : vector<1x1x16xi32> to vector<16xi32>
    %mul3A_688 = arith.constant 12 : i32
    %mul3A_689 = vector.broadcast %mul3A_688 : i32 to vector<16xi32>
    %mul3A_690 = arith.muli %get3A_673, %mul3A_689 : vector<16xi32>
    %mul3A_691 = arith.constant 2 : i32
    %mul3A_692 = vector.broadcast %mul3A_691 : i32 to vector<16xi32>
    %mul3A_693 = arith.muli %get3A_680, %mul3A_692 : vector<16xi32>
    %add3A_694 = arith.addi %mul3A_690, %mul3A_693 : vector<16xi32>
    %add3A_695 = arith.addi %add3A_694, %get3A_687 : vector<16xi32>
    %swap3A_696 = arith.constant 3 : i32
    %swap3A_697 = arith.index_cast %swap3A_696 : i32 to index
    %swap3A_698 = arith.constant 48 : index
    %swap3A_699 = tpu.vector_load %arg6[%swap3A_697, %swap3A_698] {strides = array<i32>} : memref<5x80xi32, #tpu.memory_space<vmem>>, vector<1x16xi32>,
    %swap3A_700 = vector.shape_cast %swap3A_699 : vector<1x16xi32> to vector<16xi32>
    %swap3A_701 = vector.shape_cast %add3A_695 : vector<16xi32> to vector<1x16xi32>
    tpu.vector_store %arg6[%swap3A_697, %swap3A_698], %swap3A_701 {strides = array<i32>} : memref<5x80xi32, #tpu.memory_space<vmem>>, vector<1x16xi32>,
    %get3A_702 = arith.constant 0 : i32
    %get3A_703 = arith.constant 0 : i32
    %get3A_704 = arith.index_cast %get3A_702 : i32 to index
    %get3A_705 = arith.index_cast %get3A_703 : i32 to index
    %get3A_706 = arith.constant 304 : index
    %get3A_707 = tpu.vector_load %arg5[%get3A_704, %get3A_705, %get3A_706] {strides = array<i32>} : memref<2x3x400xi32, #tpu.memory_space<vmem>>, vector<1x1x16xi32>,
    %get3A_708 = vector.shape_cast %get3A_707 : vector<1x1x16xi32> to vector<16xi32>
    %get3A_709 = arith.constant 0 : i32
    %get3A_710 = arith.constant 1 : i32
    %get3A_711 = arith.index_cast %get3A_709 : i32 to index
    %get3A_712 = arith.index_cast %get3A_710 : i32 to index
    %get3A_713 = arith.constant 304 : index
    %get3A_714 = tpu.vector_load %arg5[%get3A_711, %get3A_712, %get3A_713] {strides = array<i32>} : memref<2x3x400xi32, #tpu.memory_space<vmem>>, vector<1x1x16xi32>,
    %get3A_715 = vector.shape_cast %get3A_714 : vector<1x1x16xi32> to vector<16xi32>
    %get3A_716 = arith.constant 0 : i32
    %get3A_717 = arith.constant 2 : i32
    %get3A_718 = arith.index_cast %get3A_716 : i32 to index
    %get3A_719 = arith.index_cast %get3A_717 : i32 to index
    %get3A_720 = arith.constant 304 : index
    %get3A_721 = tpu.vector_load %arg5[%get3A_718, %get3A_719, %get3A_720] {strides = array<i32>} : memref<2x3x400xi32, #tpu.memory_space<vmem>>, vector<1x1x16xi32>,
    %get3A_722 = vector.shape_cast %get3A_721 : vector<1x1x16xi32> to vector<16xi32>
    %mul3A_723 = arith.constant 12 : i32
    %mul3A_724 = vector.broadcast %mul3A_723 : i32 to vector<16xi32>
    %mul3A_725 = arith.muli %get3A_708, %mul3A_724 : vector<16xi32>
    %mul3A_726 = arith.constant 2 : i32
    %mul3A_727 = vector.broadcast %mul3A_726 : i32 to vector<16xi32>
    %mul3A_728 = arith.muli %get3A_715, %mul3A_727 : vector<16xi32>
    %add3A_729 = arith.addi %mul3A_725, %mul3A_728 : vector<16xi32>
    %add3A_730 = arith.addi %add3A_729, %get3A_722 : vector<16xi32>
    %swap3A_731 = arith.constant 3 : i32
    %swap3A_732 = arith.index_cast %swap3A_731 : i32 to index
    %swap3A_733 = arith.constant 64 : index
    %swap3A_734 = tpu.vector_load %arg6[%swap3A_732, %swap3A_733] {strides = array<i32>} : memref<5x80xi32, #tpu.memory_space<vmem>>, vector<1x16xi32>,
    %swap3A_735 = vector.shape_cast %swap3A_734 : vector<1x16xi32> to vector<16xi32>
    %swap3A_736 = vector.shape_cast %add3A_730 : vector<16xi32> to vector<1x16xi32>
    tpu.vector_store %arg6[%swap3A_732, %swap3A_733], %swap3A_736 {strides = array<i32>} : memref<5x80xi32, #tpu.memory_space<vmem>>, vector<1x16xi32>,
    %get3A_737 = arith.constant 0 : i32
    %get3A_738 = arith.constant 0 : i32
    %get3A_739 = arith.index_cast %get3A_737 : i32 to index
    %get3A_740 = arith.index_cast %get3A_738 : i32 to index
    %get3A_741 = arith.constant 320 : index
    %get3A_742 = tpu.vector_load %arg5[%get3A_739, %get3A_740, %get3A_741] {strides = array<i32>} : memref<2x3x400xi32, #tpu.memory_space<vmem>>, vector<1x1x16xi32>,
    %get3A_743 = vector.shape_cast %get3A_742 : vector<1x1x16xi32> to vector<16xi32>
    %get3A_744 = arith.constant 0 : i32
    %get3A_745 = arith.constant 1 : i32
    %get3A_746 = arith.index_cast %get3A_744 : i32 to index
    %get3A_747 = arith.index_cast %get3A_745 : i32 to index
    %get3A_748 = arith.constant 320 : index
    %get3A_749 = tpu.vector_load %arg5[%get3A_746, %get3A_747, %get3A_748] {strides = array<i32>} : memref<2x3x400xi32, #tpu.memory_space<vmem>>, vector<1x1x16xi32>,
    %get3A_750 = vector.shape_cast %get3A_749 : vector<1x1x16xi32> to vector<16xi32>
    %get3A_751 = arith.constant 0 : i32
    %get3A_752 = arith.constant 2 : i32
    %get3A_753 = arith.index_cast %get3A_751 : i32 to index
    %get3A_754 = arith.index_cast %get3A_752 : i32 to index
    %get3A_755 = arith.constant 320 : index
    %get3A_756 = tpu.vector_load %arg5[%get3A_753, %get3A_754, %get3A_755] {strides = array<i32>} : memref<2x3x400xi32, #tpu.memory_space<vmem>>, vector<1x1x16xi32>,
    %get3A_757 = vector.shape_cast %get3A_756 : vector<1x1x16xi32> to vector<16xi32>
    %mul3A_758 = arith.constant 12 : i32
    %mul3A_759 = vector.broadcast %mul3A_758 : i32 to vector<16xi32>
    %mul3A_760 = arith.muli %get3A_743, %mul3A_759 : vector<16xi32>
    %mul3A_761 = arith.constant 2 : i32
    %mul3A_762 = vector.broadcast %mul3A_761 : i32 to vector<16xi32>
    %mul3A_763 = arith.muli %get3A_750, %mul3A_762 : vector<16xi32>
    %add3A_764 = arith.addi %mul3A_760, %mul3A_763 : vector<16xi32>
    %add3A_765 = arith.addi %add3A_764, %get3A_757 : vector<16xi32>
    %swap3A_766 = arith.constant 4 : i32
    %swap3A_767 = arith.index_cast %swap3A_766 : i32 to index
    %swap3A_768 = arith.constant 0 : index
    %swap3A_769 = tpu.vector_load %arg6[%swap3A_767, %swap3A_768] {strides = array<i32>} : memref<5x80xi32, #tpu.memory_space<vmem>>, vector<1x16xi32>,
    %swap3A_770 = vector.shape_cast %swap3A_769 : vector<1x16xi32> to vector<16xi32>
    %swap3A_771 = vector.shape_cast %add3A_765 : vector<16xi32> to vector<1x16xi32>
    tpu.vector_store %arg6[%swap3A_767, %swap3A_768], %swap3A_771 {strides = array<i32>} : memref<5x80xi32, #tpu.memory_space<vmem>>, vector<1x16xi32>,
    %get3A_772 = arith.constant 0 : i32
    %get3A_773 = arith.constant 0 : i32
    %get3A_774 = arith.index_cast %get3A_772 : i32 to index
    %get3A_775 = arith.index_cast %get3A_773 : i32 to index
    %get3A_776 = arith.constant 336 : index
    %get3A_777 = tpu.vector_load %arg5[%get3A_774, %get3A_775, %get3A_776] {strides = array<i32>} : memref<2x3x400xi32, #tpu.memory_space<vmem>>, vector<1x1x16xi32>,
    %get3A_778 = vector.shape_cast %get3A_777 : vector<1x1x16xi32> to vector<16xi32>
    %get3A_779 = arith.constant 0 : i32
    %get3A_780 = arith.constant 1 : i32
    %get3A_781 = arith.index_cast %get3A_779 : i32 to index
    %get3A_782 = arith.index_cast %get3A_780 : i32 to index
    %get3A_783 = arith.constant 336 : index
    %get3A_784 = tpu.vector_load %arg5[%get3A_781, %get3A_782, %get3A_783] {strides = array<i32>} : memref<2x3x400xi32, #tpu.memory_space<vmem>>, vector<1x1x16xi32>,
    %get3A_785 = vector.shape_cast %get3A_784 : vector<1x1x16xi32> to vector<16xi32>
    %get3A_786 = arith.constant 0 : i32
    %get3A_787 = arith.constant 2 : i32
    %get3A_788 = arith.index_cast %get3A_786 : i32 to index
    %get3A_789 = arith.index_cast %get3A_787 : i32 to index
    %get3A_790 = arith.constant 336 : index
    %get3A_791 = tpu.vector_load %arg5[%get3A_788, %get3A_789, %get3A_790] {strides = array<i32>} : memref<2x3x400xi32, #tpu.memory_space<vmem>>, vector<1x1x16xi32>,
    %get3A_792 = vector.shape_cast %get3A_791 : vector<1x1x16xi32> to vector<16xi32>
    %mul3A_793 = arith.constant 12 : i32
    %mul3A_794 = vector.broadcast %mul3A_793 : i32 to vector<16xi32>
    %mul3A_795 = arith.muli %get3A_778, %mul3A_794 : vector<16xi32>
    %mul3A_796 = arith.constant 2 : i32
    %mul3A_797 = vector.broadcast %mul3A_796 : i32 to vector<16xi32>
    %mul3A_798 = arith.muli %get3A_785, %mul3A_797 : vector<16xi32>
    %add3A_799 = arith.addi %mul3A_795, %mul3A_798 : vector<16xi32>
    %add3A_800 = arith.addi %add3A_799, %get3A_792 : vector<16xi32>
    %swap3A_801 = arith.constant 4 : i32
    %swap3A_802 = arith.index_cast %swap3A_801 : i32 to index
    %swap3A_803 = arith.constant 16 : index
    %swap3A_804 = tpu.vector_load %arg6[%swap3A_802, %swap3A_803] {strides = array<i32>} : memref<5x80xi32, #tpu.memory_space<vmem>>, vector<1x16xi32>,
    %swap3A_805 = vector.shape_cast %swap3A_804 : vector<1x16xi32> to vector<16xi32>
    %swap3A_806 = vector.shape_cast %add3A_800 : vector<16xi32> to vector<1x16xi32>
    tpu.vector_store %arg6[%swap3A_802, %swap3A_803], %swap3A_806 {strides = array<i32>} : memref<5x80xi32, #tpu.memory_space<vmem>>, vector<1x16xi32>,
    %get3A_807 = arith.constant 0 : i32
    %get3A_808 = arith.constant 0 : i32
    %get3A_809 = arith.index_cast %get3A_807 : i32 to index
    %get3A_810 = arith.index_cast %get3A_808 : i32 to index
    %get3A_811 = arith.constant 352 : index
    %get3A_812 = tpu.vector_load %arg5[%get3A_809, %get3A_810, %get3A_811] {strides = array<i32>} : memref<2x3x400xi32, #tpu.memory_space<vmem>>, vector<1x1x16xi32>,
    %get3A_813 = vector.shape_cast %get3A_812 : vector<1x1x16xi32> to vector<16xi32>
    %get3A_814 = arith.constant 0 : i32
    %get3A_815 = arith.constant 1 : i32
    %get3A_816 = arith.index_cast %get3A_814 : i32 to index
    %get3A_817 = arith.index_cast %get3A_815 : i32 to index
    %get3A_818 = arith.constant 352 : index
    %get3A_819 = tpu.vector_load %arg5[%get3A_816, %get3A_817, %get3A_818] {strides = array<i32>} : memref<2x3x400xi32, #tpu.memory_space<vmem>>, vector<1x1x16xi32>,
    %get3A_820 = vector.shape_cast %get3A_819 : vector<1x1x16xi32> to vector<16xi32>
    %get3A_821 = arith.constant 0 : i32
    %get3A_822 = arith.constant 2 : i32
    %get3A_823 = arith.index_cast %get3A_821 : i32 to index
    %get3A_824 = arith.index_cast %get3A_822 : i32 to index
    %get3A_825 = arith.constant 352 : index
    %get3A_826 = tpu.vector_load %arg5[%get3A_823, %get3A_824, %get3A_825] {strides = array<i32>} : memref<2x3x400xi32, #tpu.memory_space<vmem>>, vector<1x1x16xi32>,
    %get3A_827 = vector.shape_cast %get3A_826 : vector<1x1x16xi32> to vector<16xi32>
    %mul3A_828 = arith.constant 12 : i32
    %mul3A_829 = vector.broadcast %mul3A_828 : i32 to vector<16xi32>
    %mul3A_830 = arith.muli %get3A_813, %mul3A_829 : vector<16xi32>
    %mul3A_831 = arith.constant 2 : i32
    %mul3A_832 = vector.broadcast %mul3A_831 : i32 to vector<16xi32>
    %mul3A_833 = arith.muli %get3A_820, %mul3A_832 : vector<16xi32>
    %add3A_834 = arith.addi %mul3A_830, %mul3A_833 : vector<16xi32>
    %add3A_835 = arith.addi %add3A_834, %get3A_827 : vector<16xi32>
    %swap3A_836 = arith.constant 4 : i32
    %swap3A_837 = arith.index_cast %swap3A_836 : i32 to index
    %swap3A_838 = arith.constant 32 : index
    %swap3A_839 = tpu.vector_load %arg6[%swap3A_837, %swap3A_838] {strides = array<i32>} : memref<5x80xi32, #tpu.memory_space<vmem>>, vector<1x16xi32>,
    %swap3A_840 = vector.shape_cast %swap3A_839 : vector<1x16xi32> to vector<16xi32>
    %swap3A_841 = vector.shape_cast %add3A_835 : vector<16xi32> to vector<1x16xi32>
    tpu.vector_store %arg6[%swap3A_837, %swap3A_838], %swap3A_841 {strides = array<i32>} : memref<5x80xi32, #tpu.memory_space<vmem>>, vector<1x16xi32>,
    %get3A_842 = arith.constant 0 : i32
    %get3A_843 = arith.constant 0 : i32
    %get3A_844 = arith.index_cast %get3A_842 : i32 to index
    %get3A_845 = arith.index_cast %get3A_843 : i32 to index
    %get3A_846 = arith.constant 368 : index
    %get3A_847 = tpu.vector_load %arg5[%get3A_844, %get3A_845, %get3A_846] {strides = array<i32>} : memref<2x3x400xi32, #tpu.memory_space<vmem>>, vector<1x1x16xi32>,
    %get3A_848 = vector.shape_cast %get3A_847 : vector<1x1x16xi32> to vector<16xi32>
    %get3A_849 = arith.constant 0 : i32
    %get3A_850 = arith.constant 1 : i32
    %get3A_851 = arith.index_cast %get3A_849 : i32 to index
    %get3A_852 = arith.index_cast %get3A_850 : i32 to index
    %get3A_853 = arith.constant 368 : index
    %get3A_854 = tpu.vector_load %arg5[%get3A_851, %get3A_852, %get3A_853] {strides = array<i32>} : memref<2x3x400xi32, #tpu.memory_space<vmem>>, vector<1x1x16xi32>,
    %get3A_855 = vector.shape_cast %get3A_854 : vector<1x1x16xi32> to vector<16xi32>
    %get3A_856 = arith.constant 0 : i32
    %get3A_857 = arith.constant 2 : i32
    %get3A_858 = arith.index_cast %get3A_856 : i32 to index
    %get3A_859 = arith.index_cast %get3A_857 : i32 to index
    %get3A_860 = arith.constant 368 : index
    %get3A_861 = tpu.vector_load %arg5[%get3A_858, %get3A_859, %get3A_860] {strides = array<i32>} : memref<2x3x400xi32, #tpu.memory_space<vmem>>, vector<1x1x16xi32>,
    %get3A_862 = vector.shape_cast %get3A_861 : vector<1x1x16xi32> to vector<16xi32>
    %mul3A_863 = arith.constant 12 : i32
    %mul3A_864 = vector.broadcast %mul3A_863 : i32 to vector<16xi32>
    %mul3A_865 = arith.muli %get3A_848, %mul3A_864 : vector<16xi32>
    %mul3A_866 = arith.constant 2 : i32
    %mul3A_867 = vector.broadcast %mul3A_866 : i32 to vector<16xi32>
    %mul3A_868 = arith.muli %get3A_855, %mul3A_867 : vector<16xi32>
    %add3A_869 = arith.addi %mul3A_865, %mul3A_868 : vector<16xi32>
    %add3A_870 = arith.addi %add3A_869, %get3A_862 : vector<16xi32>
    %swap3A_871 = arith.constant 4 : i32
    %swap3A_872 = arith.index_cast %swap3A_871 : i32 to index
    %swap3A_873 = arith.constant 48 : index
    %swap3A_874 = tpu.vector_load %arg6[%swap3A_872, %swap3A_873] {strides = array<i32>} : memref<5x80xi32, #tpu.memory_space<vmem>>, vector<1x16xi32>,
    %swap3A_875 = vector.shape_cast %swap3A_874 : vector<1x16xi32> to vector<16xi32>
    %swap3A_876 = vector.shape_cast %add3A_870 : vector<16xi32> to vector<1x16xi32>
    tpu.vector_store %arg6[%swap3A_872, %swap3A_873], %swap3A_876 {strides = array<i32>} : memref<5x80xi32, #tpu.memory_space<vmem>>, vector<1x16xi32>,
    %get3A_877 = arith.constant 0 : i32
    %get3A_878 = arith.constant 0 : i32
    %get3A_879 = arith.index_cast %get3A_877 : i32 to index
    %get3A_880 = arith.index_cast %get3A_878 : i32 to index
    %get3A_881 = arith.constant 384 : index
    %get3A_882 = tpu.vector_load %arg5[%get3A_879, %get3A_880, %get3A_881] {strides = array<i32>} : memref<2x3x400xi32, #tpu.memory_space<vmem>>, vector<1x1x16xi32>,
    %get3A_883 = vector.shape_cast %get3A_882 : vector<1x1x16xi32> to vector<16xi32>
    %get3A_884 = arith.constant 0 : i32
    %get3A_885 = arith.constant 1 : i32
    %get3A_886 = arith.index_cast %get3A_884 : i32 to index
    %get3A_887 = arith.index_cast %get3A_885 : i32 to index
    %get3A_888 = arith.constant 384 : index
    %get3A_889 = tpu.vector_load %arg5[%get3A_886, %get3A_887, %get3A_888] {strides = array<i32>} : memref<2x3x400xi32, #tpu.memory_space<vmem>>, vector<1x1x16xi32>,
    %get3A_890 = vector.shape_cast %get3A_889 : vector<1x1x16xi32> to vector<16xi32>
    %get3A_891 = arith.constant 0 : i32
    %get3A_892 = arith.constant 2 : i32
    %get3A_893 = arith.index_cast %get3A_891 : i32 to index
    %get3A_894 = arith.index_cast %get3A_892 : i32 to index
    %get3A_895 = arith.constant 384 : index
    %get3A_896 = tpu.vector_load %arg5[%get3A_893, %get3A_894, %get3A_895] {strides = array<i32>} : memref<2x3x400xi32, #tpu.memory_space<vmem>>, vector<1x1x16xi32>,
    %get3A_897 = vector.shape_cast %get3A_896 : vector<1x1x16xi32> to vector<16xi32>
    %mul3A_898 = arith.constant 12 : i32
    %mul3A_899 = vector.broadcast %mul3A_898 : i32 to vector<16xi32>
    %mul3A_900 = arith.muli %get3A_883, %mul3A_899 : vector<16xi32>
    %mul3A_901 = arith.constant 2 : i32
    %mul3A_902 = vector.broadcast %mul3A_901 : i32 to vector<16xi32>
    %mul3A_903 = arith.muli %get3A_890, %mul3A_902 : vector<16xi32>
    %add3A_904 = arith.addi %mul3A_900, %mul3A_903 : vector<16xi32>
    %add3A_905 = arith.addi %add3A_904, %get3A_897 : vector<16xi32>
    %swap3A_906 = arith.constant 4 : i32
    %swap3A_907 = arith.index_cast %swap3A_906 : i32 to index
    %swap3A_908 = arith.constant 64 : index
    %swap3A_909 = tpu.vector_load %arg6[%swap3A_907, %swap3A_908] {strides = array<i32>} : memref<5x80xi32, #tpu.memory_space<vmem>>, vector<1x16xi32>,
    %swap3A_910 = vector.shape_cast %swap3A_909 : vector<1x16xi32> to vector<16xi32>
    %swap3A_911 = vector.shape_cast %add3A_905 : vector<16xi32> to vector<1x16xi32>
    tpu.vector_store %arg6[%swap3A_907, %swap3A_908], %swap3A_911 {strides = array<i32>} : memref<5x80xi32, #tpu.memory_space<vmem>>, vector<1x16xi32>,
    %dma_start3A_912 = arith.constant 1 : i32
    %dma_start3A_913 = arith.constant 1 : i32
    %dma_start3A_914 = arith.constant 0 : i32
    %dma_start3A_915 = arith.constant 0 : i32
    %dma_start3A_916 = tpu.memref_slice %arg5[%dma_start3A_913, %dma_start3A_914, %dma_start3A_915] : memref<2x3x400xi32, #tpu.memory_space<vmem>> -> memref<1x3x400xi32, #tpu.memory_space<vmem>>
    %dma_start3A_917 = tpu.memref_squeeze %dma_start3A_916 : memref<1x3x400xi32, #tpu.memory_space<vmem>> -> memref<3x400xi32, #tpu.memory_space<vmem>>
    %dma_start3A_918 = arith.constant 0 : i32
    %dma_start3A_919 = arith.constant 0 : i32
    %dma_start3A_920 = tpu.memref_slice %arg3[%add3A, %dma_start3A_912, %dma_start3A_918, %dma_start3A_919] : memref<32x25x3x400xi32, #tpu.memory_space<hbm>> -> memref<1x1x3x400xi32, #tpu.memory_space<hbm>>
    %dma_start3A_921 = tpu.memref_squeeze %dma_start3A_920 : memref<1x1x3x400xi32, #tpu.memory_space<hbm>> -> memref<3x400xi32, #tpu.memory_space<hbm>>
    %dma_start3A_922 = arith.constant 0 : i32
    %dma_start3A_923 = arith.constant 0 : i32
    %dma_start3A_924 = tpu.memref_slice %arg5[%dma_start3A_913, %dma_start3A_922, %dma_start3A_923] : memref<2x3x400xi32, #tpu.memory_space<vmem>> -> memref<1x3x400xi32, #tpu.memory_space<vmem>>
    %dma_start3A_925 = tpu.memref_squeeze %dma_start3A_924 : memref<1x3x400xi32, #tpu.memory_space<vmem>> -> memref<3x400xi32, #tpu.memory_space<vmem>>
    %dma_start3A_926 = arith.constant 0 : i32
    %dma_start3A_927 = arith.constant 0 : i32
    %dma_start3A_928 = tpu.memref_slice %arg3[%add3A, %dma_start3A_912, %dma_start3A_926, %dma_start3A_927] : memref<32x25x3x400xi32, #tpu.memory_space<hbm>> -> memref<1x1x3x400xi32, #tpu.memory_space<hbm>>
    %dma_start3A_929 = tpu.memref_squeeze %dma_start3A_928 : memref<1x1x3x400xi32, #tpu.memory_space<hbm>> -> memref<3x400xi32, #tpu.memory_space<hbm>>
    tpu.enqueue_dma source(%dma_start3A_929 : memref<3x400xi32, #tpu.memory_space<hbm>>) target(%dma_start3A_925 : memref<3x400xi32, #tpu.memory_space<vmem>>) target_semaphore(%arg11 : memref<!tpu.dma_semaphore, #tpu.memory_space<semaphore_mem>>)
    %dma_start3A_930 = arith.constant 0 : i32
    %dma_start3A_931 = arith.constant 0 : i32
    %dma_start3A_932 = arith.constant 0 : i32
    %dma_start3A_933 = arith.constant 0 : i32
    %dma_start3A_934 = tpu.memref_slice %arg7[%dma_start3A_931, %dma_start3A_932, %dma_start3A_933] : memref<2x400x128xf32, #tpu.memory_space<vmem>> -> memref<1x400x128xf32, #tpu.memory_space<vmem>>
    %dma_start3A_935 = tpu.memref_squeeze %dma_start3A_934 : memref<1x400x128xf32, #tpu.memory_space<vmem>> -> memref<400x128xf32, #tpu.memory_space<vmem>>
    %dma_start3A_936 = arith.constant 0 : i32
    %dma_start3A_937 = arith.constant 0 : i32
    %dma_start3A_938 = tpu.memref_slice %dma_start3A_935[%dma_start3A_936, %dma_start3A_937] : memref<400x128xf32, #tpu.memory_space<vmem>> -> memref<80x128xf32, #tpu.memory_space<vmem>>
    %dma_start3A_939 = arith.constant 0 : i32
    %dma_start3A_940 = tpu.memref_slice %arg6[%dma_start3A_930, %dma_start3A_939] : memref<5x80xi32, #tpu.memory_space<vmem>> -> memref<1x80xi32, #tpu.memory_space<vmem>>
    %dma_start3A_941 = tpu.memref_squeeze %dma_start3A_940 : memref<1x80xi32, #tpu.memory_space<vmem>> -> memref<80xi32, #tpu.memory_space<vmem>>
    %dma_start3A_942 = arith.constant 0 : i32
    %dma_start3A_943 = arith.constant 0 : i32
    %dma_start3A_944 = tpu.memref_slice %arg8[%dma_start3A_942, %dma_start3A_943] : memref<60x128xf32, #tpu.memory_space<vmem_shared>> -> memref<60x128xf32, #tpu.memory_space<vmem_shared>>
    tpu.enqueue_indirect_dma source(%dma_start3A_944 : memref<60x128xf32, #tpu.memory_space<vmem_shared>>) target(%dma_start3A_938 : memref<80x128xf32, #tpu.memory_space<vmem>>) offsets(%dma_start3A_941 : memref<80xi32, #tpu.memory_space<vmem>>) semaphore(%arg9 : memref<!tpu.dma_semaphore, #tpu.memory_space<semaphore_mem>>)
    %dma_start3A_945 = arith.constant 1 : i32
    %dma_start3A_946 = arith.constant 0 : i32
    %dma_start3A_947 = arith.constant 0 : i32
    %dma_start3A_948 = arith.constant 0 : i32
    %dma_start3A_949 = tpu.memref_slice %arg7[%dma_start3A_946, %dma_start3A_947, %dma_start3A_948] : memref<2x400x128xf32, #tpu.memory_space<vmem>> -> memref<1x400x128xf32, #tpu.memory_space<vmem>>
    %dma_start3A_950 = tpu.memref_squeeze %dma_start3A_949 : memref<1x400x128xf32, #tpu.memory_space<vmem>> -> memref<400x128xf32, #tpu.memory_space<vmem>>
    %dma_start3A_951 = arith.constant 80 : i32
    %dma_start3A_952 = arith.constant 0 : i32
    %dma_start3A_953 = tpu.memref_slice %dma_start3A_950[%dma_start3A_951, %dma_start3A_952] : memref<400x128xf32, #tpu.memory_space<vmem>> -> memref<80x128xf32, #tpu.memory_space<vmem>>
    %dma_start3A_954 = arith.constant 0 : i32
    %dma_start3A_955 = tpu.memref_slice %arg6[%dma_start3A_945, %dma_start3A_954] : memref<5x80xi32, #tpu.memory_space<vmem>> -> memref<1x80xi32, #tpu.memory_space<vmem>>
    %dma_start3A_956 = tpu.memref_squeeze %dma_start3A_955 : memref<1x80xi32, #tpu.memory_space<vmem>> -> memref<80xi32, #tpu.memory_space<vmem>>
    %dma_start3A_957 = arith.constant 0 : i32
    %dma_start3A_958 = arith.constant 0 : i32
    %dma_start3A_959 = tpu.memref_slice %arg8[%dma_start3A_957, %dma_start3A_958] : memref<60x128xf32, #tpu.memory_space<vmem_shared>> -> memref<60x128xf32, #tpu.memory_space<vmem_shared>>
    tpu.enqueue_indirect_dma source(%dma_start3A_959 : memref<60x128xf32, #tpu.memory_space<vmem_shared>>) target(%dma_start3A_953 : memref<80x128xf32, #tpu.memory_space<vmem>>) offsets(%dma_start3A_956 : memref<80xi32, #tpu.memory_space<vmem>>) semaphore(%arg9 : memref<!tpu.dma_semaphore, #tpu.memory_space<semaphore_mem>>)
    %dma_start3A_960 = arith.constant 2 : i32
    %dma_start3A_961 = arith.constant 0 : i32
    %dma_start3A_962 = arith.constant 0 : i32
    %dma_start3A_963 = arith.constant 0 : i32
    %dma_start3A_964 = tpu.memref_slice %arg7[%dma_start3A_961, %dma_start3A_962, %dma_start3A_963] : memref<2x400x128xf32, #tpu.memory_space<vmem>> -> memref<1x400x128xf32, #tpu.memory_space<vmem>>
    %dma_start3A_965 = tpu.memref_squeeze %dma_start3A_964 : memref<1x400x128xf32, #tpu.memory_space<vmem>> -> memref<400x128xf32, #tpu.memory_space<vmem>>
    %dma_start3A_966 = arith.constant 160 : i32
    %dma_start3A_967 = arith.constant 0 : i32
    %dma_start3A_968 = tpu.memref_slice %dma_start3A_965[%dma_start3A_966, %dma_start3A_967] : memref<400x128xf32, #tpu.memory_space<vmem>> -> memref<80x128xf32, #tpu.memory_space<vmem>>
    %dma_start3A_969 = arith.constant 0 : i32
    %dma_start3A_970 = tpu.memref_slice %arg6[%dma_start3A_960, %dma_start3A_969] : memref<5x80xi32, #tpu.memory_space<vmem>> -> memref<1x80xi32, #tpu.memory_space<vmem>>
    %dma_start3A_971 = tpu.memref_squeeze %dma_start3A_970 : memref<1x80xi32, #tpu.memory_space<vmem>> -> memref<80xi32, #tpu.memory_space<vmem>>
    %dma_start3A_972 = arith.constant 0 : i32
    %dma_start3A_973 = arith.constant 0 : i32
    %dma_start3A_974 = tpu.memref_slice %arg8[%dma_start3A_972, %dma_start3A_973] : memref<60x128xf32, #tpu.memory_space<vmem_shared>> -> memref<60x128xf32, #tpu.memory_space<vmem_shared>>
    tpu.enqueue_indirect_dma source(%dma_start3A_974 : memref<60x128xf32, #tpu.memory_space<vmem_shared>>) target(%dma_start3A_968 : memref<80x128xf32, #tpu.memory_space<vmem>>) offsets(%dma_start3A_971 : memref<80xi32, #tpu.memory_space<vmem>>) semaphore(%arg9 : memref<!tpu.dma_semaphore, #tpu.memory_space<semaphore_mem>>)
    %dma_start3A_975 = arith.constant 3 : i32
    %dma_start3A_976 = arith.constant 0 : i32
    %dma_start3A_977 = arith.constant 0 : i32
    %dma_start3A_978 = arith.constant 0 : i32
    %dma_start3A_979 = tpu.memref_slice %arg7[%dma_start3A_976, %dma_start3A_977, %dma_start3A_978] : memref<2x400x128xf32, #tpu.memory_space<vmem>> -> memref<1x400x128xf32, #tpu.memory_space<vmem>>
    %dma_start3A_980 = tpu.memref_squeeze %dma_start3A_979 : memref<1x400x128xf32, #tpu.memory_space<vmem>> -> memref<400x128xf32, #tpu.memory_space<vmem>>
    %dma_start3A_981 = arith.constant 240 : i32
    %dma_start3A_982 = arith.constant 0 : i32
    %dma_start3A_983 = tpu.memref_slice %dma_start3A_980[%dma_start3A_981, %dma_start3A_982] : memref<400x128xf32, #tpu.memory_space<vmem>> -> memref<80x128xf32, #tpu.memory_space<vmem>>
    %dma_start3A_984 = arith.constant 0 : i32
    %dma_start3A_985 = tpu.memref_slice %arg6[%dma_start3A_975, %dma_start3A_984] : memref<5x80xi32, #tpu.memory_space<vmem>> -> memref<1x80xi32, #tpu.memory_space<vmem>>
    %dma_start3A_986 = tpu.memref_squeeze %dma_start3A_985 : memref<1x80xi32, #tpu.memory_space<vmem>> -> memref<80xi32, #tpu.memory_space<vmem>>
    %dma_start3A_987 = arith.constant 0 : i32
    %dma_start3A_988 = arith.constant 0 : i32
    %dma_start3A_989 = tpu.memref_slice %arg8[%dma_start3A_987, %dma_start3A_988] : memref<60x128xf32, #tpu.memory_space<vmem_shared>> -> memref<60x128xf32, #tpu.memory_space<vmem_shared>>
    tpu.enqueue_indirect_dma source(%dma_start3A_989 : memref<60x128xf32, #tpu.memory_space<vmem_shared>>) target(%dma_start3A_983 : memref<80x128xf32, #tpu.memory_space<vmem>>) offsets(%dma_start3A_986 : memref<80xi32, #tpu.memory_space<vmem>>) semaphore(%arg9 : memref<!tpu.dma_semaphore, #tpu.memory_space<semaphore_mem>>)
    %dma_start3A_990 = arith.constant 4 : i32
    %dma_start3A_991 = arith.constant 0 : i32
    %dma_start3A_992 = arith.constant 0 : i32
    %dma_start3A_993 = arith.constant 0 : i32
    %dma_start3A_994 = tpu.memref_slice %arg7[%dma_start3A_991, %dma_start3A_992, %dma_start3A_993] : memref<2x400x128xf32, #tpu.memory_space<vmem>> -> memref<1x400x128xf32, #tpu.memory_space<vmem>>
    %dma_start3A_995 = tpu.memref_squeeze %dma_start3A_994 : memref<1x400x128xf32, #tpu.memory_space<vmem>> -> memref<400x128xf32, #tpu.memory_space<vmem>>
    %dma_start3A_996 = arith.constant 320 : i32
    %dma_start3A_997 = arith.constant 0 : i32
    %dma_start3A_998 = tpu.memref_slice %dma_start3A_995[%dma_start3A_996, %dma_start3A_997] : memref<400x128xf32, #tpu.memory_space<vmem>> -> memref<80x128xf32, #tpu.memory_space<vmem>>
    %dma_start3A_999 = arith.constant 0 : i32
    %dma_start3A_1000 = tpu.memref_slice %arg6[%dma_start3A_990, %dma_start3A_999] : memref<5x80xi32, #tpu.memory_space<vmem>> -> memref<1x80xi32, #tpu.memory_space<vmem>>
    %dma_start3A_1001 = tpu.memref_squeeze %dma_start3A_1000 : memref<1x80xi32, #tpu.memory_space<vmem>> -> memref<80xi32, #tpu.memory_space<vmem>>
    %dma_start3A_1002 = arith.constant 0 : i32
    %dma_start3A_1003 = arith.constant 0 : i32
    %dma_start3A_1004 = tpu.memref_slice %arg8[%dma_start3A_1002, %dma_start3A_1003] : memref<60x128xf32, #tpu.memory_space<vmem_shared>> -> memref<60x128xf32, #tpu.memory_space<vmem_shared>>
    tpu.enqueue_indirect_dma source(%dma_start3A_1004 : memref<60x128xf32, #tpu.memory_space<vmem_shared>>) target(%dma_start3A_998 : memref<80x128xf32, #tpu.memory_space<vmem>>) offsets(%dma_start3A_1001 : memref<80xi32, #tpu.memory_space<vmem>>) semaphore(%arg9 : memref<!tpu.dma_semaphore, #tpu.memory_space<semaphore_mem>>)
    %dma_wait3A_1005 = arith.constant 0 : i32
    %dma_wait3A_1006 = arith.constant 0 : i32
    %dma_wait3A_1007 = arith.constant 0 : i32
    %dma_wait3A_1008 = arith.constant 0 : i32
    %dma_wait3A_1009 = tpu.memref_slice %arg7[%dma_wait3A_1006, %dma_wait3A_1007, %dma_wait3A_1008] : memref<2x400x128xf32, #tpu.memory_space<vmem>> -> memref<1x400x128xf32, #tpu.memory_space<vmem>>
    %dma_wait3A_1010 = tpu.memref_squeeze %dma_wait3A_1009 : memref<1x400x128xf32, #tpu.memory_space<vmem>> -> memref<400x128xf32, #tpu.memory_space<vmem>>
    %dma_wait3A_1011 = arith.constant 0 : i32
    %dma_wait3A_1012 = arith.constant 0 : i32
    %dma_wait3A_1013 = tpu.memref_slice %dma_wait3A_1010[%dma_wait3A_1011, %dma_wait3A_1012] : memref<400x128xf32, #tpu.memory_space<vmem>> -> memref<80x128xf32, #tpu.memory_space<vmem>>
    %dma_wait3A_1014 = arith.constant 0 : i32
    %dma_wait3A_1015 = tpu.memref_slice %arg6[%dma_wait3A_1005, %dma_wait3A_1014] : memref<5x80xi32, #tpu.memory_space<vmem>> -> memref<1x80xi32, #tpu.memory_space<vmem>>
    %dma_wait3A_1016 = tpu.memref_squeeze %dma_wait3A_1015 : memref<1x80xi32, #tpu.memory_space<vmem>> -> memref<80xi32, #tpu.memory_space<vmem>>
    %dma_wait3A_1017 = arith.constant 0 : i32
    %dma_wait3A_1018 = arith.constant 0 : i32
    %dma_wait3A_1019 = tpu.memref_slice %arg8[%dma_wait3A_1017, %dma_wait3A_1018] : memref<60x128xf32, #tpu.memory_space<vmem_shared>> -> memref<60x128xf32, #tpu.memory_space<vmem_shared>>
    tpu.wait_indirect_dma semaphore(%arg9 : memref<!tpu.dma_semaphore, #tpu.memory_space<semaphore_mem>>) src(%dma_wait3A_1019 : memref<60x128xf32, #tpu.memory_space<vmem_shared>>) dst(%dma_wait3A_1013 : memref<80x128xf32, #tpu.memory_space<vmem>>)
    %dma_wait3A_1020 = arith.constant 1 : i32
    %dma_wait3A_1021 = arith.constant 0 : i32
    %dma_wait3A_1022 = arith.constant 0 : i32
    %dma_wait3A_1023 = arith.constant 0 : i32
    %dma_wait3A_1024 = tpu.memref_slice %arg7[%dma_wait3A_1021, %dma_wait3A_1022, %dma_wait3A_1023] : memref<2x400x128xf32, #tpu.memory_space<vmem>> -> memref<1x400x128xf32, #tpu.memory_space<vmem>>
    %dma_wait3A_1025 = tpu.memref_squeeze %dma_wait3A_1024 : memref<1x400x128xf32, #tpu.memory_space<vmem>> -> memref<400x128xf32, #tpu.memory_space<vmem>>
    %dma_wait3A_1026 = arith.constant 80 : i32
    %dma_wait3A_1027 = arith.constant 0 : i32
    %dma_wait3A_1028 = tpu.memref_slice %dma_wait3A_1025[%dma_wait3A_1026, %dma_wait3A_1027] : memref<400x128xf32, #tpu.memory_space<vmem>> -> memref<80x128xf32, #tpu.memory_space<vmem>>
    %dma_wait3A_1029 = arith.constant 0 : i32
    %dma_wait3A_1030 = tpu.memref_slice %arg6[%dma_wait3A_1020, %dma_wait3A_1029] : memref<5x80xi32, #tpu.memory_space<vmem>> -> memref<1x80xi32, #tpu.memory_space<vmem>>
    %dma_wait3A_1031 = tpu.memref_squeeze %dma_wait3A_1030 : memref<1x80xi32, #tpu.memory_space<vmem>> -> memref<80xi32, #tpu.memory_space<vmem>>
    %dma_wait3A_1032 = arith.constant 0 : i32
    %dma_wait3A_1033 = arith.constant 0 : i32
    %dma_wait3A_1034 = tpu.memref_slice %arg8[%dma_wait3A_1032, %dma_wait3A_1033] : memref<60x128xf32, #tpu.memory_space<vmem_shared>> -> memref<60x128xf32, #tpu.memory_space<vmem_shared>>
    tpu.wait_indirect_dma semaphore(%arg9 : memref<!tpu.dma_semaphore, #tpu.memory_space<semaphore_mem>>) src(%dma_wait3A_1034 : memref<60x128xf32, #tpu.memory_space<vmem_shared>>) dst(%dma_wait3A_1028 : memref<80x128xf32, #tpu.memory_space<vmem>>)
    %dma_wait3A_1035 = arith.constant 2 : i32
    %dma_wait3A_1036 = arith.constant 0 : i32
    %dma_wait3A_1037 = arith.constant 0 : i32
    %dma_wait3A_1038 = arith.constant 0 : i32
    %dma_wait3A_1039 = tpu.memref_slice %arg7[%dma_wait3A_1036, %dma_wait3A_1037, %dma_wait3A_1038] : memref<2x400x128xf32, #tpu.memory_space<vmem>> -> memref<1x400x128xf32, #tpu.memory_space<vmem>>
    %dma_wait3A_1040 = tpu.memref_squeeze %dma_wait3A_1039 : memref<1x400x128xf32, #tpu.memory_space<vmem>> -> memref<400x128xf32, #tpu.memory_space<vmem>>
    %dma_wait3A_1041 = arith.constant 160 : i32
    %dma_wait3A_1042 = arith.constant 0 : i32
    %dma_wait3A_1043 = tpu.memref_slice %dma_wait3A_1040[%dma_wait3A_1041, %dma_wait3A_1042] : memref<400x128xf32, #tpu.memory_space<vmem>> -> memref<80x128xf32, #tpu.memory_space<vmem>>
    %dma_wait3A_1044 = arith.constant 0 : i32
    %dma_wait3A_1045 = tpu.memref_slice %arg6[%dma_wait3A_1035, %dma_wait3A_1044] : memref<5x80xi32, #tpu.memory_space<vmem>> -> memref<1x80xi32, #tpu.memory_space<vmem>>
    %dma_wait3A_1046 = tpu.memref_squeeze %dma_wait3A_1045 : memref<1x80xi32, #tpu.memory_space<vmem>> -> memref<80xi32, #tpu.memory_space<vmem>>
    %dma_wait3A_1047 = arith.constant 0 : i32
    %dma_wait3A_1048 = arith.constant 0 : i32
    %dma_wait3A_1049 = tpu.memref_slice %arg8[%dma_wait3A_1047, %dma_wait3A_1048] : memref<60x128xf32, #tpu.memory_space<vmem_shared>> -> memref<60x128xf32, #tpu.memory_space<vmem_shared>>
    tpu.wait_indirect_dma semaphore(%arg9 : memref<!tpu.dma_semaphore, #tpu.memory_space<semaphore_mem>>) src(%dma_wait3A_1049 : memref<60x128xf32, #tpu.memory_space<vmem_shared>>) dst(%dma_wait3A_1043 : memref<80x128xf32, #tpu.memory_space<vmem>>)
    %dma_wait3A_1050 = arith.constant 3 : i32
    %dma_wait3A_1051 = arith.constant 0 : i32
    %dma_wait3A_1052 = arith.constant 0 : i32
    %dma_wait3A_1053 = arith.constant 0 : i32
    %dma_wait3A_1054 = tpu.memref_slice %arg7[%dma_wait3A_1051, %dma_wait3A_1052, %dma_wait3A_1053] : memref<2x400x128xf32, #tpu.memory_space<vmem>> -> memref<1x400x128xf32, #tpu.memory_space<vmem>>
    %dma_wait3A_1055 = tpu.memref_squeeze %dma_wait3A_1054 : memref<1x400x128xf32, #tpu.memory_space<vmem>> -> memref<400x128xf32, #tpu.memory_space<vmem>>
    %dma_wait3A_1056 = arith.constant 240 : i32
    %dma_wait3A_1057 = arith.constant 0 : i32
    %dma_wait3A_1058 = tpu.memref_slice %dma_wait3A_1055[%dma_wait3A_1056, %dma_wait3A_1057] : memref<400x128xf32, #tpu.memory_space<vmem>> -> memref<80x128xf32, #tpu.memory_space<vmem>>
    %dma_wait3A_1059 = arith.constant 0 : i32
    %dma_wait3A_1060 = tpu.memref_slice %arg6[%dma_wait3A_1050, %dma_wait3A_1059] : memref<5x80xi32, #tpu.memory_space<vmem>> -> memref<1x80xi32, #tpu.memory_space<vmem>>
    %dma_wait3A_1061 = tpu.memref_squeeze %dma_wait3A_1060 : memref<1x80xi32, #tpu.memory_space<vmem>> -> memref<80xi32, #tpu.memory_space<vmem>>
    %dma_wait3A_1062 = arith.constant 0 : i32
    %dma_wait3A_1063 = arith.constant 0 : i32
    %dma_wait3A_1064 = tpu.memref_slice %arg8[%dma_wait3A_1062, %dma_wait3A_1063] : memref<60x128xf32, #tpu.memory_space<vmem_shared>> -> memref<60x128xf32, #tpu.memory_space<vmem_shared>>
    tpu.wait_indirect_dma semaphore(%arg9 : memref<!tpu.dma_semaphore, #tpu.memory_space<semaphore_mem>>) src(%dma_wait3A_1064 : memref<60x128xf32, #tpu.memory_space<vmem_shared>>) dst(%dma_wait3A_1058 : memref<80x128xf32, #tpu.memory_space<vmem>>)
    %dma_wait3A_1065 = arith.constant 4 : i32
    %dma_wait3A_1066 = arith.constant 0 : i32
    %dma_wait3A_1067 = arith.constant 0 : i32
    %dma_wait3A_1068 = arith.constant 0 : i32
    %dma_wait3A_1069 = tpu.memref_slice %arg7[%dma_wait3A_1066, %dma_wait3A_1067, %dma_wait3A_1068] : memref<2x400x128xf32, #tpu.memory_space<vmem>> -> memref<1x400x128xf32, #tpu.memory_space<vmem>>
    %dma_wait3A_1070 = tpu.memref_squeeze %dma_wait3A_1069 : memref<1x400x128xf32, #tpu.memory_space<vmem>> -> memref<400x128xf32, #tpu.memory_space<vmem>>
    %dma_wait3A_1071 = arith.constant 320 : i32
    %dma_wait3A_1072 = arith.constant 0 : i32
    %dma_wait3A_1073 = tpu.memref_slice %dma_wait3A_1070[%dma_wait3A_1071, %dma_wait3A_1072] : memref<400x128xf32, #tpu.memory_space<vmem>> -> memref<80x128xf32, #tpu.memory_space<vmem>>
    %dma_wait3A_1074 = arith.constant 0 : i32
    %dma_wait3A_1075 = tpu.memref_slice %arg6[%dma_wait3A_1065, %dma_wait3A_1074] : memref<5x80xi32, #tpu.memory_space<vmem>> -> memref<1x80xi32, #tpu.memory_space<vmem>>
    %dma_wait3A_1076 = tpu.memref_squeeze %dma_wait3A_1075 : memref<1x80xi32, #tpu.memory_space<vmem>> -> memref<80xi32, #tpu.memory_space<vmem>>
    %dma_wait3A_1077 = arith.constant 0 : i32
    %dma_wait3A_1078 = arith.constant 0 : i32
    %dma_wait3A_1079 = tpu.memref_slice %arg8[%dma_wait3A_1077, %dma_wait3A_1078] : memref<60x128xf32, #tpu.memory_space<vmem_shared>> -> memref<60x128xf32, #tpu.memory_space<vmem_shared>>
    tpu.wait_indirect_dma semaphore(%arg9 : memref<!tpu.dma_semaphore, #tpu.memory_space<semaphore_mem>>) src(%dma_wait3A_1079 : memref<60x128xf32, #tpu.memory_space<vmem_shared>>) dst(%dma_wait3A_1073 : memref<80x128xf32, #tpu.memory_space<vmem>>)
    %scan3A = arith.constant 0 : i32
    %scan3A_1080 = arith.constant 0 : i32
    %scan3A_1081 = arith.constant 24 : i32
    %scan3A_1082 = arith.addi %scan3A_1080, %scan3A_1081 : i32
    %scan3A_1083 = arith.constant 1 : i32
    scf.for %scan3A_1113 = %scan3A_1080 to %scan3A_1082 step %scan3A_1083  : i32 {
      %rem3A = arith.constant 2 : i32
      %rem3A_1114 = arith.remsi %scan3A_1113, %rem3A : i32
      %add3A_1115 = arith.constant 1 : i32
      %add3A_1116 = arith.addi %scan3A_1113, %add3A_1115 : i32
      %rem3A_1117 = arith.constant 2 : i32
      %rem3A_1118 = arith.remsi %add3A_1116, %rem3A_1117 : i32
      %mul3A_1119 = arith.constant 400 : i32
      %mul3A_1120 = arith.muli %scan3A_1113, %mul3A_1119 : i32
      %add3A_1121 = arith.addi %mul3A_2, %mul3A_1120 : i32
      %dma_start3A_1122 = arith.constant 0 : i32
      %dma_start3A_1123 = arith.constant 0 : i32
      %dma_start3A_1124 = tpu.memref_slice %arg7[%rem3A_1114, %dma_start3A_1122, %dma_start3A_1123] : memref<2x400x128xf32, #tpu.memory_space<vmem>> -> memref<1x400x128xf32, #tpu.memory_space<vmem>>
      %dma_start3A_1125 = tpu.memref_squeeze %dma_start3A_1124 : memref<1x400x128xf32, #tpu.memory_space<vmem>> -> memref<400x128xf32, #tpu.memory_space<vmem>>
      %dma_start3A_1126 = arith.constant 0 : i32
      %dma_start3A_1127 = tpu.memref_slice %arg4[%add3A_1121, %dma_start3A_1126] : memref<320000x128xf32, #tpu.memory_space<hbm>> -> memref<400x128xf32, #tpu.memory_space<hbm>>
      %dma_start3A_1128 = arith.constant 0 : i32
      %dma_start3A_1129 = tpu.memref_slice %arg4[%add3A_1121, %dma_start3A_1128] : memref<320000x128xf32, #tpu.memory_space<hbm>> -> memref<400x128xf32, #tpu.memory_space<hbm>>
      %dma_start3A_1130 = arith.constant 0 : i32
      %dma_start3A_1131 = arith.constant 0 : i32
      %dma_start3A_1132 = tpu.memref_slice %arg7[%rem3A_1114, %dma_start3A_1130, %dma_start3A_1131] : memref<2x400x128xf32, #tpu.memory_space<vmem>> -> memref<1x400x128xf32, #tpu.memory_space<vmem>>
      %dma_start3A_1133 = tpu.memref_squeeze %dma_start3A_1132 : memref<1x400x128xf32, #tpu.memory_space<vmem>> -> memref<400x128xf32, #tpu.memory_space<vmem>>
      tpu.enqueue_dma source(%dma_start3A_1133 : memref<400x128xf32, #tpu.memory_space<vmem>>) target(%dma_start3A_1129 : memref<400x128xf32, #tpu.memory_space<hbm>>) target_semaphore(%arg10 : memref<!tpu.dma_semaphore, #tpu.memory_space<semaphore_mem>>)
      %add3A_1134 = arith.constant 1 : i32
      %add3A_1135 = arith.addi %scan3A_1113, %add3A_1134 : i32
      %dma_wait3A_1136 = arith.constant 0 : i32
      %dma_wait3A_1137 = arith.constant 0 : i32
      %dma_wait3A_1138 = tpu.memref_slice %arg5[%rem3A_1118, %dma_wait3A_1136, %dma_wait3A_1137] : memref<2x3x400xi32, #tpu.memory_space<vmem>> -> memref<1x3x400xi32, #tpu.memory_space<vmem>>
      %dma_wait3A_1139 = tpu.memref_squeeze %dma_wait3A_1138 : memref<1x3x400xi32, #tpu.memory_space<vmem>> -> memref<3x400xi32, #tpu.memory_space<vmem>>
      %dma_wait3A_1140 = arith.constant 0 : i32
      %dma_wait3A_1141 = arith.constant 0 : i32
      %dma_wait3A_1142 = tpu.memref_slice %arg3[%add3A, %add3A_1135, %dma_wait3A_1140, %dma_wait3A_1141] : memref<32x25x3x400xi32, #tpu.memory_space<hbm>> -> memref<1x1x3x400xi32, #tpu.memory_space<hbm>>
      %dma_wait3A_1143 = tpu.memref_squeeze %dma_wait3A_1142 : memref<1x1x3x400xi32, #tpu.memory_space<hbm>> -> memref<3x400xi32, #tpu.memory_space<hbm>>
      %dma_wait3A_1144 = arith.constant 0 : i32
      %dma_wait3A_1145 = arith.constant 0 : i32
      %dma_wait3A_1146 = tpu.memref_slice %arg5[%rem3A_1118, %dma_wait3A_1144, %dma_wait3A_1145] : memref<2x3x400xi32, #tpu.memory_space<vmem>> -> memref<1x3x400xi32, #tpu.memory_space<vmem>>
      %dma_wait3A_1147 = tpu.memref_squeeze %dma_wait3A_1146 : memref<1x3x400xi32, #tpu.memory_space<vmem>> -> memref<3x400xi32, #tpu.memory_space<vmem>>
      %dma_wait3A_1148 = arith.constant 0 : i32
      %dma_wait3A_1149 = arith.constant 0 : i32
      %dma_wait3A_1150 = tpu.memref_slice %arg3[%add3A, %add3A_1135, %dma_wait3A_1148, %dma_wait3A_1149] : memref<32x25x3x400xi32, #tpu.memory_space<hbm>> -> memref<1x1x3x400xi32, #tpu.memory_space<hbm>>
      %dma_wait3A_1151 = tpu.memref_squeeze %dma_wait3A_1150 : memref<1x1x3x400xi32, #tpu.memory_space<hbm>> -> memref<3x400xi32, #tpu.memory_space<hbm>>
      tpu.wait_dma2 semaphore(%arg11 : memref<!tpu.dma_semaphore, #tpu.memory_space<semaphore_mem>>) src(%dma_wait3A_1151 : memref<3x400xi32, #tpu.memory_space<hbm>>) dst(%dma_wait3A_1147 : memref<3x400xi32, #tpu.memory_space<vmem>>)
      %get3A_1152 = arith.constant 0 : i32
      %get3A_1153 = arith.index_cast %rem3A_1118 : i32 to index
      %get3A_1154 = arith.index_cast %get3A_1152 : i32 to index
      %get3A_1155 = arith.constant 0 : index
      %get3A_1156 = tpu.vector_load %arg5[%get3A_1153, %get3A_1154, %get3A_1155] {strides = array<i32>} : memref<2x3x400xi32, #tpu.memory_space<vmem>>, vector<1x1x16xi32>,
      %get3A_1157 = vector.shape_cast %get3A_1156 : vector<1x1x16xi32> to vector<16xi32>
      %get3A_1158 = arith.constant 1 : i32
      %get3A_1159 = arith.index_cast %rem3A_1118 : i32 to index
      %get3A_1160 = arith.index_cast %get3A_1158 : i32 to index
      %get3A_1161 = arith.constant 0 : index
      %get3A_1162 = tpu.vector_load %arg5[%get3A_1159, %get3A_1160, %get3A_1161] {strides = array<i32>} : memref<2x3x400xi32, #tpu.memory_space<vmem>>, vector<1x1x16xi32>,
      %get3A_1163 = vector.shape_cast %get3A_1162 : vector<1x1x16xi32> to vector<16xi32>
      %get3A_1164 = arith.constant 2 : i32
      %get3A_1165 = arith.index_cast %rem3A_1118 : i32 to index
      %get3A_1166 = arith.index_cast %get3A_1164 : i32 to index
      %get3A_1167 = arith.constant 0 : index
      %get3A_1168 = tpu.vector_load %arg5[%get3A_1165, %get3A_1166, %get3A_1167] {strides = array<i32>} : memref<2x3x400xi32, #tpu.memory_space<vmem>>, vector<1x1x16xi32>,
      %get3A_1169 = vector.shape_cast %get3A_1168 : vector<1x1x16xi32> to vector<16xi32>
      %mul3A_1170 = arith.constant 12 : i32
      %mul3A_1171 = vector.broadcast %mul3A_1170 : i32 to vector<16xi32>
      %mul3A_1172 = arith.muli %get3A_1157, %mul3A_1171 : vector<16xi32>
      %mul3A_1173 = arith.constant 2 : i32
      %mul3A_1174 = vector.broadcast %mul3A_1173 : i32 to vector<16xi32>
      %mul3A_1175 = arith.muli %get3A_1163, %mul3A_1174 : vector<16xi32>
      %add3A_1176 = arith.addi %mul3A_1172, %mul3A_1175 : vector<16xi32>
      %add3A_1177 = arith.addi %add3A_1176, %get3A_1169 : vector<16xi32>
      %swap3A_1178 = arith.constant 0 : i32
      %swap3A_1179 = arith.index_cast %swap3A_1178 : i32 to index
      %swap3A_1180 = arith.constant 0 : index
      %swap3A_1181 = tpu.vector_load %arg6[%swap3A_1179, %swap3A_1180] {strides = array<i32>} : memref<5x80xi32, #tpu.memory_space<vmem>>, vector<1x16xi32>,
      %swap3A_1182 = vector.shape_cast %swap3A_1181 : vector<1x16xi32> to vector<16xi32>
      %swap3A_1183 = vector.shape_cast %add3A_1177 : vector<16xi32> to vector<1x16xi32>
      tpu.vector_store %arg6[%swap3A_1179, %swap3A_1180], %swap3A_1183 {strides = array<i32>} : memref<5x80xi32, #tpu.memory_space<vmem>>, vector<1x16xi32>,
      %get3A_1184 = arith.constant 0 : i32
      %get3A_1185 = arith.index_cast %rem3A_1118 : i32 to index
      %get3A_1186 = arith.index_cast %get3A_1184 : i32 to index
      %get3A_1187 = arith.constant 16 : index
      %get3A_1188 = tpu.vector_load %arg5[%get3A_1185, %get3A_1186, %get3A_1187] {strides = array<i32>} : memref<2x3x400xi32, #tpu.memory_space<vmem>>, vector<1x1x16xi32>,
      %get3A_1189 = vector.shape_cast %get3A_1188 : vector<1x1x16xi32> to vector<16xi32>
      %get3A_1190 = arith.constant 1 : i32
      %get3A_1191 = arith.index_cast %rem3A_1118 : i32 to index
      %get3A_1192 = arith.index_cast %get3A_1190 : i32 to index
      %get3A_1193 = arith.constant 16 : index
      %get3A_1194 = tpu.vector_load %arg5[%get3A_1191, %get3A_1192, %get3A_1193] {strides = array<i32>} : memref<2x3x400xi32, #tpu.memory_space<vmem>>, vector<1x1x16xi32>,
      %get3A_1195 = vector.shape_cast %get3A_1194 : vector<1x1x16xi32> to vector<16xi32>
      %get3A_1196 = arith.constant 2 : i32
      %get3A_1197 = arith.index_cast %rem3A_1118 : i32 to index
      %get3A_1198 = arith.index_cast %get3A_1196 : i32 to index
      %get3A_1199 = arith.constant 16 : index
      %get3A_1200 = tpu.vector_load %arg5[%get3A_1197, %get3A_1198, %get3A_1199] {strides = array<i32>} : memref<2x3x400xi32, #tpu.memory_space<vmem>>, vector<1x1x16xi32>,
      %get3A_1201 = vector.shape_cast %get3A_1200 : vector<1x1x16xi32> to vector<16xi32>
      %mul3A_1202 = arith.constant 12 : i32
      %mul3A_1203 = vector.broadcast %mul3A_1202 : i32 to vector<16xi32>
      %mul3A_1204 = arith.muli %get3A_1189, %mul3A_1203 : vector<16xi32>
      %mul3A_1205 = arith.constant 2 : i32
      %mul3A_1206 = vector.broadcast %mul3A_1205 : i32 to vector<16xi32>
      %mul3A_1207 = arith.muli %get3A_1195, %mul3A_1206 : vector<16xi32>
      %add3A_1208 = arith.addi %mul3A_1204, %mul3A_1207 : vector<16xi32>
      %add3A_1209 = arith.addi %add3A_1208, %get3A_1201 : vector<16xi32>
      %swap3A_1210 = arith.constant 0 : i32
      %swap3A_1211 = arith.index_cast %swap3A_1210 : i32 to index
      %swap3A_1212 = arith.constant 16 : index
      %swap3A_1213 = tpu.vector_load %arg6[%swap3A_1211, %swap3A_1212] {strides = array<i32>} : memref<5x80xi32, #tpu.memory_space<vmem>>, vector<1x16xi32>,
      %swap3A_1214 = vector.shape_cast %swap3A_1213 : vector<1x16xi32> to vector<16xi32>
      %swap3A_1215 = vector.shape_cast %add3A_1209 : vector<16xi32> to vector<1x16xi32>
      tpu.vector_store %arg6[%swap3A_1211, %swap3A_1212], %swap3A_1215 {strides = array<i32>} : memref<5x80xi32, #tpu.memory_space<vmem>>, vector<1x16xi32>,
      %get3A_1216 = arith.constant 0 : i32
      %get3A_1217 = arith.index_cast %rem3A_1118 : i32 to index
      %get3A_1218 = arith.index_cast %get3A_1216 : i32 to index
      %get3A_1219 = arith.constant 32 : index
      %get3A_1220 = tpu.vector_load %arg5[%get3A_1217, %get3A_1218, %get3A_1219] {strides = array<i32>} : memref<2x3x400xi32, #tpu.memory_space<vmem>>, vector<1x1x16xi32>,
      %get3A_1221 = vector.shape_cast %get3A_1220 : vector<1x1x16xi32> to vector<16xi32>
      %get3A_1222 = arith.constant 1 : i32
      %get3A_1223 = arith.index_cast %rem3A_1118 : i32 to index
      %get3A_1224 = arith.index_cast %get3A_1222 : i32 to index
      %get3A_1225 = arith.constant 32 : index
      %get3A_1226 = tpu.vector_load %arg5[%get3A_1223, %get3A_1224, %get3A_1225] {strides = array<i32>} : memref<2x3x400xi32, #tpu.memory_space<vmem>>, vector<1x1x16xi32>,
      %get3A_1227 = vector.shape_cast %get3A_1226 : vector<1x1x16xi32> to vector<16xi32>
      %get3A_1228 = arith.constant 2 : i32
      %get3A_1229 = arith.index_cast %rem3A_1118 : i32 to index
      %get3A_1230 = arith.index_cast %get3A_1228 : i32 to index
      %get3A_1231 = arith.constant 32 : index
      %get3A_1232 = tpu.vector_load %arg5[%get3A_1229, %get3A_1230, %get3A_1231] {strides = array<i32>} : memref<2x3x400xi32, #tpu.memory_space<vmem>>, vector<1x1x16xi32>,
      %get3A_1233 = vector.shape_cast %get3A_1232 : vector<1x1x16xi32> to vector<16xi32>
      %mul3A_1234 = arith.constant 12 : i32
      %mul3A_1235 = vector.broadcast %mul3A_1234 : i32 to vector<16xi32>
      %mul3A_1236 = arith.muli %get3A_1221, %mul3A_1235 : vector<16xi32>
      %mul3A_1237 = arith.constant 2 : i32
      %mul3A_1238 = vector.broadcast %mul3A_1237 : i32 to vector<16xi32>
      %mul3A_1239 = arith.muli %get3A_1227, %mul3A_1238 : vector<16xi32>
      %add3A_1240 = arith.addi %mul3A_1236, %mul3A_1239 : vector<16xi32>
      %add3A_1241 = arith.addi %add3A_1240, %get3A_1233 : vector<16xi32>
      %swap3A_1242 = arith.constant 0 : i32
      %swap3A_1243 = arith.index_cast %swap3A_1242 : i32 to index
      %swap3A_1244 = arith.constant 32 : index
      %swap3A_1245 = tpu.vector_load %arg6[%swap3A_1243, %swap3A_1244] {strides = array<i32>} : memref<5x80xi32, #tpu.memory_space<vmem>>, vector<1x16xi32>,
      %swap3A_1246 = vector.shape_cast %swap3A_1245 : vector<1x16xi32> to vector<16xi32>
      %swap3A_1247 = vector.shape_cast %add3A_1241 : vector<16xi32> to vector<1x16xi32>
      tpu.vector_store %arg6[%swap3A_1243, %swap3A_1244], %swap3A_1247 {strides = array<i32>} : memref<5x80xi32, #tpu.memory_space<vmem>>, vector<1x16xi32>,
      %get3A_1248 = arith.constant 0 : i32
      %get3A_1249 = arith.index_cast %rem3A_1118 : i32 to index
      %get3A_1250 = arith.index_cast %get3A_1248 : i32 to index
      %get3A_1251 = arith.constant 48 : index
      %get3A_1252 = tpu.vector_load %arg5[%get3A_1249, %get3A_1250, %get3A_1251] {strides = array<i32>} : memref<2x3x400xi32, #tpu.memory_space<vmem>>, vector<1x1x16xi32>,
      %get3A_1253 = vector.shape_cast %get3A_1252 : vector<1x1x16xi32> to vector<16xi32>
      %get3A_1254 = arith.constant 1 : i32
      %get3A_1255 = arith.index_cast %rem3A_1118 : i32 to index
      %get3A_1256 = arith.index_cast %get3A_1254 : i32 to index
      %get3A_1257 = arith.constant 48 : index
      %get3A_1258 = tpu.vector_load %arg5[%get3A_1255, %get3A_1256, %get3A_1257] {strides = array<i32>} : memref<2x3x400xi32, #tpu.memory_space<vmem>>, vector<1x1x16xi32>,
      %get3A_1259 = vector.shape_cast %get3A_1258 : vector<1x1x16xi32> to vector<16xi32>
      %get3A_1260 = arith.constant 2 : i32
      %get3A_1261 = arith.index_cast %rem3A_1118 : i32 to index
      %get3A_1262 = arith.index_cast %get3A_1260 : i32 to index
      %get3A_1263 = arith.constant 48 : index
      %get3A_1264 = tpu.vector_load %arg5[%get3A_1261, %get3A_1262, %get3A_1263] {strides = array<i32>} : memref<2x3x400xi32, #tpu.memory_space<vmem>>, vector<1x1x16xi32>,
      %get3A_1265 = vector.shape_cast %get3A_1264 : vector<1x1x16xi32> to vector<16xi32>
      %mul3A_1266 = arith.constant 12 : i32
      %mul3A_1267 = vector.broadcast %mul3A_1266 : i32 to vector<16xi32>
      %mul3A_1268 = arith.muli %get3A_1253, %mul3A_1267 : vector<16xi32>
      %mul3A_1269 = arith.constant 2 : i32
      %mul3A_1270 = vector.broadcast %mul3A_1269 : i32 to vector<16xi32>
      %mul3A_1271 = arith.muli %get3A_1259, %mul3A_1270 : vector<16xi32>
      %add3A_1272 = arith.addi %mul3A_1268, %mul3A_1271 : vector<16xi32>
      %add3A_1273 = arith.addi %add3A_1272, %get3A_1265 : vector<16xi32>
      %swap3A_1274 = arith.constant 0 : i32
      %swap3A_1275 = arith.index_cast %swap3A_1274 : i32 to index
      %swap3A_1276 = arith.constant 48 : index
      %swap3A_1277 = tpu.vector_load %arg6[%swap3A_1275, %swap3A_1276] {strides = array<i32>} : memref<5x80xi32, #tpu.memory_space<vmem>>, vector<1x16xi32>,
      %swap3A_1278 = vector.shape_cast %swap3A_1277 : vector<1x16xi32> to vector<16xi32>
      %swap3A_1279 = vector.shape_cast %add3A_1273 : vector<16xi32> to vector<1x16xi32>
      tpu.vector_store %arg6[%swap3A_1275, %swap3A_1276], %swap3A_1279 {strides = array<i32>} : memref<5x80xi32, #tpu.memory_space<vmem>>, vector<1x16xi32>,
      %get3A_1280 = arith.constant 0 : i32
      %get3A_1281 = arith.index_cast %rem3A_1118 : i32 to index
      %get3A_1282 = arith.index_cast %get3A_1280 : i32 to index
      %get3A_1283 = arith.constant 64 : index
      %get3A_1284 = tpu.vector_load %arg5[%get3A_1281, %get3A_1282, %get3A_1283] {strides = array<i32>} : memref<2x3x400xi32, #tpu.memory_space<vmem>>, vector<1x1x16xi32>,
      %get3A_1285 = vector.shape_cast %get3A_1284 : vector<1x1x16xi32> to vector<16xi32>
      %get3A_1286 = arith.constant 1 : i32
      %get3A_1287 = arith.index_cast %rem3A_1118 : i32 to index
      %get3A_1288 = arith.index_cast %get3A_1286 : i32 to index
      %get3A_1289 = arith.constant 64 : index
      %get3A_1290 = tpu.vector_load %arg5[%get3A_1287, %get3A_1288, %get3A_1289] {strides = array<i32>} : memref<2x3x400xi32, #tpu.memory_space<vmem>>, vector<1x1x16xi32>,
      %get3A_1291 = vector.shape_cast %get3A_1290 : vector<1x1x16xi32> to vector<16xi32>
      %get3A_1292 = arith.constant 2 : i32
      %get3A_1293 = arith.index_cast %rem3A_1118 : i32 to index
      %get3A_1294 = arith.index_cast %get3A_1292 : i32 to index
      %get3A_1295 = arith.constant 64 : index
      %get3A_1296 = tpu.vector_load %arg5[%get3A_1293, %get3A_1294, %get3A_1295] {strides = array<i32>} : memref<2x3x400xi32, #tpu.memory_space<vmem>>, vector<1x1x16xi32>,
      %get3A_1297 = vector.shape_cast %get3A_1296 : vector<1x1x16xi32> to vector<16xi32>
      %mul3A_1298 = arith.constant 12 : i32
      %mul3A_1299 = vector.broadcast %mul3A_1298 : i32 to vector<16xi32>
      %mul3A_1300 = arith.muli %get3A_1285, %mul3A_1299 : vector<16xi32>
      %mul3A_1301 = arith.constant 2 : i32
      %mul3A_1302 = vector.broadcast %mul3A_1301 : i32 to vector<16xi32>
      %mul3A_1303 = arith.muli %get3A_1291, %mul3A_1302 : vector<16xi32>
      %add3A_1304 = arith.addi %mul3A_1300, %mul3A_1303 : vector<16xi32>
      %add3A_1305 = arith.addi %add3A_1304, %get3A_1297 : vector<16xi32>
      %swap3A_1306 = arith.constant 0 : i32
      %swap3A_1307 = arith.index_cast %swap3A_1306 : i32 to index
      %swap3A_1308 = arith.constant 64 : index
      %swap3A_1309 = tpu.vector_load %arg6[%swap3A_1307, %swap3A_1308] {strides = array<i32>} : memref<5x80xi32, #tpu.memory_space<vmem>>, vector<1x16xi32>,
      %swap3A_1310 = vector.shape_cast %swap3A_1309 : vector<1x16xi32> to vector<16xi32>
      %swap3A_1311 = vector.shape_cast %add3A_1305 : vector<16xi32> to vector<1x16xi32>
      tpu.vector_store %arg6[%swap3A_1307, %swap3A_1308], %swap3A_1311 {strides = array<i32>} : memref<5x80xi32, #tpu.memory_space<vmem>>, vector<1x16xi32>,
      %get3A_1312 = arith.constant 0 : i32
      %get3A_1313 = arith.index_cast %rem3A_1118 : i32 to index
      %get3A_1314 = arith.index_cast %get3A_1312 : i32 to index
      %get3A_1315 = arith.constant 80 : index
      %get3A_1316 = tpu.vector_load %arg5[%get3A_1313, %get3A_1314, %get3A_1315] {strides = array<i32>} : memref<2x3x400xi32, #tpu.memory_space<vmem>>, vector<1x1x16xi32>,
      %get3A_1317 = vector.shape_cast %get3A_1316 : vector<1x1x16xi32> to vector<16xi32>
      %get3A_1318 = arith.constant 1 : i32
      %get3A_1319 = arith.index_cast %rem3A_1118 : i32 to index
      %get3A_1320 = arith.index_cast %get3A_1318 : i32 to index
      %get3A_1321 = arith.constant 80 : index
      %get3A_1322 = tpu.vector_load %arg5[%get3A_1319, %get3A_1320, %get3A_1321] {strides = array<i32>} : memref<2x3x400xi32, #tpu.memory_space<vmem>>, vector<1x1x16xi32>,
      %get3A_1323 = vector.shape_cast %get3A_1322 : vector<1x1x16xi32> to vector<16xi32>
      %get3A_1324 = arith.constant 2 : i32
      %get3A_1325 = arith.index_cast %rem3A_1118 : i32 to index
      %get3A_1326 = arith.index_cast %get3A_1324 : i32 to index
      %get3A_1327 = arith.constant 80 : index
      %get3A_1328 = tpu.vector_load %arg5[%get3A_1325, %get3A_1326, %get3A_1327] {strides = array<i32>} : memref<2x3x400xi32, #tpu.memory_space<vmem>>, vector<1x1x16xi32>,
      %get3A_1329 = vector.shape_cast %get3A_1328 : vector<1x1x16xi32> to vector<16xi32>
      %mul3A_1330 = arith.constant 12 : i32
      %mul3A_1331 = vector.broadcast %mul3A_1330 : i32 to vector<16xi32>
      %mul3A_1332 = arith.muli %get3A_1317, %mul3A_1331 : vector<16xi32>
      %mul3A_1333 = arith.constant 2 : i32
      %mul3A_1334 = vector.broadcast %mul3A_1333 : i32 to vector<16xi32>
      %mul3A_1335 = arith.muli %get3A_1323, %mul3A_1334 : vector<16xi32>
      %add3A_1336 = arith.addi %mul3A_1332, %mul3A_1335 : vector<16xi32>
      %add3A_1337 = arith.addi %add3A_1336, %get3A_1329 : vector<16xi32>
      %swap3A_1338 = arith.constant 1 : i32
      %swap3A_1339 = arith.index_cast %swap3A_1338 : i32 to index
      %swap3A_1340 = arith.constant 0 : index
      %swap3A_1341 = tpu.vector_load %arg6[%swap3A_1339, %swap3A_1340] {strides = array<i32>} : memref<5x80xi32, #tpu.memory_space<vmem>>, vector<1x16xi32>,
      %swap3A_1342 = vector.shape_cast %swap3A_1341 : vector<1x16xi32> to vector<16xi32>
      %swap3A_1343 = vector.shape_cast %add3A_1337 : vector<16xi32> to vector<1x16xi32>
      tpu.vector_store %arg6[%swap3A_1339, %swap3A_1340], %swap3A_1343 {strides = array<i32>} : memref<5x80xi32, #tpu.memory_space<vmem>>, vector<1x16xi32>,
      %get3A_1344 = arith.constant 0 : i32
      %get3A_1345 = arith.index_cast %rem3A_1118 : i32 to index
      %get3A_1346 = arith.index_cast %get3A_1344 : i32 to index
      %get3A_1347 = arith.constant 96 : index
      %get3A_1348 = tpu.vector_load %arg5[%get3A_1345, %get3A_1346, %get3A_1347] {strides = array<i32>} : memref<2x3x400xi32, #tpu.memory_space<vmem>>, vector<1x1x16xi32>,
      %get3A_1349 = vector.shape_cast %get3A_1348 : vector<1x1x16xi32> to vector<16xi32>
      %get3A_1350 = arith.constant 1 : i32
      %get3A_1351 = arith.index_cast %rem3A_1118 : i32 to index
      %get3A_1352 = arith.index_cast %get3A_1350 : i32 to index
      %get3A_1353 = arith.constant 96 : index
      %get3A_1354 = tpu.vector_load %arg5[%get3A_1351, %get3A_1352, %get3A_1353] {strides = array<i32>} : memref<2x3x400xi32, #tpu.memory_space<vmem>>, vector<1x1x16xi32>,
      %get3A_1355 = vector.shape_cast %get3A_1354 : vector<1x1x16xi32> to vector<16xi32>
      %get3A_1356 = arith.constant 2 : i32
      %get3A_1357 = arith.index_cast %rem3A_1118 : i32 to index
      %get3A_1358 = arith.index_cast %get3A_1356 : i32 to index
      %get3A_1359 = arith.constant 96 : index
      %get3A_1360 = tpu.vector_load %arg5[%get3A_1357, %get3A_1358, %get3A_1359] {strides = array<i32>} : memref<2x3x400xi32, #tpu.memory_space<vmem>>, vector<1x1x16xi32>,
      %get3A_1361 = vector.shape_cast %get3A_1360 : vector<1x1x16xi32> to vector<16xi32>
      %mul3A_1362 = arith.constant 12 : i32
      %mul3A_1363 = vector.broadcast %mul3A_1362 : i32 to vector<16xi32>
      %mul3A_1364 = arith.muli %get3A_1349, %mul3A_1363 : vector<16xi32>
      %mul3A_1365 = arith.constant 2 : i32
      %mul3A_1366 = vector.broadcast %mul3A_1365 : i32 to vector<16xi32>
      %mul3A_1367 = arith.muli %get3A_1355, %mul3A_1366 : vector<16xi32>
      %add3A_1368 = arith.addi %mul3A_1364, %mul3A_1367 : vector<16xi32>
      %add3A_1369 = arith.addi %add3A_1368, %get3A_1361 : vector<16xi32>
      %swap3A_1370 = arith.constant 1 : i32
      %swap3A_1371 = arith.index_cast %swap3A_1370 : i32 to index
      %swap3A_1372 = arith.constant 16 : index
      %swap3A_1373 = tpu.vector_load %arg6[%swap3A_1371, %swap3A_1372] {strides = array<i32>} : memref<5x80xi32, #tpu.memory_space<vmem>>, vector<1x16xi32>,
      %swap3A_1374 = vector.shape_cast %swap3A_1373 : vector<1x16xi32> to vector<16xi32>
      %swap3A_1375 = vector.shape_cast %add3A_1369 : vector<16xi32> to vector<1x16xi32>
      tpu.vector_store %arg6[%swap3A_1371, %swap3A_1372], %swap3A_1375 {strides = array<i32>} : memref<5x80xi32, #tpu.memory_space<vmem>>, vector<1x16xi32>,
      %get3A_1376 = arith.constant 0 : i32
      %get3A_1377 = arith.index_cast %rem3A_1118 : i32 to index
      %get3A_1378 = arith.index_cast %get3A_1376 : i32 to index
      %get3A_1379 = arith.constant 112 : index
      %get3A_1380 = tpu.vector_load %arg5[%get3A_1377, %get3A_1378, %get3A_1379] {strides = array<i32>} : memref<2x3x400xi32, #tpu.memory_space<vmem>>, vector<1x1x16xi32>,
      %get3A_1381 = vector.shape_cast %get3A_1380 : vector<1x1x16xi32> to vector<16xi32>
      %get3A_1382 = arith.constant 1 : i32
      %get3A_1383 = arith.index_cast %rem3A_1118 : i32 to index
      %get3A_1384 = arith.index_cast %get3A_1382 : i32 to index
      %get3A_1385 = arith.constant 112 : index
      %get3A_1386 = tpu.vector_load %arg5[%get3A_1383, %get3A_1384, %get3A_1385] {strides = array<i32>} : memref<2x3x400xi32, #tpu.memory_space<vmem>>, vector<1x1x16xi32>,
      %get3A_1387 = vector.shape_cast %get3A_1386 : vector<1x1x16xi32> to vector<16xi32>
      %get3A_1388 = arith.constant 2 : i32
      %get3A_1389 = arith.index_cast %rem3A_1118 : i32 to index
      %get3A_1390 = arith.index_cast %get3A_1388 : i32 to index
      %get3A_1391 = arith.constant 112 : index
      %get3A_1392 = tpu.vector_load %arg5[%get3A_1389, %get3A_1390, %get3A_1391] {strides = array<i32>} : memref<2x3x400xi32, #tpu.memory_space<vmem>>, vector<1x1x16xi32>,
      %get3A_1393 = vector.shape_cast %get3A_1392 : vector<1x1x16xi32> to vector<16xi32>
      %mul3A_1394 = arith.constant 12 : i32
      %mul3A_1395 = vector.broadcast %mul3A_1394 : i32 to vector<16xi32>
      %mul3A_1396 = arith.muli %get3A_1381, %mul3A_1395 : vector<16xi32>
      %mul3A_1397 = arith.constant 2 : i32
      %mul3A_1398 = vector.broadcast %mul3A_1397 : i32 to vector<16xi32>
      %mul3A_1399 = arith.muli %get3A_1387, %mul3A_1398 : vector<16xi32>
      %add3A_1400 = arith.addi %mul3A_1396, %mul3A_1399 : vector<16xi32>
      %add3A_1401 = arith.addi %add3A_1400, %get3A_1393 : vector<16xi32>
      %swap3A_1402 = arith.constant 1 : i32
      %swap3A_1403 = arith.index_cast %swap3A_1402 : i32 to index
      %swap3A_1404 = arith.constant 32 : index
      %swap3A_1405 = tpu.vector_load %arg6[%swap3A_1403, %swap3A_1404] {strides = array<i32>} : memref<5x80xi32, #tpu.memory_space<vmem>>, vector<1x16xi32>,
      %swap3A_1406 = vector.shape_cast %swap3A_1405 : vector<1x16xi32> to vector<16xi32>
      %swap3A_1407 = vector.shape_cast %add3A_1401 : vector<16xi32> to vector<1x16xi32>
      tpu.vector_store %arg6[%swap3A_1403, %swap3A_1404], %swap3A_1407 {strides = array<i32>} : memref<5x80xi32, #tpu.memory_space<vmem>>, vector<1x16xi32>,
      %get3A_1408 = arith.constant 0 : i32
      %get3A_1409 = arith.index_cast %rem3A_1118 : i32 to index
      %get3A_1410 = arith.index_cast %get3A_1408 : i32 to index
      %get3A_1411 = arith.constant 128 : index
      %get3A_1412 = tpu.vector_load %arg5[%get3A_1409, %get3A_1410, %get3A_1411] {strides = array<i32>} : memref<2x3x400xi32, #tpu.memory_space<vmem>>, vector<1x1x16xi32>,
      %get3A_1413 = vector.shape_cast %get3A_1412 : vector<1x1x16xi32> to vector<16xi32>
      %get3A_1414 = arith.constant 1 : i32
      %get3A_1415 = arith.index_cast %rem3A_1118 : i32 to index
      %get3A_1416 = arith.index_cast %get3A_1414 : i32 to index
      %get3A_1417 = arith.constant 128 : index
      %get3A_1418 = tpu.vector_load %arg5[%get3A_1415, %get3A_1416, %get3A_1417] {strides = array<i32>} : memref<2x3x400xi32, #tpu.memory_space<vmem>>, vector<1x1x16xi32>,
      %get3A_1419 = vector.shape_cast %get3A_1418 : vector<1x1x16xi32> to vector<16xi32>
      %get3A_1420 = arith.constant 2 : i32
      %get3A_1421 = arith.index_cast %rem3A_1118 : i32 to index
      %get3A_1422 = arith.index_cast %get3A_1420 : i32 to index
      %get3A_1423 = arith.constant 128 : index
      %get3A_1424 = tpu.vector_load %arg5[%get3A_1421, %get3A_1422, %get3A_1423] {strides = array<i32>} : memref<2x3x400xi32, #tpu.memory_space<vmem>>, vector<1x1x16xi32>,
      %get3A_1425 = vector.shape_cast %get3A_1424 : vector<1x1x16xi32> to vector<16xi32>
      %mul3A_1426 = arith.constant 12 : i32
      %mul3A_1427 = vector.broadcast %mul3A_1426 : i32 to vector<16xi32>
      %mul3A_1428 = arith.muli %get3A_1413, %mul3A_1427 : vector<16xi32>
      %mul3A_1429 = arith.constant 2 : i32
      %mul3A_1430 = vector.broadcast %mul3A_1429 : i32 to vector<16xi32>
      %mul3A_1431 = arith.muli %get3A_1419, %mul3A_1430 : vector<16xi32>
      %add3A_1432 = arith.addi %mul3A_1428, %mul3A_1431 : vector<16xi32>
      %add3A_1433 = arith.addi %add3A_1432, %get3A_1425 : vector<16xi32>
      %swap3A_1434 = arith.constant 1 : i32
      %swap3A_1435 = arith.index_cast %swap3A_1434 : i32 to index
      %swap3A_1436 = arith.constant 48 : index
      %swap3A_1437 = tpu.vector_load %arg6[%swap3A_1435, %swap3A_1436] {strides = array<i32>} : memref<5x80xi32, #tpu.memory_space<vmem>>, vector<1x16xi32>,
      %swap3A_1438 = vector.shape_cast %swap3A_1437 : vector<1x16xi32> to vector<16xi32>
      %swap3A_1439 = vector.shape_cast %add3A_1433 : vector<16xi32> to vector<1x16xi32>
      tpu.vector_store %arg6[%swap3A_1435, %swap3A_1436], %swap3A_1439 {strides = array<i32>} : memref<5x80xi32, #tpu.memory_space<vmem>>, vector<1x16xi32>,
      %get3A_1440 = arith.constant 0 : i32
      %get3A_1441 = arith.index_cast %rem3A_1118 : i32 to index
      %get3A_1442 = arith.index_cast %get3A_1440 : i32 to index
      %get3A_1443 = arith.constant 144 : index
      %get3A_1444 = tpu.vector_load %arg5[%get3A_1441, %get3A_1442, %get3A_1443] {strides = array<i32>} : memref<2x3x400xi32, #tpu.memory_space<vmem>>, vector<1x1x16xi32>,
      %get3A_1445 = vector.shape_cast %get3A_1444 : vector<1x1x16xi32> to vector<16xi32>
      %get3A_1446 = arith.constant 1 : i32
      %get3A_1447 = arith.index_cast %rem3A_1118 : i32 to index
      %get3A_1448 = arith.index_cast %get3A_1446 : i32 to index
      %get3A_1449 = arith.constant 144 : index
      %get3A_1450 = tpu.vector_load %arg5[%get3A_1447, %get3A_1448, %get3A_1449] {strides = array<i32>} : memref<2x3x400xi32, #tpu.memory_space<vmem>>, vector<1x1x16xi32>,
      %get3A_1451 = vector.shape_cast %get3A_1450 : vector<1x1x16xi32> to vector<16xi32>
      %get3A_1452 = arith.constant 2 : i32
      %get3A_1453 = arith.index_cast %rem3A_1118 : i32 to index
      %get3A_1454 = arith.index_cast %get3A_1452 : i32 to index
      %get3A_1455 = arith.constant 144 : index
      %get3A_1456 = tpu.vector_load %arg5[%get3A_1453, %get3A_1454, %get3A_1455] {strides = array<i32>} : memref<2x3x400xi32, #tpu.memory_space<vmem>>, vector<1x1x16xi32>,
      %get3A_1457 = vector.shape_cast %get3A_1456 : vector<1x1x16xi32> to vector<16xi32>
      %mul3A_1458 = arith.constant 12 : i32
      %mul3A_1459 = vector.broadcast %mul3A_1458 : i32 to vector<16xi32>
      %mul3A_1460 = arith.muli %get3A_1445, %mul3A_1459 : vector<16xi32>
      %mul3A_1461 = arith.constant 2 : i32
      %mul3A_1462 = vector.broadcast %mul3A_1461 : i32 to vector<16xi32>
      %mul3A_1463 = arith.muli %get3A_1451, %mul3A_1462 : vector<16xi32>
      %add3A_1464 = arith.addi %mul3A_1460, %mul3A_1463 : vector<16xi32>
      %add3A_1465 = arith.addi %add3A_1464, %get3A_1457 : vector<16xi32>
      %swap3A_1466 = arith.constant 1 : i32
      %swap3A_1467 = arith.index_cast %swap3A_1466 : i32 to index
      %swap3A_1468 = arith.constant 64 : index
      %swap3A_1469 = tpu.vector_load %arg6[%swap3A_1467, %swap3A_1468] {strides = array<i32>} : memref<5x80xi32, #tpu.memory_space<vmem>>, vector<1x16xi32>,
      %swap3A_1470 = vector.shape_cast %swap3A_1469 : vector<1x16xi32> to vector<16xi32>
      %swap3A_1471 = vector.shape_cast %add3A_1465 : vector<16xi32> to vector<1x16xi32>
      tpu.vector_store %arg6[%swap3A_1467, %swap3A_1468], %swap3A_1471 {strides = array<i32>} : memref<5x80xi32, #tpu.memory_space<vmem>>, vector<1x16xi32>,
      %get3A_1472 = arith.constant 0 : i32
      %get3A_1473 = arith.index_cast %rem3A_1118 : i32 to index
      %get3A_1474 = arith.index_cast %get3A_1472 : i32 to index
      %get3A_1475 = arith.constant 160 : index
      %get3A_1476 = tpu.vector_load %arg5[%get3A_1473, %get3A_1474, %get3A_1475] {strides = array<i32>} : memref<2x3x400xi32, #tpu.memory_space<vmem>>, vector<1x1x16xi32>,
      %get3A_1477 = vector.shape_cast %get3A_1476 : vector<1x1x16xi32> to vector<16xi32>
      %get3A_1478 = arith.constant 1 : i32
      %get3A_1479 = arith.index_cast %rem3A_1118 : i32 to index
      %get3A_1480 = arith.index_cast %get3A_1478 : i32 to index
      %get3A_1481 = arith.constant 160 : index
      %get3A_1482 = tpu.vector_load %arg5[%get3A_1479, %get3A_1480, %get3A_1481] {strides = array<i32>} : memref<2x3x400xi32, #tpu.memory_space<vmem>>, vector<1x1x16xi32>,
      %get3A_1483 = vector.shape_cast %get3A_1482 : vector<1x1x16xi32> to vector<16xi32>
      %get3A_1484 = arith.constant 2 : i32
      %get3A_1485 = arith.index_cast %rem3A_1118 : i32 to index
      %get3A_1486 = arith.index_cast %get3A_1484 : i32 to index
      %get3A_1487 = arith.constant 160 : index
      %get3A_1488 = tpu.vector_load %arg5[%get3A_1485, %get3A_1486, %get3A_1487] {strides = array<i32>} : memref<2x3x400xi32, #tpu.memory_space<vmem>>, vector<1x1x16xi32>,
      %get3A_1489 = vector.shape_cast %get3A_1488 : vector<1x1x16xi32> to vector<16xi32>
      %mul3A_1490 = arith.constant 12 : i32
      %mul3A_1491 = vector.broadcast %mul3A_1490 : i32 to vector<16xi32>
      %mul3A_1492 = arith.muli %get3A_1477, %mul3A_1491 : vector<16xi32>
      %mul3A_1493 = arith.constant 2 : i32
      %mul3A_1494 = vector.broadcast %mul3A_1493 : i32 to vector<16xi32>
      %mul3A_1495 = arith.muli %get3A_1483, %mul3A_1494 : vector<16xi32>
      %add3A_1496 = arith.addi %mul3A_1492, %mul3A_1495 : vector<16xi32>
      %add3A_1497 = arith.addi %add3A_1496, %get3A_1489 : vector<16xi32>
      %swap3A_1498 = arith.constant 2 : i32
      %swap3A_1499 = arith.index_cast %swap3A_1498 : i32 to index
      %swap3A_1500 = arith.constant 0 : index
      %swap3A_1501 = tpu.vector_load %arg6[%swap3A_1499, %swap3A_1500] {strides = array<i32>} : memref<5x80xi32, #tpu.memory_space<vmem>>, vector<1x16xi32>,
      %swap3A_1502 = vector.shape_cast %swap3A_1501 : vector<1x16xi32> to vector<16xi32>
      %swap3A_1503 = vector.shape_cast %add3A_1497 : vector<16xi32> to vector<1x16xi32>
      tpu.vector_store %arg6[%swap3A_1499, %swap3A_1500], %swap3A_1503 {strides = array<i32>} : memref<5x80xi32, #tpu.memory_space<vmem>>, vector<1x16xi32>,
      %get3A_1504 = arith.constant 0 : i32
      %get3A_1505 = arith.index_cast %rem3A_1118 : i32 to index
      %get3A_1506 = arith.index_cast %get3A_1504 : i32 to index
      %get3A_1507 = arith.constant 176 : index
      %get3A_1508 = tpu.vector_load %arg5[%get3A_1505, %get3A_1506, %get3A_1507] {strides = array<i32>} : memref<2x3x400xi32, #tpu.memory_space<vmem>>, vector<1x1x16xi32>,
      %get3A_1509 = vector.shape_cast %get3A_1508 : vector<1x1x16xi32> to vector<16xi32>
      %get3A_1510 = arith.constant 1 : i32
      %get3A_1511 = arith.index_cast %rem3A_1118 : i32 to index
      %get3A_1512 = arith.index_cast %get3A_1510 : i32 to index
      %get3A_1513 = arith.constant 176 : index
      %get3A_1514 = tpu.vector_load %arg5[%get3A_1511, %get3A_1512, %get3A_1513] {strides = array<i32>} : memref<2x3x400xi32, #tpu.memory_space<vmem>>, vector<1x1x16xi32>,
      %get3A_1515 = vector.shape_cast %get3A_1514 : vector<1x1x16xi32> to vector<16xi32>
      %get3A_1516 = arith.constant 2 : i32
      %get3A_1517 = arith.index_cast %rem3A_1118 : i32 to index
      %get3A_1518 = arith.index_cast %get3A_1516 : i32 to index
      %get3A_1519 = arith.constant 176 : index
      %get3A_1520 = tpu.vector_load %arg5[%get3A_1517, %get3A_1518, %get3A_1519] {strides = array<i32>} : memref<2x3x400xi32, #tpu.memory_space<vmem>>, vector<1x1x16xi32>,
      %get3A_1521 = vector.shape_cast %get3A_1520 : vector<1x1x16xi32> to vector<16xi32>
      %mul3A_1522 = arith.constant 12 : i32
      %mul3A_1523 = vector.broadcast %mul3A_1522 : i32 to vector<16xi32>
      %mul3A_1524 = arith.muli %get3A_1509, %mul3A_1523 : vector<16xi32>
      %mul3A_1525 = arith.constant 2 : i32
      %mul3A_1526 = vector.broadcast %mul3A_1525 : i32 to vector<16xi32>
      %mul3A_1527 = arith.muli %get3A_1515, %mul3A_1526 : vector<16xi32>
      %add3A_1528 = arith.addi %mul3A_1524, %mul3A_1527 : vector<16xi32>
      %add3A_1529 = arith.addi %add3A_1528, %get3A_1521 : vector<16xi32>
      %swap3A_1530 = arith.constant 2 : i32
      %swap3A_1531 = arith.index_cast %swap3A_1530 : i32 to index
      %swap3A_1532 = arith.constant 16 : index
      %swap3A_1533 = tpu.vector_load %arg6[%swap3A_1531, %swap3A_1532] {strides = array<i32>} : memref<5x80xi32, #tpu.memory_space<vmem>>, vector<1x16xi32>,
      %swap3A_1534 = vector.shape_cast %swap3A_1533 : vector<1x16xi32> to vector<16xi32>
      %swap3A_1535 = vector.shape_cast %add3A_1529 : vector<16xi32> to vector<1x16xi32>
      tpu.vector_store %arg6[%swap3A_1531, %swap3A_1532], %swap3A_1535 {strides = array<i32>} : memref<5x80xi32, #tpu.memory_space<vmem>>, vector<1x16xi32>,
      %get3A_1536 = arith.constant 0 : i32
      %get3A_1537 = arith.index_cast %rem3A_1118 : i32 to index
      %get3A_1538 = arith.index_cast %get3A_1536 : i32 to index
      %get3A_1539 = arith.constant 192 : index
      %get3A_1540 = tpu.vector_load %arg5[%get3A_1537, %get3A_1538, %get3A_1539] {strides = array<i32>} : memref<2x3x400xi32, #tpu.memory_space<vmem>>, vector<1x1x16xi32>,
      %get3A_1541 = vector.shape_cast %get3A_1540 : vector<1x1x16xi32> to vector<16xi32>
      %get3A_1542 = arith.constant 1 : i32
      %get3A_1543 = arith.index_cast %rem3A_1118 : i32 to index
      %get3A_1544 = arith.index_cast %get3A_1542 : i32 to index
      %get3A_1545 = arith.constant 192 : index
      %get3A_1546 = tpu.vector_load %arg5[%get3A_1543, %get3A_1544, %get3A_1545] {strides = array<i32>} : memref<2x3x400xi32, #tpu.memory_space<vmem>>, vector<1x1x16xi32>,
      %get3A_1547 = vector.shape_cast %get3A_1546 : vector<1x1x16xi32> to vector<16xi32>
      %get3A_1548 = arith.constant 2 : i32
      %get3A_1549 = arith.index_cast %rem3A_1118 : i32 to index
      %get3A_1550 = arith.index_cast %get3A_1548 : i32 to index
      %get3A_1551 = arith.constant 192 : index
      %get3A_1552 = tpu.vector_load %arg5[%get3A_1549, %get3A_1550, %get3A_1551] {strides = array<i32>} : memref<2x3x400xi32, #tpu.memory_space<vmem>>, vector<1x1x16xi32>,
      %get3A_1553 = vector.shape_cast %get3A_1552 : vector<1x1x16xi32> to vector<16xi32>
      %mul3A_1554 = arith.constant 12 : i32
      %mul3A_1555 = vector.broadcast %mul3A_1554 : i32 to vector<16xi32>
      %mul3A_1556 = arith.muli %get3A_1541, %mul3A_1555 : vector<16xi32>
      %mul3A_1557 = arith.constant 2 : i32
      %mul3A_1558 = vector.broadcast %mul3A_1557 : i32 to vector<16xi32>
      %mul3A_1559 = arith.muli %get3A_1547, %mul3A_1558 : vector<16xi32>
      %add3A_1560 = arith.addi %mul3A_1556, %mul3A_1559 : vector<16xi32>
      %add3A_1561 = arith.addi %add3A_1560, %get3A_1553 : vector<16xi32>
      %swap3A_1562 = arith.constant 2 : i32
      %swap3A_1563 = arith.index_cast %swap3A_1562 : i32 to index
      %swap3A_1564 = arith.constant 32 : index
      %swap3A_1565 = tpu.vector_load %arg6[%swap3A_1563, %swap3A_1564] {strides = array<i32>} : memref<5x80xi32, #tpu.memory_space<vmem>>, vector<1x16xi32>,
      %swap3A_1566 = vector.shape_cast %swap3A_1565 : vector<1x16xi32> to vector<16xi32>
      %swap3A_1567 = vector.shape_cast %add3A_1561 : vector<16xi32> to vector<1x16xi32>
      tpu.vector_store %arg6[%swap3A_1563, %swap3A_1564], %swap3A_1567 {strides = array<i32>} : memref<5x80xi32, #tpu.memory_space<vmem>>, vector<1x16xi32>,
      %get3A_1568 = arith.constant 0 : i32
      %get3A_1569 = arith.index_cast %rem3A_1118 : i32 to index
      %get3A_1570 = arith.index_cast %get3A_1568 : i32 to index
      %get3A_1571 = arith.constant 208 : index
      %get3A_1572 = tpu.vector_load %arg5[%get3A_1569, %get3A_1570, %get3A_1571] {strides = array<i32>} : memref<2x3x400xi32, #tpu.memory_space<vmem>>, vector<1x1x16xi32>,
      %get3A_1573 = vector.shape_cast %get3A_1572 : vector<1x1x16xi32> to vector<16xi32>
      %get3A_1574 = arith.constant 1 : i32
      %get3A_1575 = arith.index_cast %rem3A_1118 : i32 to index
      %get3A_1576 = arith.index_cast %get3A_1574 : i32 to index
      %get3A_1577 = arith.constant 208 : index
      %get3A_1578 = tpu.vector_load %arg5[%get3A_1575, %get3A_1576, %get3A_1577] {strides = array<i32>} : memref<2x3x400xi32, #tpu.memory_space<vmem>>, vector<1x1x16xi32>,
      %get3A_1579 = vector.shape_cast %get3A_1578 : vector<1x1x16xi32> to vector<16xi32>
      %get3A_1580 = arith.constant 2 : i32
      %get3A_1581 = arith.index_cast %rem3A_1118 : i32 to index
      %get3A_1582 = arith.index_cast %get3A_1580 : i32 to index
      %get3A_1583 = arith.constant 208 : index
      %get3A_1584 = tpu.vector_load %arg5[%get3A_1581, %get3A_1582, %get3A_1583] {strides = array<i32>} : memref<2x3x400xi32, #tpu.memory_space<vmem>>, vector<1x1x16xi32>,
      %get3A_1585 = vector.shape_cast %get3A_1584 : vector<1x1x16xi32> to vector<16xi32>
      %mul3A_1586 = arith.constant 12 : i32
      %mul3A_1587 = vector.broadcast %mul3A_1586 : i32 to vector<16xi32>
      %mul3A_1588 = arith.muli %get3A_1573, %mul3A_1587 : vector<16xi32>
      %mul3A_1589 = arith.constant 2 : i32
      %mul3A_1590 = vector.broadcast %mul3A_1589 : i32 to vector<16xi32>
      %mul3A_1591 = arith.muli %get3A_1579, %mul3A_1590 : vector<16xi32>
      %add3A_1592 = arith.addi %mul3A_1588, %mul3A_1591 : vector<16xi32>
      %add3A_1593 = arith.addi %add3A_1592, %get3A_1585 : vector<16xi32>
      %swap3A_1594 = arith.constant 2 : i32
      %swap3A_1595 = arith.index_cast %swap3A_1594 : i32 to index
      %swap3A_1596 = arith.constant 48 : index
      %swap3A_1597 = tpu.vector_load %arg6[%swap3A_1595, %swap3A_1596] {strides = array<i32>} : memref<5x80xi32, #tpu.memory_space<vmem>>, vector<1x16xi32>,
      %swap3A_1598 = vector.shape_cast %swap3A_1597 : vector<1x16xi32> to vector<16xi32>
      %swap3A_1599 = vector.shape_cast %add3A_1593 : vector<16xi32> to vector<1x16xi32>
      tpu.vector_store %arg6[%swap3A_1595, %swap3A_1596], %swap3A_1599 {strides = array<i32>} : memref<5x80xi32, #tpu.memory_space<vmem>>, vector<1x16xi32>,
      %get3A_1600 = arith.constant 0 : i32
      %get3A_1601 = arith.index_cast %rem3A_1118 : i32 to index
      %get3A_1602 = arith.index_cast %get3A_1600 : i32 to index
      %get3A_1603 = arith.constant 224 : index
      %get3A_1604 = tpu.vector_load %arg5[%get3A_1601, %get3A_1602, %get3A_1603] {strides = array<i32>} : memref<2x3x400xi32, #tpu.memory_space<vmem>>, vector<1x1x16xi32>,
      %get3A_1605 = vector.shape_cast %get3A_1604 : vector<1x1x16xi32> to vector<16xi32>
      %get3A_1606 = arith.constant 1 : i32
      %get3A_1607 = arith.index_cast %rem3A_1118 : i32 to index
      %get3A_1608 = arith.index_cast %get3A_1606 : i32 to index
      %get3A_1609 = arith.constant 224 : index
      %get3A_1610 = tpu.vector_load %arg5[%get3A_1607, %get3A_1608, %get3A_1609] {strides = array<i32>} : memref<2x3x400xi32, #tpu.memory_space<vmem>>, vector<1x1x16xi32>,
      %get3A_1611 = vector.shape_cast %get3A_1610 : vector<1x1x16xi32> to vector<16xi32>
      %get3A_1612 = arith.constant 2 : i32
      %get3A_1613 = arith.index_cast %rem3A_1118 : i32 to index
      %get3A_1614 = arith.index_cast %get3A_1612 : i32 to index
      %get3A_1615 = arith.constant 224 : index
      %get3A_1616 = tpu.vector_load %arg5[%get3A_1613, %get3A_1614, %get3A_1615] {strides = array<i32>} : memref<2x3x400xi32, #tpu.memory_space<vmem>>, vector<1x1x16xi32>,
      %get3A_1617 = vector.shape_cast %get3A_1616 : vector<1x1x16xi32> to vector<16xi32>
      %mul3A_1618 = arith.constant 12 : i32
      %mul3A_1619 = vector.broadcast %mul3A_1618 : i32 to vector<16xi32>
      %mul3A_1620 = arith.muli %get3A_1605, %mul3A_1619 : vector<16xi32>
      %mul3A_1621 = arith.constant 2 : i32
      %mul3A_1622 = vector.broadcast %mul3A_1621 : i32 to vector<16xi32>
      %mul3A_1623 = arith.muli %get3A_1611, %mul3A_1622 : vector<16xi32>
      %add3A_1624 = arith.addi %mul3A_1620, %mul3A_1623 : vector<16xi32>
      %add3A_1625 = arith.addi %add3A_1624, %get3A_1617 : vector<16xi32>
      %swap3A_1626 = arith.constant 2 : i32
      %swap3A_1627 = arith.index_cast %swap3A_1626 : i32 to index
      %swap3A_1628 = arith.constant 64 : index
      %swap3A_1629 = tpu.vector_load %arg6[%swap3A_1627, %swap3A_1628] {strides = array<i32>} : memref<5x80xi32, #tpu.memory_space<vmem>>, vector<1x16xi32>,
      %swap3A_1630 = vector.shape_cast %swap3A_1629 : vector<1x16xi32> to vector<16xi32>
      %swap3A_1631 = vector.shape_cast %add3A_1625 : vector<16xi32> to vector<1x16xi32>
      tpu.vector_store %arg6[%swap3A_1627, %swap3A_1628], %swap3A_1631 {strides = array<i32>} : memref<5x80xi32, #tpu.memory_space<vmem>>, vector<1x16xi32>,
      %get3A_1632 = arith.constant 0 : i32
      %get3A_1633 = arith.index_cast %rem3A_1118 : i32 to index
      %get3A_1634 = arith.index_cast %get3A_1632 : i32 to index
      %get3A_1635 = arith.constant 240 : index
      %get3A_1636 = tpu.vector_load %arg5[%get3A_1633, %get3A_1634, %get3A_1635] {strides = array<i32>} : memref<2x3x400xi32, #tpu.memory_space<vmem>>, vector<1x1x16xi32>,
      %get3A_1637 = vector.shape_cast %get3A_1636 : vector<1x1x16xi32> to vector<16xi32>
      %get3A_1638 = arith.constant 1 : i32
      %get3A_1639 = arith.index_cast %rem3A_1118 : i32 to index
      %get3A_1640 = arith.index_cast %get3A_1638 : i32 to index
      %get3A_1641 = arith.constant 240 : index
      %get3A_1642 = tpu.vector_load %arg5[%get3A_1639, %get3A_1640, %get3A_1641] {strides = array<i32>} : memref<2x3x400xi32, #tpu.memory_space<vmem>>, vector<1x1x16xi32>,
      %get3A_1643 = vector.shape_cast %get3A_1642 : vector<1x1x16xi32> to vector<16xi32>
      %get3A_1644 = arith.constant 2 : i32
      %get3A_1645 = arith.index_cast %rem3A_1118 : i32 to index
      %get3A_1646 = arith.index_cast %get3A_1644 : i32 to index
      %get3A_1647 = arith.constant 240 : index
      %get3A_1648 = tpu.vector_load %arg5[%get3A_1645, %get3A_1646, %get3A_1647] {strides = array<i32>} : memref<2x3x400xi32, #tpu.memory_space<vmem>>, vector<1x1x16xi32>,
      %get3A_1649 = vector.shape_cast %get3A_1648 : vector<1x1x16xi32> to vector<16xi32>
      %mul3A_1650 = arith.constant 12 : i32
      %mul3A_1651 = vector.broadcast %mul3A_1650 : i32 to vector<16xi32>
      %mul3A_1652 = arith.muli %get3A_1637, %mul3A_1651 : vector<16xi32>
      %mul3A_1653 = arith.constant 2 : i32
      %mul3A_1654 = vector.broadcast %mul3A_1653 : i32 to vector<16xi32>
      %mul3A_1655 = arith.muli %get3A_1643, %mul3A_1654 : vector<16xi32>
      %add3A_1656 = arith.addi %mul3A_1652, %mul3A_1655 : vector<16xi32>
      %add3A_1657 = arith.addi %add3A_1656, %get3A_1649 : vector<16xi32>
      %swap3A_1658 = arith.constant 3 : i32
      %swap3A_1659 = arith.index_cast %swap3A_1658 : i32 to index
      %swap3A_1660 = arith.constant 0 : index
      %swap3A_1661 = tpu.vector_load %arg6[%swap3A_1659, %swap3A_1660] {strides = array<i32>} : memref<5x80xi32, #tpu.memory_space<vmem>>, vector<1x16xi32>,
      %swap3A_1662 = vector.shape_cast %swap3A_1661 : vector<1x16xi32> to vector<16xi32>
      %swap3A_1663 = vector.shape_cast %add3A_1657 : vector<16xi32> to vector<1x16xi32>
      tpu.vector_store %arg6[%swap3A_1659, %swap3A_1660], %swap3A_1663 {strides = array<i32>} : memref<5x80xi32, #tpu.memory_space<vmem>>, vector<1x16xi32>,
      %get3A_1664 = arith.constant 0 : i32
      %get3A_1665 = arith.index_cast %rem3A_1118 : i32 to index
      %get3A_1666 = arith.index_cast %get3A_1664 : i32 to index
      %get3A_1667 = arith.constant 256 : index
      %get3A_1668 = tpu.vector_load %arg5[%get3A_1665, %get3A_1666, %get3A_1667] {strides = array<i32>} : memref<2x3x400xi32, #tpu.memory_space<vmem>>, vector<1x1x16xi32>,
      %get3A_1669 = vector.shape_cast %get3A_1668 : vector<1x1x16xi32> to vector<16xi32>
      %get3A_1670 = arith.constant 1 : i32
      %get3A_1671 = arith.index_cast %rem3A_1118 : i32 to index
      %get3A_1672 = arith.index_cast %get3A_1670 : i32 to index
      %get3A_1673 = arith.constant 256 : index
      %get3A_1674 = tpu.vector_load %arg5[%get3A_1671, %get3A_1672, %get3A_1673] {strides = array<i32>} : memref<2x3x400xi32, #tpu.memory_space<vmem>>, vector<1x1x16xi32>,
      %get3A_1675 = vector.shape_cast %get3A_1674 : vector<1x1x16xi32> to vector<16xi32>
      %get3A_1676 = arith.constant 2 : i32
      %get3A_1677 = arith.index_cast %rem3A_1118 : i32 to index
      %get3A_1678 = arith.index_cast %get3A_1676 : i32 to index
      %get3A_1679 = arith.constant 256 : index
      %get3A_1680 = tpu.vector_load %arg5[%get3A_1677, %get3A_1678, %get3A_1679] {strides = array<i32>} : memref<2x3x400xi32, #tpu.memory_space<vmem>>, vector<1x1x16xi32>,
      %get3A_1681 = vector.shape_cast %get3A_1680 : vector<1x1x16xi32> to vector<16xi32>
      %mul3A_1682 = arith.constant 12 : i32
      %mul3A_1683 = vector.broadcast %mul3A_1682 : i32 to vector<16xi32>
      %mul3A_1684 = arith.muli %get3A_1669, %mul3A_1683 : vector<16xi32>
      %mul3A_1685 = arith.constant 2 : i32
      %mul3A_1686 = vector.broadcast %mul3A_1685 : i32 to vector<16xi32>
      %mul3A_1687 = arith.muli %get3A_1675, %mul3A_1686 : vector<16xi32>
      %add3A_1688 = arith.addi %mul3A_1684, %mul3A_1687 : vector<16xi32>
      %add3A_1689 = arith.addi %add3A_1688, %get3A_1681 : vector<16xi32>
      %swap3A_1690 = arith.constant 3 : i32
      %swap3A_1691 = arith.index_cast %swap3A_1690 : i32 to index
      %swap3A_1692 = arith.constant 16 : index
      %swap3A_1693 = tpu.vector_load %arg6[%swap3A_1691, %swap3A_1692] {strides = array<i32>} : memref<5x80xi32, #tpu.memory_space<vmem>>, vector<1x16xi32>,
      %swap3A_1694 = vector.shape_cast %swap3A_1693 : vector<1x16xi32> to vector<16xi32>
      %swap3A_1695 = vector.shape_cast %add3A_1689 : vector<16xi32> to vector<1x16xi32>
      tpu.vector_store %arg6[%swap3A_1691, %swap3A_1692], %swap3A_1695 {strides = array<i32>} : memref<5x80xi32, #tpu.memory_space<vmem>>, vector<1x16xi32>,
      %get3A_1696 = arith.constant 0 : i32
      %get3A_1697 = arith.index_cast %rem3A_1118 : i32 to index
      %get3A_1698 = arith.index_cast %get3A_1696 : i32 to index
      %get3A_1699 = arith.constant 272 : index
      %get3A_1700 = tpu.vector_load %arg5[%get3A_1697, %get3A_1698, %get3A_1699] {strides = array<i32>} : memref<2x3x400xi32, #tpu.memory_space<vmem>>, vector<1x1x16xi32>,
      %get3A_1701 = vector.shape_cast %get3A_1700 : vector<1x1x16xi32> to vector<16xi32>
      %get3A_1702 = arith.constant 1 : i32
      %get3A_1703 = arith.index_cast %rem3A_1118 : i32 to index
      %get3A_1704 = arith.index_cast %get3A_1702 : i32 to index
      %get3A_1705 = arith.constant 272 : index
      %get3A_1706 = tpu.vector_load %arg5[%get3A_1703, %get3A_1704, %get3A_1705] {strides = array<i32>} : memref<2x3x400xi32, #tpu.memory_space<vmem>>, vector<1x1x16xi32>,
      %get3A_1707 = vector.shape_cast %get3A_1706 : vector<1x1x16xi32> to vector<16xi32>
      %get3A_1708 = arith.constant 2 : i32
      %get3A_1709 = arith.index_cast %rem3A_1118 : i32 to index
      %get3A_1710 = arith.index_cast %get3A_1708 : i32 to index
      %get3A_1711 = arith.constant 272 : index
      %get3A_1712 = tpu.vector_load %arg5[%get3A_1709, %get3A_1710, %get3A_1711] {strides = array<i32>} : memref<2x3x400xi32, #tpu.memory_space<vmem>>, vector<1x1x16xi32>,
      %get3A_1713 = vector.shape_cast %get3A_1712 : vector<1x1x16xi32> to vector<16xi32>
      %mul3A_1714 = arith.constant 12 : i32
      %mul3A_1715 = vector.broadcast %mul3A_1714 : i32 to vector<16xi32>
      %mul3A_1716 = arith.muli %get3A_1701, %mul3A_1715 : vector<16xi32>
      %mul3A_1717 = arith.constant 2 : i32
      %mul3A_1718 = vector.broadcast %mul3A_1717 : i32 to vector<16xi32>
      %mul3A_1719 = arith.muli %get3A_1707, %mul3A_1718 : vector<16xi32>
      %add3A_1720 = arith.addi %mul3A_1716, %mul3A_1719 : vector<16xi32>
      %add3A_1721 = arith.addi %add3A_1720, %get3A_1713 : vector<16xi32>
      %swap3A_1722 = arith.constant 3 : i32
      %swap3A_1723 = arith.index_cast %swap3A_1722 : i32 to index
      %swap3A_1724 = arith.constant 32 : index
      %swap3A_1725 = tpu.vector_load %arg6[%swap3A_1723, %swap3A_1724] {strides = array<i32>} : memref<5x80xi32, #tpu.memory_space<vmem>>, vector<1x16xi32>,
      %swap3A_1726 = vector.shape_cast %swap3A_1725 : vector<1x16xi32> to vector<16xi32>
      %swap3A_1727 = vector.shape_cast %add3A_1721 : vector<16xi32> to vector<1x16xi32>
      tpu.vector_store %arg6[%swap3A_1723, %swap3A_1724], %swap3A_1727 {strides = array<i32>} : memref<5x80xi32, #tpu.memory_space<vmem>>, vector<1x16xi32>,
      %get3A_1728 = arith.constant 0 : i32
      %get3A_1729 = arith.index_cast %rem3A_1118 : i32 to index
      %get3A_1730 = arith.index_cast %get3A_1728 : i32 to index
      %get3A_1731 = arith.constant 288 : index
      %get3A_1732 = tpu.vector_load %arg5[%get3A_1729, %get3A_1730, %get3A_1731] {strides = array<i32>} : memref<2x3x400xi32, #tpu.memory_space<vmem>>, vector<1x1x16xi32>,
      %get3A_1733 = vector.shape_cast %get3A_1732 : vector<1x1x16xi32> to vector<16xi32>
      %get3A_1734 = arith.constant 1 : i32
      %get3A_1735 = arith.index_cast %rem3A_1118 : i32 to index
      %get3A_1736 = arith.index_cast %get3A_1734 : i32 to index
      %get3A_1737 = arith.constant 288 : index
      %get3A_1738 = tpu.vector_load %arg5[%get3A_1735, %get3A_1736, %get3A_1737] {strides = array<i32>} : memref<2x3x400xi32, #tpu.memory_space<vmem>>, vector<1x1x16xi32>,
      %get3A_1739 = vector.shape_cast %get3A_1738 : vector<1x1x16xi32> to vector<16xi32>
      %get3A_1740 = arith.constant 2 : i32
      %get3A_1741 = arith.index_cast %rem3A_1118 : i32 to index
      %get3A_1742 = arith.index_cast %get3A_1740 : i32 to index
      %get3A_1743 = arith.constant 288 : index
      %get3A_1744 = tpu.vector_load %arg5[%get3A_1741, %get3A_1742, %get3A_1743] {strides = array<i32>} : memref<2x3x400xi32, #tpu.memory_space<vmem>>, vector<1x1x16xi32>,
      %get3A_1745 = vector.shape_cast %get3A_1744 : vector<1x1x16xi32> to vector<16xi32>
      %mul3A_1746 = arith.constant 12 : i32
      %mul3A_1747 = vector.broadcast %mul3A_1746 : i32 to vector<16xi32>
      %mul3A_1748 = arith.muli %get3A_1733, %mul3A_1747 : vector<16xi32>
      %mul3A_1749 = arith.constant 2 : i32
      %mul3A_1750 = vector.broadcast %mul3A_1749 : i32 to vector<16xi32>
      %mul3A_1751 = arith.muli %get3A_1739, %mul3A_1750 : vector<16xi32>
      %add3A_1752 = arith.addi %mul3A_1748, %mul3A_1751 : vector<16xi32>
      %add3A_1753 = arith.addi %add3A_1752, %get3A_1745 : vector<16xi32>
      %swap3A_1754 = arith.constant 3 : i32
      %swap3A_1755 = arith.index_cast %swap3A_1754 : i32 to index
      %swap3A_1756 = arith.constant 48 : index
      %swap3A_1757 = tpu.vector_load %arg6[%swap3A_1755, %swap3A_1756] {strides = array<i32>} : memref<5x80xi32, #tpu.memory_space<vmem>>, vector<1x16xi32>,
      %swap3A_1758 = vector.shape_cast %swap3A_1757 : vector<1x16xi32> to vector<16xi32>
      %swap3A_1759 = vector.shape_cast %add3A_1753 : vector<16xi32> to vector<1x16xi32>
      tpu.vector_store %arg6[%swap3A_1755, %swap3A_1756], %swap3A_1759 {strides = array<i32>} : memref<5x80xi32, #tpu.memory_space<vmem>>, vector<1x16xi32>,
      %get3A_1760 = arith.constant 0 : i32
      %get3A_1761 = arith.index_cast %rem3A_1118 : i32 to index
      %get3A_1762 = arith.index_cast %get3A_1760 : i32 to index
      %get3A_1763 = arith.constant 304 : index
      %get3A_1764 = tpu.vector_load %arg5[%get3A_1761, %get3A_1762, %get3A_1763] {strides = array<i32>} : memref<2x3x400xi32, #tpu.memory_space<vmem>>, vector<1x1x16xi32>,
      %get3A_1765 = vector.shape_cast %get3A_1764 : vector<1x1x16xi32> to vector<16xi32>
      %get3A_1766 = arith.constant 1 : i32
      %get3A_1767 = arith.index_cast %rem3A_1118 : i32 to index
      %get3A_1768 = arith.index_cast %get3A_1766 : i32 to index
      %get3A_1769 = arith.constant 304 : index
      %get3A_1770 = tpu.vector_load %arg5[%get3A_1767, %get3A_1768, %get3A_1769] {strides = array<i32>} : memref<2x3x400xi32, #tpu.memory_space<vmem>>, vector<1x1x16xi32>,
      %get3A_1771 = vector.shape_cast %get3A_1770 : vector<1x1x16xi32> to vector<16xi32>
      %get3A_1772 = arith.constant 2 : i32
      %get3A_1773 = arith.index_cast %rem3A_1118 : i32 to index
      %get3A_1774 = arith.index_cast %get3A_1772 : i32 to index
      %get3A_1775 = arith.constant 304 : index
      %get3A_1776 = tpu.vector_load %arg5[%get3A_1773, %get3A_1774, %get3A_1775] {strides = array<i32>} : memref<2x3x400xi32, #tpu.memory_space<vmem>>, vector<1x1x16xi32>,
      %get3A_1777 = vector.shape_cast %get3A_1776 : vector<1x1x16xi32> to vector<16xi32>
      %mul3A_1778 = arith.constant 12 : i32
      %mul3A_1779 = vector.broadcast %mul3A_1778 : i32 to vector<16xi32>
      %mul3A_1780 = arith.muli %get3A_1765, %mul3A_1779 : vector<16xi32>
      %mul3A_1781 = arith.constant 2 : i32
      %mul3A_1782 = vector.broadcast %mul3A_1781 : i32 to vector<16xi32>
      %mul3A_1783 = arith.muli %get3A_1771, %mul3A_1782 : vector<16xi32>
      %add3A_1784 = arith.addi %mul3A_1780, %mul3A_1783 : vector<16xi32>
      %add3A_1785 = arith.addi %add3A_1784, %get3A_1777 : vector<16xi32>
      %swap3A_1786 = arith.constant 3 : i32
      %swap3A_1787 = arith.index_cast %swap3A_1786 : i32 to index
      %swap3A_1788 = arith.constant 64 : index
      %swap3A_1789 = tpu.vector_load %arg6[%swap3A_1787, %swap3A_1788] {strides = array<i32>} : memref<5x80xi32, #tpu.memory_space<vmem>>, vector<1x16xi32>,
      %swap3A_1790 = vector.shape_cast %swap3A_1789 : vector<1x16xi32> to vector<16xi32>
      %swap3A_1791 = vector.shape_cast %add3A_1785 : vector<16xi32> to vector<1x16xi32>
      tpu.vector_store %arg6[%swap3A_1787, %swap3A_1788], %swap3A_1791 {strides = array<i32>} : memref<5x80xi32, #tpu.memory_space<vmem>>, vector<1x16xi32>,
      %get3A_1792 = arith.constant 0 : i32
      %get3A_1793 = arith.index_cast %rem3A_1118 : i32 to index
      %get3A_1794 = arith.index_cast %get3A_1792 : i32 to index
      %get3A_1795 = arith.constant 320 : index
      %get3A_1796 = tpu.vector_load %arg5[%get3A_1793, %get3A_1794, %get3A_1795] {strides = array<i32>} : memref<2x3x400xi32, #tpu.memory_space<vmem>>, vector<1x1x16xi32>,
      %get3A_1797 = vector.shape_cast %get3A_1796 : vector<1x1x16xi32> to vector<16xi32>
      %get3A_1798 = arith.constant 1 : i32
      %get3A_1799 = arith.index_cast %rem3A_1118 : i32 to index
      %get3A_1800 = arith.index_cast %get3A_1798 : i32 to index
      %get3A_1801 = arith.constant 320 : index
      %get3A_1802 = tpu.vector_load %arg5[%get3A_1799, %get3A_1800, %get3A_1801] {strides = array<i32>} : memref<2x3x400xi32, #tpu.memory_space<vmem>>, vector<1x1x16xi32>,
      %get3A_1803 = vector.shape_cast %get3A_1802 : vector<1x1x16xi32> to vector<16xi32>
      %get3A_1804 = arith.constant 2 : i32
      %get3A_1805 = arith.index_cast %rem3A_1118 : i32 to index
      %get3A_1806 = arith.index_cast %get3A_1804 : i32 to index
      %get3A_1807 = arith.constant 320 : index
      %get3A_1808 = tpu.vector_load %arg5[%get3A_1805, %get3A_1806, %get3A_1807] {strides = array<i32>} : memref<2x3x400xi32, #tpu.memory_space<vmem>>, vector<1x1x16xi32>,
      %get3A_1809 = vector.shape_cast %get3A_1808 : vector<1x1x16xi32> to vector<16xi32>
      %mul3A_1810 = arith.constant 12 : i32
      %mul3A_1811 = vector.broadcast %mul3A_1810 : i32 to vector<16xi32>
      %mul3A_1812 = arith.muli %get3A_1797, %mul3A_1811 : vector<16xi32>
      %mul3A_1813 = arith.constant 2 : i32
      %mul3A_1814 = vector.broadcast %mul3A_1813 : i32 to vector<16xi32>
      %mul3A_1815 = arith.muli %get3A_1803, %mul3A_1814 : vector<16xi32>
      %add3A_1816 = arith.addi %mul3A_1812, %mul3A_1815 : vector<16xi32>
      %add3A_1817 = arith.addi %add3A_1816, %get3A_1809 : vector<16xi32>
      %swap3A_1818 = arith.constant 4 : i32
      %swap3A_1819 = arith.index_cast %swap3A_1818 : i32 to index
      %swap3A_1820 = arith.constant 0 : index
      %swap3A_1821 = tpu.vector_load %arg6[%swap3A_1819, %swap3A_1820] {strides = array<i32>} : memref<5x80xi32, #tpu.memory_space<vmem>>, vector<1x16xi32>,
      %swap3A_1822 = vector.shape_cast %swap3A_1821 : vector<1x16xi32> to vector<16xi32>
      %swap3A_1823 = vector.shape_cast %add3A_1817 : vector<16xi32> to vector<1x16xi32>
      tpu.vector_store %arg6[%swap3A_1819, %swap3A_1820], %swap3A_1823 {strides = array<i32>} : memref<5x80xi32, #tpu.memory_space<vmem>>, vector<1x16xi32>,
      %get3A_1824 = arith.constant 0 : i32
      %get3A_1825 = arith.index_cast %rem3A_1118 : i32 to index
      %get3A_1826 = arith.index_cast %get3A_1824 : i32 to index
      %get3A_1827 = arith.constant 336 : index
      %get3A_1828 = tpu.vector_load %arg5[%get3A_1825, %get3A_1826, %get3A_1827] {strides = array<i32>} : memref<2x3x400xi32, #tpu.memory_space<vmem>>, vector<1x1x16xi32>,
      %get3A_1829 = vector.shape_cast %get3A_1828 : vector<1x1x16xi32> to vector<16xi32>
      %get3A_1830 = arith.constant 1 : i32
      %get3A_1831 = arith.index_cast %rem3A_1118 : i32 to index
      %get3A_1832 = arith.index_cast %get3A_1830 : i32 to index
      %get3A_1833 = arith.constant 336 : index
      %get3A_1834 = tpu.vector_load %arg5[%get3A_1831, %get3A_1832, %get3A_1833] {strides = array<i32>} : memref<2x3x400xi32, #tpu.memory_space<vmem>>, vector<1x1x16xi32>,
      %get3A_1835 = vector.shape_cast %get3A_1834 : vector<1x1x16xi32> to vector<16xi32>
      %get3A_1836 = arith.constant 2 : i32
      %get3A_1837 = arith.index_cast %rem3A_1118 : i32 to index
      %get3A_1838 = arith.index_cast %get3A_1836 : i32 to index
      %get3A_1839 = arith.constant 336 : index
      %get3A_1840 = tpu.vector_load %arg5[%get3A_1837, %get3A_1838, %get3A_1839] {strides = array<i32>} : memref<2x3x400xi32, #tpu.memory_space<vmem>>, vector<1x1x16xi32>,
      %get3A_1841 = vector.shape_cast %get3A_1840 : vector<1x1x16xi32> to vector<16xi32>
      %mul3A_1842 = arith.constant 12 : i32
      %mul3A_1843 = vector.broadcast %mul3A_1842 : i32 to vector<16xi32>
      %mul3A_1844 = arith.muli %get3A_1829, %mul3A_1843 : vector<16xi32>
      %mul3A_1845 = arith.constant 2 : i32
      %mul3A_1846 = vector.broadcast %mul3A_1845 : i32 to vector<16xi32>
      %mul3A_1847 = arith.muli %get3A_1835, %mul3A_1846 : vector<16xi32>
      %add3A_1848 = arith.addi %mul3A_1844, %mul3A_1847 : vector<16xi32>
      %add3A_1849 = arith.addi %add3A_1848, %get3A_1841 : vector<16xi32>
      %swap3A_1850 = arith.constant 4 : i32
      %swap3A_1851 = arith.index_cast %swap3A_1850 : i32 to index
      %swap3A_1852 = arith.constant 16 : index
      %swap3A_1853 = tpu.vector_load %arg6[%swap3A_1851, %swap3A_1852] {strides = array<i32>} : memref<5x80xi32, #tpu.memory_space<vmem>>, vector<1x16xi32>,
      %swap3A_1854 = vector.shape_cast %swap3A_1853 : vector<1x16xi32> to vector<16xi32>
      %swap3A_1855 = vector.shape_cast %add3A_1849 : vector<16xi32> to vector<1x16xi32>
      tpu.vector_store %arg6[%swap3A_1851, %swap3A_1852], %swap3A_1855 {strides = array<i32>} : memref<5x80xi32, #tpu.memory_space<vmem>>, vector<1x16xi32>,
      %get3A_1856 = arith.constant 0 : i32
      %get3A_1857 = arith.index_cast %rem3A_1118 : i32 to index
      %get3A_1858 = arith.index_cast %get3A_1856 : i32 to index
      %get3A_1859 = arith.constant 352 : index
      %get3A_1860 = tpu.vector_load %arg5[%get3A_1857, %get3A_1858, %get3A_1859] {strides = array<i32>} : memref<2x3x400xi32, #tpu.memory_space<vmem>>, vector<1x1x16xi32>,
      %get3A_1861 = vector.shape_cast %get3A_1860 : vector<1x1x16xi32> to vector<16xi32>
      %get3A_1862 = arith.constant 1 : i32
      %get3A_1863 = arith.index_cast %rem3A_1118 : i32 to index
      %get3A_1864 = arith.index_cast %get3A_1862 : i32 to index
      %get3A_1865 = arith.constant 352 : index
      %get3A_1866 = tpu.vector_load %arg5[%get3A_1863, %get3A_1864, %get3A_1865] {strides = array<i32>} : memref<2x3x400xi32, #tpu.memory_space<vmem>>, vector<1x1x16xi32>,
      %get3A_1867 = vector.shape_cast %get3A_1866 : vector<1x1x16xi32> to vector<16xi32>
      %get3A_1868 = arith.constant 2 : i32
      %get3A_1869 = arith.index_cast %rem3A_1118 : i32 to index
      %get3A_1870 = arith.index_cast %get3A_1868 : i32 to index
      %get3A_1871 = arith.constant 352 : index
      %get3A_1872 = tpu.vector_load %arg5[%get3A_1869, %get3A_1870, %get3A_1871] {strides = array<i32>} : memref<2x3x400xi32, #tpu.memory_space<vmem>>, vector<1x1x16xi32>,
      %get3A_1873 = vector.shape_cast %get3A_1872 : vector<1x1x16xi32> to vector<16xi32>
      %mul3A_1874 = arith.constant 12 : i32
      %mul3A_1875 = vector.broadcast %mul3A_1874 : i32 to vector<16xi32>
      %mul3A_1876 = arith.muli %get3A_1861, %mul3A_1875 : vector<16xi32>
      %mul3A_1877 = arith.constant 2 : i32
      %mul3A_1878 = vector.broadcast %mul3A_1877 : i32 to vector<16xi32>
      %mul3A_1879 = arith.muli %get3A_1867, %mul3A_1878 : vector<16xi32>
      %add3A_1880 = arith.addi %mul3A_1876, %mul3A_1879 : vector<16xi32>
      %add3A_1881 = arith.addi %add3A_1880, %get3A_1873 : vector<16xi32>
      %swap3A_1882 = arith.constant 4 : i32
      %swap3A_1883 = arith.index_cast %swap3A_1882 : i32 to index
      %swap3A_1884 = arith.constant 32 : index
      %swap3A_1885 = tpu.vector_load %arg6[%swap3A_1883, %swap3A_1884] {strides = array<i32>} : memref<5x80xi32, #tpu.memory_space<vmem>>, vector<1x16xi32>,
      %swap3A_1886 = vector.shape_cast %swap3A_1885 : vector<1x16xi32> to vector<16xi32>
      %swap3A_1887 = vector.shape_cast %add3A_1881 : vector<16xi32> to vector<1x16xi32>
      tpu.vector_store %arg6[%swap3A_1883, %swap3A_1884], %swap3A_1887 {strides = array<i32>} : memref<5x80xi32, #tpu.memory_space<vmem>>, vector<1x16xi32>,
      %get3A_1888 = arith.constant 0 : i32
      %get3A_1889 = arith.index_cast %rem3A_1118 : i32 to index
      %get3A_1890 = arith.index_cast %get3A_1888 : i32 to index
      %get3A_1891 = arith.constant 368 : index
      %get3A_1892 = tpu.vector_load %arg5[%get3A_1889, %get3A_1890, %get3A_1891] {strides = array<i32>} : memref<2x3x400xi32, #tpu.memory_space<vmem>>, vector<1x1x16xi32>,
      %get3A_1893 = vector.shape_cast %get3A_1892 : vector<1x1x16xi32> to vector<16xi32>
      %get3A_1894 = arith.constant 1 : i32
      %get3A_1895 = arith.index_cast %rem3A_1118 : i32 to index
      %get3A_1896 = arith.index_cast %get3A_1894 : i32 to index
      %get3A_1897 = arith.constant 368 : index
      %get3A_1898 = tpu.vector_load %arg5[%get3A_1895, %get3A_1896, %get3A_1897] {strides = array<i32>} : memref<2x3x400xi32, #tpu.memory_space<vmem>>, vector<1x1x16xi32>,
      %get3A_1899 = vector.shape_cast %get3A_1898 : vector<1x1x16xi32> to vector<16xi32>
      %get3A_1900 = arith.constant 2 : i32
      %get3A_1901 = arith.index_cast %rem3A_1118 : i32 to index
      %get3A_1902 = arith.index_cast %get3A_1900 : i32 to index
      %get3A_1903 = arith.constant 368 : index
      %get3A_1904 = tpu.vector_load %arg5[%get3A_1901, %get3A_1902, %get3A_1903] {strides = array<i32>} : memref<2x3x400xi32, #tpu.memory_space<vmem>>, vector<1x1x16xi32>,
      %get3A_1905 = vector.shape_cast %get3A_1904 : vector<1x1x16xi32> to vector<16xi32>
      %mul3A_1906 = arith.constant 12 : i32
      %mul3A_1907 = vector.broadcast %mul3A_1906 : i32 to vector<16xi32>
      %mul3A_1908 = arith.muli %get3A_1893, %mul3A_1907 : vector<16xi32>
      %mul3A_1909 = arith.constant 2 : i32
      %mul3A_1910 = vector.broadcast %mul3A_1909 : i32 to vector<16xi32>
      %mul3A_1911 = arith.muli %get3A_1899, %mul3A_1910 : vector<16xi32>
      %add3A_1912 = arith.addi %mul3A_1908, %mul3A_1911 : vector<16xi32>
      %add3A_1913 = arith.addi %add3A_1912, %get3A_1905 : vector<16xi32>
      %swap3A_1914 = arith.constant 4 : i32
      %swap3A_1915 = arith.index_cast %swap3A_1914 : i32 to index
      %swap3A_1916 = arith.constant 48 : index
      %swap3A_1917 = tpu.vector_load %arg6[%swap3A_1915, %swap3A_1916] {strides = array<i32>} : memref<5x80xi32, #tpu.memory_space<vmem>>, vector<1x16xi32>,
      %swap3A_1918 = vector.shape_cast %swap3A_1917 : vector<1x16xi32> to vector<16xi32>
      %swap3A_1919 = vector.shape_cast %add3A_1913 : vector<16xi32> to vector<1x16xi32>
      tpu.vector_store %arg6[%swap3A_1915, %swap3A_1916], %swap3A_1919 {strides = array<i32>} : memref<5x80xi32, #tpu.memory_space<vmem>>, vector<1x16xi32>,
      %get3A_1920 = arith.constant 0 : i32
      %get3A_1921 = arith.index_cast %rem3A_1118 : i32 to index
      %get3A_1922 = arith.index_cast %get3A_1920 : i32 to index
      %get3A_1923 = arith.constant 384 : index
      %get3A_1924 = tpu.vector_load %arg5[%get3A_1921, %get3A_1922, %get3A_1923] {strides = array<i32>} : memref<2x3x400xi32, #tpu.memory_space<vmem>>, vector<1x1x16xi32>,
      %get3A_1925 = vector.shape_cast %get3A_1924 : vector<1x1x16xi32> to vector<16xi32>
      %get3A_1926 = arith.constant 1 : i32
      %get3A_1927 = arith.index_cast %rem3A_1118 : i32 to index
      %get3A_1928 = arith.index_cast %get3A_1926 : i32 to index
      %get3A_1929 = arith.constant 384 : index
      %get3A_1930 = tpu.vector_load %arg5[%get3A_1927, %get3A_1928, %get3A_1929] {strides = array<i32>} : memref<2x3x400xi32, #tpu.memory_space<vmem>>, vector<1x1x16xi32>,
      %get3A_1931 = vector.shape_cast %get3A_1930 : vector<1x1x16xi32> to vector<16xi32>
      %get3A_1932 = arith.constant 2 : i32
      %get3A_1933 = arith.index_cast %rem3A_1118 : i32 to index
      %get3A_1934 = arith.index_cast %get3A_1932 : i32 to index
      %get3A_1935 = arith.constant 384 : index
      %get3A_1936 = tpu.vector_load %arg5[%get3A_1933, %get3A_1934, %get3A_1935] {strides = array<i32>} : memref<2x3x400xi32, #tpu.memory_space<vmem>>, vector<1x1x16xi32>,
      %get3A_1937 = vector.shape_cast %get3A_1936 : vector<1x1x16xi32> to vector<16xi32>
      %mul3A_1938 = arith.constant 12 : i32
      %mul3A_1939 = vector.broadcast %mul3A_1938 : i32 to vector<16xi32>
      %mul3A_1940 = arith.muli %get3A_1925, %mul3A_1939 : vector<16xi32>
      %mul3A_1941 = arith.constant 2 : i32
      %mul3A_1942 = vector.broadcast %mul3A_1941 : i32 to vector<16xi32>
      %mul3A_1943 = arith.muli %get3A_1931, %mul3A_1942 : vector<16xi32>
      %add3A_1944 = arith.addi %mul3A_1940, %mul3A_1943 : vector<16xi32>
      %add3A_1945 = arith.addi %add3A_1944, %get3A_1937 : vector<16xi32>
      %swap3A_1946 = arith.constant 4 : i32
      %swap3A_1947 = arith.index_cast %swap3A_1946 : i32 to index
      %swap3A_1948 = arith.constant 64 : index
      %swap3A_1949 = tpu.vector_load %arg6[%swap3A_1947, %swap3A_1948] {strides = array<i32>} : memref<5x80xi32, #tpu.memory_space<vmem>>, vector<1x16xi32>,
      %swap3A_1950 = vector.shape_cast %swap3A_1949 : vector<1x16xi32> to vector<16xi32>
      %swap3A_1951 = vector.shape_cast %add3A_1945 : vector<16xi32> to vector<1x16xi32>
      tpu.vector_store %arg6[%swap3A_1947, %swap3A_1948], %swap3A_1951 {strides = array<i32>} : memref<5x80xi32, #tpu.memory_space<vmem>>, vector<1x16xi32>,
      %add3A_1952 = arith.constant 2 : i32
      %add3A_1953 = arith.addi %scan3A_1113, %add3A_1952 : i32
      %lt3A = arith.constant 25 : i32
      %lt3A_1954 = arith.cmpi slt, %add3A_1953, %lt3A : i32
      %convert_element_type3A_1955 = arith.extui %lt3A_1954 : i1 to i32
      %cond3A_1956 = arith.constant 0 : i32
      %cond3A_1957 = arith.cmpi ne, %convert_element_type3A_1955, %cond3A_1956 : i32
      scf.if %cond3A_1957 {
        %add3A_2111 = arith.constant 2 : i32
        %add3A_2112 = arith.addi %scan3A_1113, %add3A_2111 : i32
        %sub3A_2113 = arith.constant 1 : i32
        %sub3A_2114 = arith.subi %sub3A_2113, %rem3A_1118 : i32
        %dma_start3A_2115 = arith.constant 0 : i32
        %dma_start3A_2116 = arith.constant 0 : i32
        %dma_start3A_2117 = tpu.memref_slice %arg5[%sub3A_2114, %dma_start3A_2115, %dma_start3A_2116] : memref<2x3x400xi32, #tpu.memory_space<vmem>> -> memref<1x3x400xi32, #tpu.memory_space<vmem>>
        %dma_start3A_2118 = tpu.memref_squeeze %dma_start3A_2117 : memref<1x3x400xi32, #tpu.memory_space<vmem>> -> memref<3x400xi32, #tpu.memory_space<vmem>>
        %dma_start3A_2119 = arith.constant 0 : i32
        %dma_start3A_2120 = arith.constant 0 : i32
        %dma_start3A_2121 = tpu.memref_slice %arg3[%add3A, %add3A_2112, %dma_start3A_2119, %dma_start3A_2120] : memref<32x25x3x400xi32, #tpu.memory_space<hbm>> -> memref<1x1x3x400xi32, #tpu.memory_space<hbm>>
        %dma_start3A_2122 = tpu.memref_squeeze %dma_start3A_2121 : memref<1x1x3x400xi32, #tpu.memory_space<hbm>> -> memref<3x400xi32, #tpu.memory_space<hbm>>
        %dma_start3A_2123 = arith.constant 0 : i32
        %dma_start3A_2124 = arith.constant 0 : i32
        %dma_start3A_2125 = tpu.memref_slice %arg5[%sub3A_2114, %dma_start3A_2123, %dma_start3A_2124] : memref<2x3x400xi32, #tpu.memory_space<vmem>> -> memref<1x3x400xi32, #tpu.memory_space<vmem>>
        %dma_start3A_2126 = tpu.memref_squeeze %dma_start3A_2125 : memref<1x3x400xi32, #tpu.memory_space<vmem>> -> memref<3x400xi32, #tpu.memory_space<vmem>>
        %dma_start3A_2127 = arith.constant 0 : i32
        %dma_start3A_2128 = arith.constant 0 : i32
        %dma_start3A_2129 = tpu.memref_slice %arg3[%add3A, %add3A_2112, %dma_start3A_2127, %dma_start3A_2128] : memref<32x25x3x400xi32, #tpu.memory_space<hbm>> -> memref<1x1x3x400xi32, #tpu.memory_space<hbm>>
        %dma_start3A_2130 = tpu.memref_squeeze %dma_start3A_2129 : memref<1x1x3x400xi32, #tpu.memory_space<hbm>> -> memref<3x400xi32, #tpu.memory_space<hbm>>
        tpu.enqueue_dma source(%dma_start3A_2130 : memref<3x400xi32, #tpu.memory_space<hbm>>) target(%dma_start3A_2126 : memref<3x400xi32, #tpu.memory_space<vmem>>) target_semaphore(%arg11 : memref<!tpu.dma_semaphore, #tpu.memory_space<semaphore_mem>>)
      } else {
      }
      %sub3A = arith.constant 1 : i32
      %sub3A_1958 = arith.subi %sub3A, %rem3A_1114 : i32
      %dma_start3A_1959 = arith.constant 0 : i32
      %dma_start3A_1960 = arith.constant 0 : i32
      %dma_start3A_1961 = arith.constant 0 : i32
      %dma_start3A_1962 = tpu.memref_slice %arg7[%sub3A_1958, %dma_start3A_1960, %dma_start3A_1961] : memref<2x400x128xf32, #tpu.memory_space<vmem>> -> memref<1x400x128xf32, #tpu.memory_space<vmem>>
      %dma_start3A_1963 = tpu.memref_squeeze %dma_start3A_1962 : memref<1x400x128xf32, #tpu.memory_space<vmem>> -> memref<400x128xf32, #tpu.memory_space<vmem>>
      %dma_start3A_1964 = arith.constant 0 : i32
      %dma_start3A_1965 = arith.constant 0 : i32
      %dma_start3A_1966 = tpu.memref_slice %dma_start3A_1963[%dma_start3A_1964, %dma_start3A_1965] : memref<400x128xf32, #tpu.memory_space<vmem>> -> memref<80x128xf32, #tpu.memory_space<vmem>>
      %dma_start3A_1967 = arith.constant 0 : i32
      %dma_start3A_1968 = tpu.memref_slice %arg6[%dma_start3A_1959, %dma_start3A_1967] : memref<5x80xi32, #tpu.memory_space<vmem>> -> memref<1x80xi32, #tpu.memory_space<vmem>>
      %dma_start3A_1969 = tpu.memref_squeeze %dma_start3A_1968 : memref<1x80xi32, #tpu.memory_space<vmem>> -> memref<80xi32, #tpu.memory_space<vmem>>
      %dma_start3A_1970 = arith.constant 0 : i32
      %dma_start3A_1971 = arith.constant 0 : i32
      %dma_start3A_1972 = tpu.memref_slice %arg8[%dma_start3A_1970, %dma_start3A_1971] : memref<60x128xf32, #tpu.memory_space<vmem_shared>> -> memref<60x128xf32, #tpu.memory_space<vmem_shared>>
      tpu.enqueue_indirect_dma source(%dma_start3A_1972 : memref<60x128xf32, #tpu.memory_space<vmem_shared>>) target(%dma_start3A_1966 : memref<80x128xf32, #tpu.memory_space<vmem>>) offsets(%dma_start3A_1969 : memref<80xi32, #tpu.memory_space<vmem>>) semaphore(%arg9 : memref<!tpu.dma_semaphore, #tpu.memory_space<semaphore_mem>>)
      %dma_start3A_1973 = arith.constant 1 : i32
      %dma_start3A_1974 = arith.constant 0 : i32
      %dma_start3A_1975 = arith.constant 0 : i32
      %dma_start3A_1976 = tpu.memref_slice %arg7[%sub3A_1958, %dma_start3A_1974, %dma_start3A_1975] : memref<2x400x128xf32, #tpu.memory_space<vmem>> -> memref<1x400x128xf32, #tpu.memory_space<vmem>>
      %dma_start3A_1977 = tpu.memref_squeeze %dma_start3A_1976 : memref<1x400x128xf32, #tpu.memory_space<vmem>> -> memref<400x128xf32, #tpu.memory_space<vmem>>
      %dma_start3A_1978 = arith.constant 80 : i32
      %dma_start3A_1979 = arith.constant 0 : i32
      %dma_start3A_1980 = tpu.memref_slice %dma_start3A_1977[%dma_start3A_1978, %dma_start3A_1979] : memref<400x128xf32, #tpu.memory_space<vmem>> -> memref<80x128xf32, #tpu.memory_space<vmem>>
      %dma_start3A_1981 = arith.constant 0 : i32
      %dma_start3A_1982 = tpu.memref_slice %arg6[%dma_start3A_1973, %dma_start3A_1981] : memref<5x80xi32, #tpu.memory_space<vmem>> -> memref<1x80xi32, #tpu.memory_space<vmem>>
      %dma_start3A_1983 = tpu.memref_squeeze %dma_start3A_1982 : memref<1x80xi32, #tpu.memory_space<vmem>> -> memref<80xi32, #tpu.memory_space<vmem>>
      %dma_start3A_1984 = arith.constant 0 : i32
      %dma_start3A_1985 = arith.constant 0 : i32
      %dma_start3A_1986 = tpu.memref_slice %arg8[%dma_start3A_1984, %dma_start3A_1985] : memref<60x128xf32, #tpu.memory_space<vmem_shared>> -> memref<60x128xf32, #tpu.memory_space<vmem_shared>>
      tpu.enqueue_indirect_dma source(%dma_start3A_1986 : memref<60x128xf32, #tpu.memory_space<vmem_shared>>) target(%dma_start3A_1980 : memref<80x128xf32, #tpu.memory_space<vmem>>) offsets(%dma_start3A_1983 : memref<80xi32, #tpu.memory_space<vmem>>) semaphore(%arg9 : memref<!tpu.dma_semaphore, #tpu.memory_space<semaphore_mem>>)
      %dma_start3A_1987 = arith.constant 2 : i32
      %dma_start3A_1988 = arith.constant 0 : i32
      %dma_start3A_1989 = arith.constant 0 : i32
      %dma_start3A_1990 = tpu.memref_slice %arg7[%sub3A_1958, %dma_start3A_1988, %dma_start3A_1989] : memref<2x400x128xf32, #tpu.memory_space<vmem>> -> memref<1x400x128xf32, #tpu.memory_space<vmem>>
      %dma_start3A_1991 = tpu.memref_squeeze %dma_start3A_1990 : memref<1x400x128xf32, #tpu.memory_space<vmem>> -> memref<400x128xf32, #tpu.memory_space<vmem>>
      %dma_start3A_1992 = arith.constant 160 : i32
      %dma_start3A_1993 = arith.constant 0 : i32
      %dma_start3A_1994 = tpu.memref_slice %dma_start3A_1991[%dma_start3A_1992, %dma_start3A_1993] : memref<400x128xf32, #tpu.memory_space<vmem>> -> memref<80x128xf32, #tpu.memory_space<vmem>>
      %dma_start3A_1995 = arith.constant 0 : i32
      %dma_start3A_1996 = tpu.memref_slice %arg6[%dma_start3A_1987, %dma_start3A_1995] : memref<5x80xi32, #tpu.memory_space<vmem>> -> memref<1x80xi32, #tpu.memory_space<vmem>>
      %dma_start3A_1997 = tpu.memref_squeeze %dma_start3A_1996 : memref<1x80xi32, #tpu.memory_space<vmem>> -> memref<80xi32, #tpu.memory_space<vmem>>
      %dma_start3A_1998 = arith.constant 0 : i32
      %dma_start3A_1999 = arith.constant 0 : i32
      %dma_start3A_2000 = tpu.memref_slice %arg8[%dma_start3A_1998, %dma_start3A_1999] : memref<60x128xf32, #tpu.memory_space<vmem_shared>> -> memref<60x128xf32, #tpu.memory_space<vmem_shared>>
      tpu.enqueue_indirect_dma source(%dma_start3A_2000 : memref<60x128xf32, #tpu.memory_space<vmem_shared>>) target(%dma_start3A_1994 : memref<80x128xf32, #tpu.memory_space<vmem>>) offsets(%dma_start3A_1997 : memref<80xi32, #tpu.memory_space<vmem>>) semaphore(%arg9 : memref<!tpu.dma_semaphore, #tpu.memory_space<semaphore_mem>>)
      %dma_start3A_2001 = arith.constant 3 : i32
      %dma_start3A_2002 = arith.constant 0 : i32
      %dma_start3A_2003 = arith.constant 0 : i32
      %dma_start3A_2004 = tpu.memref_slice %arg7[%sub3A_1958, %dma_start3A_2002, %dma_start3A_2003] : memref<2x400x128xf32, #tpu.memory_space<vmem>> -> memref<1x400x128xf32, #tpu.memory_space<vmem>>
      %dma_start3A_2005 = tpu.memref_squeeze %dma_start3A_2004 : memref<1x400x128xf32, #tpu.memory_space<vmem>> -> memref<400x128xf32, #tpu.memory_space<vmem>>
      %dma_start3A_2006 = arith.constant 240 : i32
      %dma_start3A_2007 = arith.constant 0 : i32
      %dma_start3A_2008 = tpu.memref_slice %dma_start3A_2005[%dma_start3A_2006, %dma_start3A_2007] : memref<400x128xf32, #tpu.memory_space<vmem>> -> memref<80x128xf32, #tpu.memory_space<vmem>>
      %dma_start3A_2009 = arith.constant 0 : i32
      %dma_start3A_2010 = tpu.memref_slice %arg6[%dma_start3A_2001, %dma_start3A_2009] : memref<5x80xi32, #tpu.memory_space<vmem>> -> memref<1x80xi32, #tpu.memory_space<vmem>>
      %dma_start3A_2011 = tpu.memref_squeeze %dma_start3A_2010 : memref<1x80xi32, #tpu.memory_space<vmem>> -> memref<80xi32, #tpu.memory_space<vmem>>
      %dma_start3A_2012 = arith.constant 0 : i32
      %dma_start3A_2013 = arith.constant 0 : i32
      %dma_start3A_2014 = tpu.memref_slice %arg8[%dma_start3A_2012, %dma_start3A_2013] : memref<60x128xf32, #tpu.memory_space<vmem_shared>> -> memref<60x128xf32, #tpu.memory_space<vmem_shared>>
      tpu.enqueue_indirect_dma source(%dma_start3A_2014 : memref<60x128xf32, #tpu.memory_space<vmem_shared>>) target(%dma_start3A_2008 : memref<80x128xf32, #tpu.memory_space<vmem>>) offsets(%dma_start3A_2011 : memref<80xi32, #tpu.memory_space<vmem>>) semaphore(%arg9 : memref<!tpu.dma_semaphore, #tpu.memory_space<semaphore_mem>>)
      %dma_start3A_2015 = arith.constant 4 : i32
      %dma_start3A_2016 = arith.constant 0 : i32
      %dma_start3A_2017 = arith.constant 0 : i32
      %dma_start3A_2018 = tpu.memref_slice %arg7[%sub3A_1958, %dma_start3A_2016, %dma_start3A_2017] : memref<2x400x128xf32, #tpu.memory_space<vmem>> -> memref<1x400x128xf32, #tpu.memory_space<vmem>>
      %dma_start3A_2019 = tpu.memref_squeeze %dma_start3A_2018 : memref<1x400x128xf32, #tpu.memory_space<vmem>> -> memref<400x128xf32, #tpu.memory_space<vmem>>
      %dma_start3A_2020 = arith.constant 320 : i32
      %dma_start3A_2021 = arith.constant 0 : i32
      %dma_start3A_2022 = tpu.memref_slice %dma_start3A_2019[%dma_start3A_2020, %dma_start3A_2021] : memref<400x128xf32, #tpu.memory_space<vmem>> -> memref<80x128xf32, #tpu.memory_space<vmem>>
      %dma_start3A_2023 = arith.constant 0 : i32
      %dma_start3A_2024 = tpu.memref_slice %arg6[%dma_start3A_2015, %dma_start3A_2023] : memref<5x80xi32, #tpu.memory_space<vmem>> -> memref<1x80xi32, #tpu.memory_space<vmem>>
      %dma_start3A_2025 = tpu.memref_squeeze %dma_start3A_2024 : memref<1x80xi32, #tpu.memory_space<vmem>> -> memref<80xi32, #tpu.memory_space<vmem>>
      %dma_start3A_2026 = arith.constant 0 : i32
      %dma_start3A_2027 = arith.constant 0 : i32
      %dma_start3A_2028 = tpu.memref_slice %arg8[%dma_start3A_2026, %dma_start3A_2027] : memref<60x128xf32, #tpu.memory_space<vmem_shared>> -> memref<60x128xf32, #tpu.memory_space<vmem_shared>>
      tpu.enqueue_indirect_dma source(%dma_start3A_2028 : memref<60x128xf32, #tpu.memory_space<vmem_shared>>) target(%dma_start3A_2022 : memref<80x128xf32, #tpu.memory_space<vmem>>) offsets(%dma_start3A_2025 : memref<80xi32, #tpu.memory_space<vmem>>) semaphore(%arg9 : memref<!tpu.dma_semaphore, #tpu.memory_space<semaphore_mem>>)
      %dma_wait3A_2029 = arith.constant 0 : i32
      %dma_wait3A_2030 = arith.constant 0 : i32
      %dma_wait3A_2031 = arith.constant 0 : i32
      %dma_wait3A_2032 = tpu.memref_slice %arg7[%sub3A_1958, %dma_wait3A_2030, %dma_wait3A_2031] : memref<2x400x128xf32, #tpu.memory_space<vmem>> -> memref<1x400x128xf32, #tpu.memory_space<vmem>>
      %dma_wait3A_2033 = tpu.memref_squeeze %dma_wait3A_2032 : memref<1x400x128xf32, #tpu.memory_space<vmem>> -> memref<400x128xf32, #tpu.memory_space<vmem>>
      %dma_wait3A_2034 = arith.constant 0 : i32
      %dma_wait3A_2035 = arith.constant 0 : i32
      %dma_wait3A_2036 = tpu.memref_slice %dma_wait3A_2033[%dma_wait3A_2034, %dma_wait3A_2035] : memref<400x128xf32, #tpu.memory_space<vmem>> -> memref<80x128xf32, #tpu.memory_space<vmem>>
      %dma_wait3A_2037 = arith.constant 0 : i32
      %dma_wait3A_2038 = tpu.memref_slice %arg6[%dma_wait3A_2029, %dma_wait3A_2037] : memref<5x80xi32, #tpu.memory_space<vmem>> -> memref<1x80xi32, #tpu.memory_space<vmem>>
      %dma_wait3A_2039 = tpu.memref_squeeze %dma_wait3A_2038 : memref<1x80xi32, #tpu.memory_space<vmem>> -> memref<80xi32, #tpu.memory_space<vmem>>
      %dma_wait3A_2040 = arith.constant 0 : i32
      %dma_wait3A_2041 = arith.constant 0 : i32
      %dma_wait3A_2042 = tpu.memref_slice %arg8[%dma_wait3A_2040, %dma_wait3A_2041] : memref<60x128xf32, #tpu.memory_space<vmem_shared>> -> memref<60x128xf32, #tpu.memory_space<vmem_shared>>
      tpu.wait_indirect_dma semaphore(%arg9 : memref<!tpu.dma_semaphore, #tpu.memory_space<semaphore_mem>>) src(%dma_wait3A_2042 : memref<60x128xf32, #tpu.memory_space<vmem_shared>>) dst(%dma_wait3A_2036 : memref<80x128xf32, #tpu.memory_space<vmem>>)
      %dma_wait3A_2043 = arith.constant 1 : i32
      %dma_wait3A_2044 = arith.constant 0 : i32
      %dma_wait3A_2045 = arith.constant 0 : i32
      %dma_wait3A_2046 = tpu.memref_slice %arg7[%sub3A_1958, %dma_wait3A_2044, %dma_wait3A_2045] : memref<2x400x128xf32, #tpu.memory_space<vmem>> -> memref<1x400x128xf32, #tpu.memory_space<vmem>>
      %dma_wait3A_2047 = tpu.memref_squeeze %dma_wait3A_2046 : memref<1x400x128xf32, #tpu.memory_space<vmem>> -> memref<400x128xf32, #tpu.memory_space<vmem>>
      %dma_wait3A_2048 = arith.constant 80 : i32
      %dma_wait3A_2049 = arith.constant 0 : i32
      %dma_wait3A_2050 = tpu.memref_slice %dma_wait3A_2047[%dma_wait3A_2048, %dma_wait3A_2049] : memref<400x128xf32, #tpu.memory_space<vmem>> -> memref<80x128xf32, #tpu.memory_space<vmem>>
      %dma_wait3A_2051 = arith.constant 0 : i32
      %dma_wait3A_2052 = tpu.memref_slice %arg6[%dma_wait3A_2043, %dma_wait3A_2051] : memref<5x80xi32, #tpu.memory_space<vmem>> -> memref<1x80xi32, #tpu.memory_space<vmem>>
      %dma_wait3A_2053 = tpu.memref_squeeze %dma_wait3A_2052 : memref<1x80xi32, #tpu.memory_space<vmem>> -> memref<80xi32, #tpu.memory_space<vmem>>
      %dma_wait3A_2054 = arith.constant 0 : i32
      %dma_wait3A_2055 = arith.constant 0 : i32
      %dma_wait3A_2056 = tpu.memref_slice %arg8[%dma_wait3A_2054, %dma_wait3A_2055] : memref<60x128xf32, #tpu.memory_space<vmem_shared>> -> memref<60x128xf32, #tpu.memory_space<vmem_shared>>
      tpu.wait_indirect_dma semaphore(%arg9 : memref<!tpu.dma_semaphore, #tpu.memory_space<semaphore_mem>>) src(%dma_wait3A_2056 : memref<60x128xf32, #tpu.memory_space<vmem_shared>>) dst(%dma_wait3A_2050 : memref<80x128xf32, #tpu.memory_space<vmem>>)
      %dma_wait3A_2057 = arith.constant 2 : i32
      %dma_wait3A_2058 = arith.constant 0 : i32
      %dma_wait3A_2059 = arith.constant 0 : i32
      %dma_wait3A_2060 = tpu.memref_slice %arg7[%sub3A_1958, %dma_wait3A_2058, %dma_wait3A_2059] : memref<2x400x128xf32, #tpu.memory_space<vmem>> -> memref<1x400x128xf32, #tpu.memory_space<vmem>>
      %dma_wait3A_2061 = tpu.memref_squeeze %dma_wait3A_2060 : memref<1x400x128xf32, #tpu.memory_space<vmem>> -> memref<400x128xf32, #tpu.memory_space<vmem>>
      %dma_wait3A_2062 = arith.constant 160 : i32
      %dma_wait3A_2063 = arith.constant 0 : i32
      %dma_wait3A_2064 = tpu.memref_slice %dma_wait3A_2061[%dma_wait3A_2062, %dma_wait3A_2063] : memref<400x128xf32, #tpu.memory_space<vmem>> -> memref<80x128xf32, #tpu.memory_space<vmem>>
      %dma_wait3A_2065 = arith.constant 0 : i32
      %dma_wait3A_2066 = tpu.memref_slice %arg6[%dma_wait3A_2057, %dma_wait3A_2065] : memref<5x80xi32, #tpu.memory_space<vmem>> -> memref<1x80xi32, #tpu.memory_space<vmem>>
      %dma_wait3A_2067 = tpu.memref_squeeze %dma_wait3A_2066 : memref<1x80xi32, #tpu.memory_space<vmem>> -> memref<80xi32, #tpu.memory_space<vmem>>
      %dma_wait3A_2068 = arith.constant 0 : i32
      %dma_wait3A_2069 = arith.constant 0 : i32
      %dma_wait3A_2070 = tpu.memref_slice %arg8[%dma_wait3A_2068, %dma_wait3A_2069] : memref<60x128xf32, #tpu.memory_space<vmem_shared>> -> memref<60x128xf32, #tpu.memory_space<vmem_shared>>
      tpu.wait_indirect_dma semaphore(%arg9 : memref<!tpu.dma_semaphore, #tpu.memory_space<semaphore_mem>>) src(%dma_wait3A_2070 : memref<60x128xf32, #tpu.memory_space<vmem_shared>>) dst(%dma_wait3A_2064 : memref<80x128xf32, #tpu.memory_space<vmem>>)
      %dma_wait3A_2071 = arith.constant 3 : i32
      %dma_wait3A_2072 = arith.constant 0 : i32
      %dma_wait3A_2073 = arith.constant 0 : i32
      %dma_wait3A_2074 = tpu.memref_slice %arg7[%sub3A_1958, %dma_wait3A_2072, %dma_wait3A_2073] : memref<2x400x128xf32, #tpu.memory_space<vmem>> -> memref<1x400x128xf32, #tpu.memory_space<vmem>>
      %dma_wait3A_2075 = tpu.memref_squeeze %dma_wait3A_2074 : memref<1x400x128xf32, #tpu.memory_space<vmem>> -> memref<400x128xf32, #tpu.memory_space<vmem>>
      %dma_wait3A_2076 = arith.constant 240 : i32
      %dma_wait3A_2077 = arith.constant 0 : i32
      %dma_wait3A_2078 = tpu.memref_slice %dma_wait3A_2075[%dma_wait3A_2076, %dma_wait3A_2077] : memref<400x128xf32, #tpu.memory_space<vmem>> -> memref<80x128xf32, #tpu.memory_space<vmem>>
      %dma_wait3A_2079 = arith.constant 0 : i32
      %dma_wait3A_2080 = tpu.memref_slice %arg6[%dma_wait3A_2071, %dma_wait3A_2079] : memref<5x80xi32, #tpu.memory_space<vmem>> -> memref<1x80xi32, #tpu.memory_space<vmem>>
      %dma_wait3A_2081 = tpu.memref_squeeze %dma_wait3A_2080 : memref<1x80xi32, #tpu.memory_space<vmem>> -> memref<80xi32, #tpu.memory_space<vmem>>
      %dma_wait3A_2082 = arith.constant 0 : i32
      %dma_wait3A_2083 = arith.constant 0 : i32
      %dma_wait3A_2084 = tpu.memref_slice %arg8[%dma_wait3A_2082, %dma_wait3A_2083] : memref<60x128xf32, #tpu.memory_space<vmem_shared>> -> memref<60x128xf32, #tpu.memory_space<vmem_shared>>
      tpu.wait_indirect_dma semaphore(%arg9 : memref<!tpu.dma_semaphore, #tpu.memory_space<semaphore_mem>>) src(%dma_wait3A_2084 : memref<60x128xf32, #tpu.memory_space<vmem_shared>>) dst(%dma_wait3A_2078 : memref<80x128xf32, #tpu.memory_space<vmem>>)
      %dma_wait3A_2085 = arith.constant 4 : i32
      %dma_wait3A_2086 = arith.constant 0 : i32
      %dma_wait3A_2087 = arith.constant 0 : i32
      %dma_wait3A_2088 = tpu.memref_slice %arg7[%sub3A_1958, %dma_wait3A_2086, %dma_wait3A_2087] : memref<2x400x128xf32, #tpu.memory_space<vmem>> -> memref<1x400x128xf32, #tpu.memory_space<vmem>>
      %dma_wait3A_2089 = tpu.memref_squeeze %dma_wait3A_2088 : memref<1x400x128xf32, #tpu.memory_space<vmem>> -> memref<400x128xf32, #tpu.memory_space<vmem>>
      %dma_wait3A_2090 = arith.constant 320 : i32
      %dma_wait3A_2091 = arith.constant 0 : i32
      %dma_wait3A_2092 = tpu.memref_slice %dma_wait3A_2089[%dma_wait3A_2090, %dma_wait3A_2091] : memref<400x128xf32, #tpu.memory_space<vmem>> -> memref<80x128xf32, #tpu.memory_space<vmem>>
      %dma_wait3A_2093 = arith.constant 0 : i32
      %dma_wait3A_2094 = tpu.memref_slice %arg6[%dma_wait3A_2085, %dma_wait3A_2093] : memref<5x80xi32, #tpu.memory_space<vmem>> -> memref<1x80xi32, #tpu.memory_space<vmem>>
      %dma_wait3A_2095 = tpu.memref_squeeze %dma_wait3A_2094 : memref<1x80xi32, #tpu.memory_space<vmem>> -> memref<80xi32, #tpu.memory_space<vmem>>
      %dma_wait3A_2096 = arith.constant 0 : i32
      %dma_wait3A_2097 = arith.constant 0 : i32
      %dma_wait3A_2098 = tpu.memref_slice %arg8[%dma_wait3A_2096, %dma_wait3A_2097] : memref<60x128xf32, #tpu.memory_space<vmem_shared>> -> memref<60x128xf32, #tpu.memory_space<vmem_shared>>
      tpu.wait_indirect_dma semaphore(%arg9 : memref<!tpu.dma_semaphore, #tpu.memory_space<semaphore_mem>>) src(%dma_wait3A_2098 : memref<60x128xf32, #tpu.memory_space<vmem_shared>>) dst(%dma_wait3A_2092 : memref<80x128xf32, #tpu.memory_space<vmem>>)
      %dma_wait3A_2099 = arith.constant 0 : i32
      %dma_wait3A_2100 = arith.constant 0 : i32
      %dma_wait3A_2101 = tpu.memref_slice %arg7[%rem3A_1114, %dma_wait3A_2099, %dma_wait3A_2100] : memref<2x400x128xf32, #tpu.memory_space<vmem>> -> memref<1x400x128xf32, #tpu.memory_space<vmem>>
      %dma_wait3A_2102 = tpu.memref_squeeze %dma_wait3A_2101 : memref<1x400x128xf32, #tpu.memory_space<vmem>> -> memref<400x128xf32, #tpu.memory_space<vmem>>
      %dma_wait3A_2103 = arith.constant 0 : i32
      %dma_wait3A_2104 = tpu.memref_slice %arg4[%add3A_1121, %dma_wait3A_2103] : memref<320000x128xf32, #tpu.memory_space<hbm>> -> memref<400x128xf32, #tpu.memory_space<hbm>>
      %dma_wait3A_2105 = arith.constant 0 : i32
      %dma_wait3A_2106 = tpu.memref_slice %arg4[%add3A_1121, %dma_wait3A_2105] : memref<320000x128xf32, #tpu.memory_space<hbm>> -> memref<400x128xf32, #tpu.memory_space<hbm>>
      %dma_wait3A_2107 = arith.constant 0 : i32
      %dma_wait3A_2108 = arith.constant 0 : i32
      %dma_wait3A_2109 = tpu.memref_slice %arg7[%rem3A_1114, %dma_wait3A_2107, %dma_wait3A_2108] : memref<2x400x128xf32, #tpu.memory_space<vmem>> -> memref<1x400x128xf32, #tpu.memory_space<vmem>>
      %dma_wait3A_2110 = tpu.memref_squeeze %dma_wait3A_2109 : memref<1x400x128xf32, #tpu.memory_space<vmem>> -> memref<400x128xf32, #tpu.memory_space<vmem>>
      tpu.wait_dma2 semaphore(%arg10 : memref<!tpu.dma_semaphore, #tpu.memory_space<semaphore_mem>>) src(%dma_wait3A_2110 : memref<400x128xf32, #tpu.memory_space<vmem>>) dst(%dma_wait3A_2106 : memref<400x128xf32, #tpu.memory_space<hbm>>)
    }
    %scan3A_1084 = arith.constant 24 : i32
    %add3A_1085 = arith.constant 9600 : i32
    %add3A_1086 = arith.addi %mul3A_2, %add3A_1085 : i32
    %dma_start3A_1087 = arith.constant 0 : i32
    %dma_start3A_1088 = arith.constant 0 : i32
    %dma_start3A_1089 = arith.constant 0 : i32
    %dma_start3A_1090 = tpu.memref_slice %arg7[%dma_start3A_1087, %dma_start3A_1088, %dma_start3A_1089] : memref<2x400x128xf32, #tpu.memory_space<vmem>> -> memref<1x400x128xf32, #tpu.memory_space<vmem>>
    %dma_start3A_1091 = tpu.memref_squeeze %dma_start3A_1090 : memref<1x400x128xf32, #tpu.memory_space<vmem>> -> memref<400x128xf32, #tpu.memory_space<vmem>>
    %dma_start3A_1092 = arith.constant 0 : i32
    %dma_start3A_1093 = tpu.memref_slice %arg4[%add3A_1086, %dma_start3A_1092] : memref<320000x128xf32, #tpu.memory_space<hbm>> -> memref<400x128xf32, #tpu.memory_space<hbm>>
    %dma_start3A_1094 = arith.constant 0 : i32
    %dma_start3A_1095 = tpu.memref_slice %arg4[%add3A_1086, %dma_start3A_1094] : memref<320000x128xf32, #tpu.memory_space<hbm>> -> memref<400x128xf32, #tpu.memory_space<hbm>>
    %dma_start3A_1096 = arith.constant 0 : i32
    %dma_start3A_1097 = arith.constant 0 : i32
    %dma_start3A_1098 = tpu.memref_slice %arg7[%dma_start3A_1087, %dma_start3A_1096, %dma_start3A_1097] : memref<2x400x128xf32, #tpu.memory_space<vmem>> -> memref<1x400x128xf32, #tpu.memory_space<vmem>>
    %dma_start3A_1099 = tpu.memref_squeeze %dma_start3A_1098 : memref<1x400x128xf32, #tpu.memory_space<vmem>> -> memref<400x128xf32, #tpu.memory_space<vmem>>
    tpu.enqueue_dma source(%dma_start3A_1099 : memref<400x128xf32, #tpu.memory_space<vmem>>) target(%dma_start3A_1095 : memref<400x128xf32, #tpu.memory_space<hbm>>) target_semaphore(%arg10 : memref<!tpu.dma_semaphore, #tpu.memory_space<semaphore_mem>>)
    %dma_wait3A_1100 = arith.constant 0 : i32
    %dma_wait3A_1101 = arith.constant 0 : i32
    %dma_wait3A_1102 = arith.constant 0 : i32
    %dma_wait3A_1103 = tpu.memref_slice %arg7[%dma_wait3A_1100, %dma_wait3A_1101, %dma_wait3A_1102] : memref<2x400x128xf32, #tpu.memory_space<vmem>> -> memref<1x400x128xf32, #tpu.memory_space<vmem>>
    %dma_wait3A_1104 = tpu.memref_squeeze %dma_wait3A_1103 : memref<1x400x128xf32, #tpu.memory_space<vmem>> -> memref<400x128xf32, #tpu.memory_space<vmem>>
    %dma_wait3A_1105 = arith.constant 0 : i32
    %dma_wait3A_1106 = tpu.memref_slice %arg4[%add3A_1086, %dma_wait3A_1105] : memref<320000x128xf32, #tpu.memory_space<hbm>> -> memref<400x128xf32, #tpu.memory_space<hbm>>
    %dma_wait3A_1107 = arith.constant 0 : i32
    %dma_wait3A_1108 = tpu.memref_slice %arg4[%add3A_1086, %dma_wait3A_1107] : memref<320000x128xf32, #tpu.memory_space<hbm>> -> memref<400x128xf32, #tpu.memory_space<hbm>>
    %dma_wait3A_1109 = arith.constant 0 : i32
    %dma_wait3A_1110 = arith.constant 0 : i32
    %dma_wait3A_1111 = tpu.memref_slice %arg7[%dma_wait3A_1100, %dma_wait3A_1109, %dma_wait3A_1110] : memref<2x400x128xf32, #tpu.memory_space<vmem>> -> memref<1x400x128xf32, #tpu.memory_space<vmem>>
    %dma_wait3A_1112 = tpu.memref_squeeze %dma_wait3A_1111 : memref<1x400x128xf32, #tpu.memory_space<vmem>> -> memref<400x128xf32, #tpu.memory_space<vmem>>
    tpu.wait_dma2 semaphore(%arg10 : memref<!tpu.dma_semaphore, #tpu.memory_space<semaphore_mem>>) src(%dma_wait3A_1112 : memref<400x128xf32, #tpu.memory_space<vmem>>) dst(%dma_wait3A_1108 : memref<400x128xf32, #tpu.memory_space<hbm>>)
    return
  }
}

module attributes {stable_mosaic.version = 14 : i64} {
  func.func @_prep_body(%arg0: i32, %arg1: memref<1x25x400x3xi32, #tpu.memory_space<vmem>>, %arg2: memref<5x128xf32, #tpu.memory_space<vmem>>, %arg3: memref<6x128xf32, #tpu.memory_space<vmem>>, %arg4: memref<2x128xf32, #tpu.memory_space<vmem>>, %arg5: memref<1x25x3x400xi32, #tpu.memory_space<vmem>>, %arg6: memref<60x128xf32, #tpu.memory_space<vmem>>) attributes {dimension_semantics = [#tpu.dimension_semantics<arbitrary>], iteration_bounds = array<i64: 32>, scalar_prefetch = 0 : i64, scratch_operands = 0 : i64, tpu.core_type = #tpu.core_type<tc>, window_params = [{transform_indices = @transform_0, window_bounds = array<i64: 1, 25, 400, 3>}, {pipeline_mode = #tpu.pipeline_mode<synchronous>, transform_indices = @transform_1, window_bounds = array<i64: 5, 128>}, {pipeline_mode = #tpu.pipeline_mode<synchronous>, transform_indices = @transform_2, window_bounds = array<i64: 6, 128>}, {pipeline_mode = #tpu.pipeline_mode<synchronous>, transform_indices = @transform_3, window_bounds = array<i64: 2, 128>}, {transform_indices = @transform_4, window_bounds = array<i64: 1, 25, 3, 400>}, {pipeline_mode = #tpu.pipeline_mode<synchronous>, transform_indices = @transform_5, window_bounds = array<i64: 60, 128>}]} {
    %get3A = arith.constant 0 : index
    %get3A_0 = arith.constant 0 : index
    %get3A_1 = arith.constant 0 : index
    %get3A_2 = arith.constant 0 : index
    %get3A_3 = vector.load %arg1[%get3A, %get3A_0, %get3A_1, %get3A_2] : memref<1x25x400x3xi32, #tpu.memory_space<vmem>>, vector<1x25x400x3xi32>
    %get3A_4 = vector.shape_cast %get3A_3 : vector<1x25x400x3xi32> to vector<25x400x3xi32>
    %transpose3A = tpu.transpose %get3A_4, [0, 2, 1] : vector<25x400x3xi32> -> vector<25x3x400xi32>
    %swap3A = arith.constant 0 : index
    %swap3A_5 = arith.constant 0 : index
    %swap3A_6 = arith.constant 0 : index
    %swap3A_7 = arith.constant 0 : index
    %swap3A_8 = vector.load %arg5[%swap3A, %swap3A_5, %swap3A_6, %swap3A_7] : memref<1x25x3x400xi32, #tpu.memory_space<vmem>>, vector<1x25x3x400xi32>
    %swap3A_9 = vector.shape_cast %swap3A_8 : vector<1x25x3x400xi32> to vector<25x3x400xi32>
    %swap3A_10 = vector.shape_cast %transpose3A : vector<25x3x400xi32> to vector<1x25x3x400xi32>
    tpu.vector_store %arg5[%swap3A, %swap3A_5, %swap3A_6, %swap3A_7], %swap3A_10 {strides = array<i32>} : memref<1x25x3x400xi32, #tpu.memory_space<vmem>>, vector<1x25x3x400xi32>,
    %eq3A = arith.constant 0 : i32
    %eq3A_11 = arith.cmpi eq, %arg0, %eq3A : i32
    %convert_element_type3A = arith.extui %eq3A_11 : i1 to i32
    %cond3A = arith.constant 0 : i32
    %cond3A_12 = arith.cmpi ne, %convert_element_type3A, %cond3A : i32
    scf.if %cond3A_12 {
      %iota3A = tpu.iota {dimensions = array<i32: 0>} : vector<60x1xi32>
      %iota3A_13 = tpu.iota {dimensions = array<i32: 1>} : vector<60x5xi32>
      %jit3A = arith.constant 12 : i32
      %div3A = vector.broadcast %jit3A : i32 to vector<60x1xi32>
      %div3A_14 = arith.divsi %iota3A, %div3A : vector<60x1xi32>
      %sign3A = arith.constant 0 : i32
      %sign3A_15 = vector.broadcast %sign3A : i32 to vector<60x1xi32>
      %sign3A_16 = arith.cmpi sgt, %iota3A, %sign3A_15 : vector<60x1xi32>
      %sign3A_17 = arith.extui %sign3A_16 : vector<60x1xi1> to vector<60x1xi32>
      %sign3A_18 = arith.constant 0 : i32
      %sign3A_19 = vector.broadcast %sign3A_18 : i32 to vector<60x1xi32>
      %sign3A_20 = arith.cmpi slt, %iota3A, %sign3A_19 : vector<60x1xi32>
      %sign3A_21 = arith.extui %sign3A_20 : vector<60x1xi1> to vector<60x1xi32>
      %sign3A_22 = arith.subi %sign3A_17, %sign3A_21 : vector<60x1xi32>
      %sign3A_23 = arith.constant 0 : i32
      %sign3A_24 = arith.cmpi sgt, %jit3A, %sign3A_23 : i32
      %sign3A_25 = arith.extui %sign3A_24 : i1 to i32
      %sign3A_26 = arith.constant 0 : i32
      %sign3A_27 = arith.cmpi slt, %jit3A, %sign3A_26 : i32
      %sign3A_28 = arith.extui %sign3A_27 : i1 to i32
      %sign3A_29 = arith.subi %sign3A_25, %sign3A_28 : i32
      %ne3A = vector.broadcast %sign3A_29 : i32 to vector<60x1xi32>
      %ne3A_30 = arith.cmpi ne, %sign3A_22, %ne3A : vector<60x1xi32>
      %rem3A = vector.broadcast %jit3A : i32 to vector<60x1xi32>
      %rem3A_31 = arith.remsi %iota3A, %rem3A : vector<60x1xi32>
      %ne3A_32 = arith.constant 0 : i32
      %ne3A_33 = vector.broadcast %ne3A_32 : i32 to vector<60x1xi32>
      %ne3A_34 = arith.cmpi ne, %rem3A_31, %ne3A_33 : vector<60x1xi32>
      %and3A = arith.andi %ne3A_30, %ne3A_34 : vector<60x1xi1>
      %sub3A = arith.constant 1 : i32
      %sub3A_35 = vector.broadcast %sub3A : i32 to vector<60x1xi32>
      %sub3A_36 = arith.subi %div3A_14, %sub3A_35 : vector<60x1xi32>
      %select_n3A = arith.select %and3A, %sub3A_36, %div3A_14 : vector<60x1xi1>, vector<60x1xi32>
      %eq3A_37 = vector.broadcast %select_n3A : vector<60x1xi32> to vector<60x5xi32>
      %eq3A_38 = arith.cmpi eq, %iota3A_13, %eq3A_37 : vector<60x5xi32>
      %convert_element_type3A_39 = arith.extui %eq3A_38 : vector<60x5xi1> to vector<60x5xi32>
      %convert_element_type3A_40 = arith.sitofp %convert_element_type3A_39 : vector<60x5xi32> to vector<60x5xf32>
      %iota3A_41 = tpu.iota {dimensions = array<i32: 1>} : vector<60x6xi32>
      %jit3A_42 = arith.constant 2 : i32
      %div3A_43 = vector.broadcast %jit3A_42 : i32 to vector<60x1xi32>
      %div3A_44 = arith.divsi %iota3A, %div3A_43 : vector<60x1xi32>
      %sign3A_45 = arith.constant 0 : i32
      %sign3A_46 = vector.broadcast %sign3A_45 : i32 to vector<60x1xi32>
      %sign3A_47 = arith.cmpi sgt, %iota3A, %sign3A_46 : vector<60x1xi32>
      %sign3A_48 = arith.extui %sign3A_47 : vector<60x1xi1> to vector<60x1xi32>
      %sign3A_49 = arith.constant 0 : i32
      %sign3A_50 = vector.broadcast %sign3A_49 : i32 to vector<60x1xi32>
      %sign3A_51 = arith.cmpi slt, %iota3A, %sign3A_50 : vector<60x1xi32>
      %sign3A_52 = arith.extui %sign3A_51 : vector<60x1xi1> to vector<60x1xi32>
      %sign3A_53 = arith.subi %sign3A_48, %sign3A_52 : vector<60x1xi32>
      %sign3A_54 = arith.constant 0 : i32
      %sign3A_55 = arith.cmpi sgt, %jit3A_42, %sign3A_54 : i32
      %sign3A_56 = arith.extui %sign3A_55 : i1 to i32
      %sign3A_57 = arith.constant 0 : i32
      %sign3A_58 = arith.cmpi slt, %jit3A_42, %sign3A_57 : i32
      %sign3A_59 = arith.extui %sign3A_58 : i1 to i32
      %sign3A_60 = arith.subi %sign3A_56, %sign3A_59 : i32
      %ne3A_61 = vector.broadcast %sign3A_60 : i32 to vector<60x1xi32>
      %ne3A_62 = arith.cmpi ne, %sign3A_53, %ne3A_61 : vector<60x1xi32>
      %rem3A_63 = vector.broadcast %jit3A_42 : i32 to vector<60x1xi32>
      %rem3A_64 = arith.remsi %iota3A, %rem3A_63 : vector<60x1xi32>
      %ne3A_65 = arith.constant 0 : i32
      %ne3A_66 = vector.broadcast %ne3A_65 : i32 to vector<60x1xi32>
      %ne3A_67 = arith.cmpi ne, %rem3A_64, %ne3A_66 : vector<60x1xi32>
      %and3A_68 = arith.andi %ne3A_62, %ne3A_67 : vector<60x1xi1>
      %sub3A_69 = arith.constant 1 : i32
      %sub3A_70 = vector.broadcast %sub3A_69 : i32 to vector<60x1xi32>
      %sub3A_71 = arith.subi %div3A_44, %sub3A_70 : vector<60x1xi32>
      %select_n3A_72 = arith.select %and3A_68, %sub3A_71, %div3A_44 : vector<60x1xi1>, vector<60x1xi32>
      %jit3A_73 = arith.constant 6 : i32
      %eq3A_74 = arith.constant 0 : i32
      %eq3A_75 = arith.cmpi eq, %jit3A_73, %eq3A_74 : i32
      %jit3A_76 = arith.constant 1 : i32
      %select_n3A_77 = arith.select %eq3A_75, %jit3A_76, %jit3A_73 : i32
      %rem3A_78 = vector.broadcast %select_n3A_77 : i32 to vector<60x1xi32>
      %rem3A_79 = arith.remsi %select_n3A_72, %rem3A_78 : vector<60x1xi32>
      %ne3A_80 = arith.constant 0 : i32
      %ne3A_81 = vector.broadcast %ne3A_80 : i32 to vector<60x1xi32>
      %ne3A_82 = arith.cmpi ne, %rem3A_79, %ne3A_81 : vector<60x1xi32>
      %lt3A = arith.constant 0 : i32
      %lt3A_83 = vector.broadcast %lt3A : i32 to vector<60x1xi32>
      %lt3A_84 = arith.cmpi slt, %rem3A_79, %lt3A_83 : vector<60x1xi32>
      %lt3A_85 = arith.constant 0 : i32
      %lt3A_86 = arith.cmpi slt, %select_n3A_77, %lt3A_85 : i32
      %ne3A_87 = vector.broadcast %lt3A_86 : i1 to vector<60x1xi1>
      %ne3A_88 = vector.broadcast %ne3A_87 : vector<60x1xi1> to vector<60x1xi1>
      %ne3A_89 = arith.xori %lt3A_84, %ne3A_88 : vector<60x1xi1>
      %and3A_90 = arith.andi %ne3A_89, %ne3A_82 : vector<60x1xi1>
      %add3A = vector.broadcast %select_n3A_77 : i32 to vector<60x1xi32>
      %add3A_91 = arith.addi %rem3A_79, %add3A : vector<60x1xi32>
      %select_n3A_92 = arith.select %and3A_90, %add3A_91, %rem3A_79 : vector<60x1xi1>, vector<60x1xi32>
      %eq3A_93 = vector.broadcast %select_n3A_92 : vector<60x1xi32> to vector<60x6xi32>
      %eq3A_94 = arith.cmpi eq, %iota3A_41, %eq3A_93 : vector<60x6xi32>
      %convert_element_type3A_95 = arith.extui %eq3A_94 : vector<60x6xi1> to vector<60x6xi32>
      %convert_element_type3A_96 = arith.sitofp %convert_element_type3A_95 : vector<60x6xi32> to vector<60x6xf32>
      %iota3A_97 = tpu.iota {dimensions = array<i32: 1>} : vector<60x2xi32>
      %jit3A_98 = arith.constant 2 : i32
      %eq3A_99 = arith.constant 0 : i32
      %eq3A_100 = arith.cmpi eq, %jit3A_98, %eq3A_99 : i32
      %jit3A_101 = arith.constant 1 : i32
      %select_n3A_102 = arith.select %eq3A_100, %jit3A_101, %jit3A_98 : i32
      %rem3A_103 = vector.broadcast %select_n3A_102 : i32 to vector<60x1xi32>
      %rem3A_104 = arith.remsi %iota3A, %rem3A_103 : vector<60x1xi32>
      %ne3A_105 = arith.constant 0 : i32
      %ne3A_106 = vector.broadcast %ne3A_105 : i32 to vector<60x1xi32>
      %ne3A_107 = arith.cmpi ne, %rem3A_104, %ne3A_106 : vector<60x1xi32>
      %lt3A_108 = arith.constant 0 : i32
      %lt3A_109 = vector.broadcast %lt3A_108 : i32 to vector<60x1xi32>
      %lt3A_110 = arith.cmpi slt, %rem3A_104, %lt3A_109 : vector<60x1xi32>
      %lt3A_111 = arith.constant 0 : i32
      %lt3A_112 = arith.cmpi slt, %select_n3A_102, %lt3A_111 : i32
      %ne3A_113 = vector.broadcast %lt3A_112 : i1 to vector<60x1xi1>
      %ne3A_114 = vector.broadcast %ne3A_113 : vector<60x1xi1> to vector<60x1xi1>
      %ne3A_115 = arith.xori %lt3A_110, %ne3A_114 : vector<60x1xi1>
      %and3A_116 = arith.andi %ne3A_115, %ne3A_107 : vector<60x1xi1>
      %add3A_117 = vector.broadcast %select_n3A_102 : i32 to vector<60x1xi32>
      %add3A_118 = arith.addi %rem3A_104, %add3A_117 : vector<60x1xi32>
      %select_n3A_119 = arith.select %and3A_116, %add3A_118, %rem3A_104 : vector<60x1xi1>, vector<60x1xi32>
      %eq3A_120 = vector.broadcast %select_n3A_119 : vector<60x1xi32> to vector<60x2xi32>
      %eq3A_121 = arith.cmpi eq, %iota3A_97, %eq3A_120 : vector<60x2xi32>
      %convert_element_type3A_122 = arith.extui %eq3A_121 : vector<60x2xi1> to vector<60x2xi32>
      %convert_element_type3A_123 = arith.sitofp %convert_element_type3A_122 : vector<60x2xi32> to vector<60x2xf32>
      %get3A_124 = arith.constant 0 : index
      %get3A_125 = arith.constant 0 : index
      %get3A_126 = vector.load %arg2[%get3A_124, %get3A_125] : memref<5x128xf32, #tpu.memory_space<vmem>>, vector<5x128xf32>
      %dot_general3A = arith.constant dense<0.000000e+00> : vector<60x128xf32>
      %dot_general3A_127 = tpu.matmul %convert_element_type3A_40, %get3A_126, %dot_general3A {dimension_numbers = #tpu.dot_dimension_numbers<[1], [0], [0], [1], [0, 0, 1, 1], [], []>, precision = #tpu.contract_precision<fp32>, transpose_lhs_hint = false} : vector<60x5xf32>, vector<5x128xf32>, vector<60x128xf32> -> vector<60x128xf32>
      %get3A_128 = arith.constant 0 : index
      %get3A_129 = arith.constant 0 : index
      %get3A_130 = vector.load %arg3[%get3A_128, %get3A_129] : memref<6x128xf32, #tpu.memory_space<vmem>>, vector<6x128xf32>
      %dot_general3A_131 = arith.constant dense<0.000000e+00> : vector<60x128xf32>
      %dot_general3A_132 = tpu.matmul %convert_element_type3A_96, %get3A_130, %dot_general3A_131 {dimension_numbers = #tpu.dot_dimension_numbers<[1], [0], [0], [1], [0, 0, 1, 1], [], []>, precision = #tpu.contract_precision<fp32>, transpose_lhs_hint = false} : vector<60x6xf32>, vector<6x128xf32>, vector<60x128xf32> -> vector<60x128xf32>
      %add3A_133 = arith.addf %dot_general3A_127, %dot_general3A_132 : vector<60x128xf32>
      %get3A_134 = arith.constant 0 : index
      %get3A_135 = arith.constant 0 : index
      %get3A_136 = vector.load %arg4[%get3A_134, %get3A_135] : memref<2x128xf32, #tpu.memory_space<vmem>>, vector<2x128xf32>
      %dot_general3A_137 = arith.constant dense<0.000000e+00> : vector<60x128xf32>
      %dot_general3A_138 = tpu.matmul %convert_element_type3A_123, %get3A_136, %dot_general3A_137 {dimension_numbers = #tpu.dot_dimension_numbers<[1], [0], [0], [1], [0, 0, 1, 1], [], []>, precision = #tpu.contract_precision<fp32>, transpose_lhs_hint = false} : vector<60x2xf32>, vector<2x128xf32>, vector<60x128xf32> -> vector<60x128xf32>
      %add3A_139 = arith.addf %add3A_133, %dot_general3A_138 : vector<60x128xf32>
      %swap3A_140 = arith.constant 0 : index
      %swap3A_141 = arith.constant 0 : index
      %swap3A_142 = vector.load %arg6[%swap3A_140, %swap3A_141] : memref<60x128xf32, #tpu.memory_space<vmem>>, vector<60x128xf32>
      tpu.vector_store %arg6[%swap3A_140, %swap3A_141], %add3A_139 {strides = array<i32>} : memref<60x128xf32, #tpu.memory_space<vmem>>, vector<60x128xf32>,
    } else {
    }
    return
  }
  func.func @transform_0(%arg0: i32) -> (i32, i32, i32, i32) {
    %c0_i32 = arith.constant 0 : i32
    %c0_i32_0 = arith.constant 0 : i32
    %c0_i32_1 = arith.constant 0 : i32
    %c0_i32_2 = arith.constant 0 : i32
    return %arg0, %c0_i32, %c0_i32_0, %c0_i32_1 : i32, i32, i32, i32
  }
  func.func @transform_1(%arg0: i32) -> (i32, i32) {
    %c0_i32 = arith.constant 0 : i32
    %c0_i32_0 = arith.constant 0 : i32
    %c0_i32_1 = arith.constant 0 : i32
    return %c0_i32, %c0_i32_0 : i32, i32
  }
  func.func @transform_2(%arg0: i32) -> (i32, i32) {
    %c0_i32 = arith.constant 0 : i32
    %c0_i32_0 = arith.constant 0 : i32
    %c0_i32_1 = arith.constant 0 : i32
    return %c0_i32, %c0_i32_0 : i32, i32
  }
  func.func @transform_3(%arg0: i32) -> (i32, i32) {
    %c0_i32 = arith.constant 0 : i32
    %c0_i32_0 = arith.constant 0 : i32
    %c0_i32_1 = arith.constant 0 : i32
    return %c0_i32, %c0_i32_0 : i32, i32
  }
  func.func @transform_4(%arg0: i32) -> (i32, i32, i32, i32) {
    %c0_i32 = arith.constant 0 : i32
    %c0_i32_0 = arith.constant 0 : i32
    %c0_i32_1 = arith.constant 0 : i32
    %c0_i32_2 = arith.constant 0 : i32
    return %arg0, %c0_i32, %c0_i32_0, %c0_i32_1 : i32, i32, i32, i32
  }
  func.func @transform_5(%arg0: i32) -> (i32, i32) {
    %c0_i32 = arith.constant 0 : i32
    %c0_i32_0 = arith.constant 0 : i32
    %c0_i32_1 = arith.constant 0 : i32
    return %c0_i32, %c0_i32_0 : i32, i32
  }
}

</mosaic_0001>

<sc_bundles>
// kernel: kernel.4.cloned.1.call-start
scs
__scs_entry_jumppad:
0x0: {  	(pc) =	sbr.rel $0x88, $3  }
0x1: {  	(tag) =	ssettag $0x0;
	lr =	simm.s32 $0x1  }
0x2: {  	[smem:$0x3F9D] =	sst lr;
	_ =	strace $0xD0000000  }
0x3: {  	_ = 	snop  }
0x4: {  	_ = 	snop  }
0x5: {  	_ = 	snop  }
0x6: {  	_ = 	snop  }
0x7: {  	_ = 	snop  }
__scs_overlays_trampoline_lowered:
0x8: {  	[smem:$0x3FAC] =	sst s0  }
0x9: {  	[smem:$0x3FAD] =	sst s1  }
0xa: {  	[smem:$0x3FAE] =	sst s2  }
0xb: {  	[smem:$0x3FAF] =	sst s3  }
0xc: {  	[smem:$0x3FB0] =	sst s4  }
0xd: {  	[smem:$0x3FB1] =	sst s5  }
0xe: {  	[smem:$0x3FB2] =	sst s6  }
0xf: {  	[smem:$0x3FB3] =	sst s7  }
0x10: {  	[smem:$0x3FB4] =	sst s8  }
0x11: {  	[smem:$0x3FB5] =	sst s9;
	s0 =	simm.s32 @!p0 $0x0  }
0x12: {  	s1 =	sld [smem:$0x3F9B];
	s0 =	simm.s32 @p0 $0x1  }
0x13: {  	[smem:$0x3FB6] =	sst s0;
	s0 =	simm.s32 @!p1 $0x0  }
0x14: {  	s2 =	sld [smem:$0x3F9A];
	s0 =	simm.s32 @p1 $0x1  }
0x15: {  	[smem:$0x3FB7] =	sst s0;
	s0 =	simm.s32 @!p2 $0x0  }
0x16: {  	s3 =	sld [smem:$0x3FDB];
	s0 =	simm.s32 @p2 $0x1  }
0x17: {  	s4 =	simm.s32 $0x1BF5;
	[smem:$0x3FB9] =	sst s0  }
0x18: {  	s0 =	sld [smem:$0x3F9C];
	_ =	swait.ge [sflag:s4], $0x0  }
0x19: {  	s7 =	sld [smem:$0x3F9D]  }
0x1a: {  	s8 =	sadd.s32 $0xFFFFE003, lr  }
0x1b: {  	s9 =	sadd.s32 $0xFFFFFEF7, lr;
	s5 =	simm.s32 $0xFFFFFFFF;
	p2 =	slt.u32 s8, $0xFFFFF086  }
0x1c: {  	p1 =	slt.u32 s9, $0xF7A;
	s5 =	simm.s32 @!p2 $0x0  }
0x1d: {  	s5 =	simm.s32 @p1 $0x1;
	p0 =	seq.s32 s7, s2  }
0x1e: {  	s7 =	smul.u32 @!p0 $0xF7A, s2;
	p2 =	seq.s32 @!p0 s5, $0x0  }
0x1f: {  	s9 =	smul.u32 $0xF7A, s1;
	s8 =	simm.s32 @!p0 $0x1BF5;
	p2 =	por !p2, p0  }
0x20: {  	[sflag:s8] =	ssyncset.s32 @!p0 $0xFFFFF086;
	s6 =	sadd.s32 @!p0 s3, s7;
	s7 =	simm.s32 @!p0 $0x108  }
0x21: {  	s3 =	sadd.s32 s3, s9;
	s6 =	sadd.s32 @!p0 $0x88, s6;
	s7 =	simm.s32 @p2 $0x1082  }
0x22: {  	[simem:s7], [sflag:s8] =	dma.local @!p0 [hbm:s6], $0xF7A  }
0x23: {  	s9 =	sor.u32 $0xD0000000, s2;
	s6 =	simm.s32 $0x108;
	_ =	swait.ge @!p0 [sflag:s8], $0x0  }
0x24: {  	s3 =	sadd.s32 $0x88, s3;
	s6 =	simm.s32 @!p1 $0x1082;
	[sflag:s4] =	ssyncset.s32 $0xFFFFF086  }
0x25: {  	[simem:s6], [sflag:s4] =	dma.local [hbm:s3], $0xF7A  }
0x26: {  	[smem:$0x3F9D] =	sst s1;
	(tag) =	ssettag s2;
	_ =	strace s9  }
0x27: {  	s1 =	sld [smem:$0x3FAD]  }
0x28: {  	s2 =	sld [smem:$0x3FAE]  }
0x29: {  	s4 =	sld [smem:$0x3FB0]  }
0x2a: {  	p0 =	seq.s32 s5, $0x0;
	s5 =	sld [smem:$0x3FB1]  }
0x2b: {  	s6 =	sld [smem:$0x3FB2]  }
0x2c: {  	s7 =	sld [smem:$0x3FB3]  }
0x2d: {  	s3 =	simm.s32 $0x108;
	s8 =	sld [smem:$0x3FB4]  }
0x2e: {  	s3 =	simm.s32 @!p0 $0x1082;
	s9 =	sld [smem:$0x3FB5]  }
0x2f: {  	lr =	sadd.s32 s0, s3;
	s0 =	sld [smem:$0x3FAC]  }
0x30: {  	s3 =	sld [smem:$0x3FAF]  }
0x31: {  	[smem:$0x3FB8] =	sst s10  }
0x32: {  	s10 =	sld [smem:$0x3FB6];
	_ =	sdelay $0x3  }
0x33: {  	p0 =	seq.s32 s10, $0x1;
	s10 =	sld [smem:$0x3FB8];
	_ =	sdelay $0x3  }
0x34: {  	[smem:$0x3FB8] =	sst s10  }
0x35: {  	s10 =	sld [smem:$0x3FB7];
	_ =	sdelay $0x3  }
0x36: {  	p1 =	seq.s32 s10, $0x1;
	s10 =	sld [smem:$0x3FB8];
	_ =	sdelay $0x3  }
0x37: {  	[smem:$0x3FB8] =	sst s10  }
0x38: {  	s10 =	sld [smem:$0x3FB9]  }
0x39: {  	_ = 	snop;
	(pc) =	sbr.ind lr, $3  }
0x3a: {  	_ = 	snop  }
0x3b: {  	_ = 	snop  }
0x3c: {  	p2 =	seq.s32 s10, $0x1;
	s10 =	sld [smem:$0x3FB8]  }
0x3d: {  	_ =	shalt  }
0x3e: {  	_ =	shalt  }
0x3f: {  	_ =	shalt  }
0x40: {  	_ =	shalt  }
0x41: {  	_ =	shalt  }
0x42: {  	_ =	shalt  }
0x43: {  	_ =	shalt  }
0x44: {  	_ =	shalt  }
0x45: {  	_ =	shalt  }
0x46: {  	_ =	shalt  }
0x47: {  	_ =	shalt  }
0x48: {  	_ =	shalt  }
0x49: {  	_ =	shalt  }
0x4a: {  	_ =	shalt  }
0x4b: {  	_ =	shalt  }
0x4c: {  	_ =	shalt  }
0x4d: {  	_ =	shalt  }
0x4e: {  	_ =	shalt  }
0x4f: {  	_ =	shalt  }
0x50: {  	_ =	shalt  }
0x51: {  	_ =	shalt  }
0x52: {  	_ =	shalt  }
0x53: {  	_ =	shalt  }
0x54: {  	_ =	shalt  }
0x55: {  	_ =	shalt  }
0x56: {  	_ =	shalt  }
0x57: {  	_ =	shalt  }
0x58: {  	_ =	shalt  }
0x59: {  	_ =	shalt  }
0x5a: {  	_ =	shalt  }
0x5b: {  	_ =	shalt  }
0x5c: {  	_ =	shalt  }
0x5d: {  	_ =	shalt  }
0x5e: {  	_ =	shalt  }
0x5f: {  	_ =	shalt  }
0x60: {  	_ =	shalt  }
0x61: {  	_ =	shalt  }
0x62: {  	_ =	shalt  }
0x63: {  	_ =	shalt  }
0x64: {  	_ =	shalt  }
0x65: {  	_ =	shalt  }
0x66: {  	_ =	shalt  }
0x67: {  	_ =	shalt  }
0x68: {  	_ =	shalt  }
0x69: {  	_ =	shalt  }
0x6a: {  	_ =	shalt  }
0x6b: {  	_ =	shalt  }
0x6c: {  	_ =	shalt  }
0x6d: {  	_ =	shalt  }
0x6e: {  	_ =	shalt  }
0x6f: {  	_ =	shalt  }
0x70: {  	_ =	shalt  }
0x71: {  	_ =	shalt  }
0x72: {  	_ =	shalt  }
0x73: {  	_ =	shalt  }
0x74: {  	_ =	shalt  }
0x75: {  	_ =	shalt  }
0x76: {  	_ =	shalt  }
0x77: {  	_ =	shalt  }
0x78: {  	_ =	shalt  }
0x79: {  	_ =	shalt  }
0x7a: {  	_ =	shalt  }
0x7b: {  	_ =	shalt  }
0x7c: {  	_ =	shalt  }
0x7d: {  	_ =	shalt  }
0x7e: {  	_ =	shalt  }
0x7f: {  	_ =	shalt  }
0x80: {  	_ =	shalt  }
0x81: {  	_ =	shalt  }
0x82: {  	_ =	shalt  }
0x83: {  	_ =	shalt  }
0x84: {  	_ =	shalt  }
0x85: {  	_ =	shalt  }
0x86: {  	_ =	shalt  }
0x87: {  	_ =	shalt  }
.Lfunc_end0:
.L_simem_size_0:
called_computation_lowered:
.L_overlay_start_0:
0x88: {  	s2 =	sld [smem:$0x3FD9]  }
0x89: {  	s3 =	sld [smem:$0x3FFE];
	_ =	sdelay $0x1  }
0x8a: {  	s1 =	srdreg.scid  }
0x8b: {  	s0 =	sand.u32 $0x1, s1  }
0x8c: {  	s17 =	sshll.u32 s0, $0xA;
	s2 =	sadd.s32 s3, s2  }
0x8d: {  	s2 =	sadd.s32 s2, s17  }
0x8e: {  	[smem:$0x3FC4] =	sst s2  }
0x8f: {  	_ = 	snop  }
0x90: {  	s2 =	sld [smem:$0x3FD0];
	(tm) =	ssettm $0x1  }
0x91: {  	s18 =	sld [smem:$0x3FFB];
	_ =	sdelay $0x3  }
0x92: {  	_ =	strace s18  }
0x93: {  	s3 =	sld [smem:$0x3FFC];
	_ =	sdelay $0x3  }
0x94: {  	_ =	strace s3  }
0x95: {  	s3 =	sld [smem:$0x3FFD];
	_ =	sdelay $0x3  }
0x96: {  	_ =	strace s3  }
0x97: {  	_ =	strace $0x8FFFFFFF  }
0x98: {  	s19 =	sld [smem:$0x3FDB];
	_ =	sdelay $0x1  }
0x99: {  	s4 =	simm.s32 $_scs_section_size  }
0x9a: {  	s5 =	simm.s32 $_size__tile_overlayer_lowered;
	s6 =	simm.s32 $_tile_overlayer_lowered  }
0x9b: {  	s22 =	simm.s32 $0x1BFF;
	s21 =	sshll.u32 s6, $0x1;
	s3 =	sadd.s32 s4, s19  }
0x9c: {  	s7 =	simm.s32 $0x0;
	s20 =	sshll.u32 s5, $0x1;
	s5 =	sadd.s32 s21, s3  }
0x9d: {  	[timem:s7], [sflag:s22] =	dma.local [hbm:s5], s20  }
0x9e: {  	_ =	swait.ge [sflag:s22], s20  }
0x9f: {  	s4 =	ssub.s32 $0x0, s20;
	[sflag:s22] =	ssyncset.done $0x0  }
0xa0: {  	[sflag:s22] =	ssyncadd.s32 s4;
	_ =	sdelay $0x1  }
0xa1: {  	s23 =	simm.s32 $0x1B8B  }
0xa2: {  	_ =	swait.ge [sflag:s23], $0x1  }
0xa3: {  	[sflag:s23] =	ssyncset.done $0x0  }
0xa4: {  	s25 =	simm.s32 $0x1B8E;
	s24 =	sld [smem:$0x3FFE];
	[sflag:s23] =	ssyncadd.s32 $0xFFFFFFFF  }
0xa5: {  	s26 =	simm.s32 $execute0_lowered;
	[smem:$0x3FD2] =	sst s25  }
0xa6: {  	s5 =	sshll.u32 s26, $0x1;
	_ =	strace $0x80000046;
	[dreg:$0x1] =	wrdreg $0xFFFFFFFF  }
0xa7: {  	s28 =	simm.s32 $_size_execute0_lowered;
	s3 =	sadd.s32 s3, s5;
	[dreg:$0x0] =	wrdreg $0x0  }
0xa8: {  	s5 =	sshll.u32 s28, $0x1;
	[dreg:$0x2] =	wrdreg s3  }
0xa9: {  	[dreg:$0x3] =	wrdreg s5  }
0xaa: {  	[dreg:$0x4] =	wrdreg $0xC0  }
0xab: {  	_ =	task [dreg:s7], $0x5FFFF  }
0xac: {  	[dreg:$0x1] =	wrdreg $0xFFFFFFFF  }
0xad: {  	[dreg:$0x0] =	wrdreg $0x60  }
0xae: {  	[dreg:$0x2] =	wrdreg s24  }
0xaf: {  	[dreg:$0x3] =	wrdreg s2  }
0xb0: {  	[dreg:$0x4] =	wrdreg $0x1A4000  }
0xb1: {  	[dreg:$0x5] =	wrdreg $0x9  }
0xb2: {  	_ =	task.clear_ibuf [dreg:s7], $0x6FFFF;
	_ =	strace $0x90000046  }
0xb3: {  	s29 =	simm.s32 $0x9;
	_ =	strace $0x80000048  }
0xb4: {  	_ =	swait.ge [sflag:s29], $0x1  }
0xb5: {  	[sflag:s29] =	ssyncadd.s32 $0xFFFFFFFF  }
0xb6: {  	_ =	strace $0x90000048  }
0xb7: {  	_ =	sfence  }
0xb8: {  	s30 =	sld [smem:$0x0];
	_ =	sdelay $0x2  }
0xb9: {  	s31 =	sshll.u32 s1, $0xD;
	s1 =	sshrl.u32 s1, $0x2  }
0xba: {  	s3 =	sand.u32 $0x4000, s31;
	s1 =	sadd.s32 s1, s30  }
0xbb: {  	s0 =	sor.u32 s3, s0;
	s1 =	sshll.u32 s1, $0x11  }
0xbc: {  	s0 =	sor.u32 s1, s0  }
0xbd: {  	s0 =	sadd.s32 $0x8F2B, s0  }
0xbe: {  	[sflag:s0] =	ssyncadd.remote.s32 $0x1  }
0xbf: {  	_ =	sfence.sel $0xFFFF  }
0xc0: {  	[dreg:$0x0] =	wrdreg $0xFFFFFFFF;
	(pc) =	sbr.abs _section_cstart, $3  }
0xc1: {  	[dreg:$0x1] =	wrdreg $0xFFFFFFFF  }
0xc2: {  	_ =	task.clear_ibuf [dreg:s7], $0x2FFFF;
	_ =	strace $0x9FFFFFFF  }
0xc3: {  	(tm) =	ssettm $0x7FFFFFFF  }
tec
execute0_lowered:
.L_overlay_start_1:
0x0: {  	(tag) =	ssettag $0x1  }
0x1: {  	s0 =	rddreg [dreg:$0x0]  }
0x2: {  	s8 =	rddreg [dreg:$0x1]  }
0x3: {  	s1 =	rddreg [dreg:$0x2]  }
0x4: {  	s3 =	srdreg.scid;
	s9 =	stileid.u32  }
0x5: {  	s2 =	simm.s32 $0x0;
	s14 =	simm.s32 $0x1400;
	s15 =	simm.s32 $0x1080  }
0x6: {  	s17 =	simm.s32 $0x1100;
	s19 =	simm.s32 $0x1180;
	s20 =	simm.s32 $0x8C00  }
0x7: {  	s21 =	simm.s32 $0x1200;
	s22 =	simm.s32 $0xB400;
	s23 =	simm.s32 $0x1  }
0x8: {  	s24 =	simm.s32 $0x2;
	s10 =	sand.u32 $0x1, s3;
	s12 =	smul.u32 $0x19000, s9  }
0x9: {  	s25 =	sshll.u32 s9, $0x1;
	[smem:$0x7FF] =	sst s2;
	s29 =	smul.u32 $0x4E200, s9  }
0xa: {  	s3 =	sadd.s32 $0x33000, s0;
	s0 =	sadd.s32 $0x1000, s0;
	s13 =	smul.u32 $0xC800, s10  }
0xb: {  	s4 =	sor.u32 s10, s25;
	s6 =	ssub.s32 $0x2, s10;
	s10 =	smul.u32 $0x27100, s10  }
0xc: {  	p0 =	sne.s32 s9, $0x0;
	_ =	strace $0x80000047;
	s5 =	smul.u32 $0xC800, s4  }
0xd: {  	s25 =	simm.s32 $0x0;
	s7 =	smul.u32 $0x138800, s4;
	s11 =	sshrl.u32 s6, $0x1  }
0xe: {  	s31 =	sadd.s32 s29, s8;
	s11 =	ssub.s32 s6, s11;
	s12 =	sadd.s32 s13, s12  }
0xf: {  	s9 =	sadd.s32 s10, s31;
	s10 =	sshrl.u32 @!p0 s1, $0x3;
	s13 =	simm.s32 $0x1000  }
0x10: {  	s26 =	sshrl.u32 s5, $0x3;
	s7 =	sshrl.u32 s7, $0x3;
	s30 =	sadd.s32 $0x1000, s12  }
0x11: {  	s12 =	simm.s32 $0x50;
	s4 =	sadd.s32 s0, s26;
	s28 =	sadd.s32 s8, s7  }
0x12: {  	s7 =	smax.u32 s11, $0x1;
	s11 =	sshrl.u32 s30, $0x3;
	s5 =	sadd.s32 $0x100, s4  }
0x13: {  	s6 =	sadd.s32 $0x25800, s28;
	s8 =	sadd.s32 s11, s0;
	s11 =	simm.s32 $0x3  }
.LBB2_1:
0x14: {  	s0 =	simm.s32 @!p0 $0x1C04  }
0x15: {  	[spmem:s10], [sflag:s0] =	dma.local @!p0 [hbm:s3], $0x3C0  }
0x16: {  	s0 =	simm.s32 @!p0 $0x4  }
0x17: {  	_ =	swait.ge @!p0 [sflag:s0], $0x3C0  }
0x18: {  	[sflag:s0] =	ssyncset.done @!p0 $0x0  }
0x19: {  	[sflag:s0] =	ssyncadd.s32 @!p0 $0xFFFFFC40  }
0x1a: {  	[bflag:$0x0] =	sbarrier.arrive $0xFFFF  }
0x1b: {  	[tilespmem:s2], [sflag:$0x3] =	stream.linear.gather [hbm4b:s4+s2], $0x800, $0x38;
	[tilespmem:$0x1A5E0] =	vst v63  }
0x1c: {  	_ =	swait.ge [sflag:s11], $0x800  }
0x1d: {  	[sflag:s11] =	ssyncset.done $0x0  }
0x1e: {  	[sflag:s11] =	ssyncadd.s32 $0xFFFFF800  }
0x1f: {  	v0 =	vld [tilespmem:$0x0]  }
0x20: {  	v1 =	vld [tilespmem:$0x80]  }
0x21: {  	v2 =	vld [tilespmem:$0x100]  }
0x22: {  	v3 =	vld [tilespmem:$0x10]  }
0x23: {  	v4 =	vld [tilespmem:$0x90]  }
0x24: {  	v5 =	vld [tilespmem:$0x110]  }
0x25: {  	v6 =	vld [tilespmem:$0x20]  }
0x26: {  	v7 =	vld [tilespmem:$0xA0]  }
0x27: {  	v8 =	vld [tilespmem:$0x120]  }
0x28: {  	v9 =	vld [tilespmem:$0x30]  }
0x29: {  	v10 =	vld [tilespmem:$0xB0]  }
0x2a: {  	v11 =	vld [tilespmem:$0x130]  }
0x2b: {  	v12 =	vld [tilespmem:$0x40]  }
0x2c: {  	v13 =	vld [tilespmem:$0xC0]  }
0x2d: {  	v14 =	vld [tilespmem:$0x140]  }
0x2e: {  	v15 =	vld [tilespmem:$0x50]  }
0x2f: {  	v16 =	vld [tilespmem:$0xD0]  }
0x30: {  	v17 =	vld [tilespmem:$0x150]  }
0x31: {  	v18 =	vld [tilespmem:$0x60]  }
0x32: {  	v19 =	vld [tilespmem:$0xE0]  }
0x33: {  	v20 =	vld [tilespmem:$0x160]  }
0x34: {  	v21 =	vld [tilespmem:$0x70]  }
0x35: {  	v22 =	vld [tilespmem:$0xF0]  }
0x36: {  	v23 =	vld [tilespmem:$0x170]  }
0x37: {  	v24 =	vld [tilespmem:$0x200]  }
0x38: {  	v25 =	vld [tilespmem:$0x280]  }
0x39: {  	v26 =	vld [tilespmem:$0x300]  }
0x3a: {  	v27 =	vld [tilespmem:$0x210]  }
0x3b: {  	v28 =	vld [tilespmem:$0x290]  }
0x3c: {  	v29 =	vld [tilespmem:$0x310]  }
0x3d: {  	v30 =	vld [tilespmem:$0x220]  }
0x3e: {  	v31 =	vld [tilespmem:$0x2A0]  }
0x3f: {  	v32 =	vld [tilespmem:$0x320]  }
0x40: {  	v33 =	vld [tilespmem:$0x230]  }
0x41: {  	v34 =	vld [tilespmem:$0x2B0]  }
0x42: {  	v35 =	vld [tilespmem:$0x330]  }
0x43: {  	v36 =	vld [tilespmem:$0x240]  }
0x44: {  	v37 =	vld [tilespmem:$0x2C0]  }
0x45: {  	v38 =	vld [tilespmem:$0x340]  }
0x46: {  	v39 =	vld [tilespmem:$0x250]  }
0x47: {  	v40 =	vld [tilespmem:$0x2D0]  }
0x48: {  	v41 =	vld [tilespmem:$0x350]  }
0x49: {  	v42 =	vld [tilespmem:$0x260]  }
0x4a: {  	v43 =	vld [tilespmem:$0x2E0]  }
0x4b: {  	v44 =	vld [tilespmem:$0x360]  }
0x4c: {  	v45 =	vld [tilespmem:$0x270];
	v0 =	vmul.u32 $0xC, v0  }
0x4d: {  	v1 =	vshll.u32 v1, $0x1;
	v48 =	vmul.u32 $0xC, v3;
	v3 =	vld [tilespmem:$0x2F0];
	v49 =	vshll.u32 v4, $0x1  }
0x4e: {  	v50 =	vmul.u32 $0xC, v6;
	v6 =	vld [tilespmem:$0x370];
	v51 =	vshll.u32 v7, $0x1;
	v52 =	vmul.u32 $0xC, v9  }
0x4f: {  	v9 =	vld [tilespmem:$0x400];
	v53 =	vshll.u32 v10, $0x1;
	v54 =	vmul.u32 $0xC, v12;
	v55 =	vshll.u32 v13, $0x1  }
0x50: {  	v56 =	vmul.u32 $0xC, v15;
	v12 =	vld [tilespmem:$0x410];
	v57 =	vshll.u32 v16, $0x1;
	v58 =	vmul.u32 $0xC, v18  }
0x51: {  	v15 =	vld [tilespmem:$0x490];
	v59 =	vshll.u32 v19, $0x1;
	v60 =	vmul.u32 $0xC, v21;
	v61 =	vshll.u32 v22, $0x1  }
0x52: {  	v16 =	vld [tilespmem:$0x420];
	v62 =	vmul.u32 $0xC, v24;
	v24 =	vshll.u32 v25, $0x1;
	v25 =	vmul.u32 $0xC, v27  }
0x53: {  	v19 =	vld [tilespmem:$0x4A0];
	v28 =	vshll.u32 v28, $0x1;
	v47 =	vmul.u32 $0xC, v30;
	v0 =	vadd.s32 v0, v1  }
0x54: {  	v18 =	vld [tilespmem:$0x430];
	v1 =	vadd.s32 v48, v49;
	v4 =	vadd.s32 v52, v53;
	v7 =	vadd.s32 v54, v55  }
0x55: {  	v22 =	vld [tilespmem:$0x530];
	v10 =	vadd.s32 v56, v57;
	v63 =	vadd.s32 v60, v61;
	v27 =	vadd.s32 v62, v24  }
0x56: {  	v46 =	vadd.s32 v25, v28;
	v48 =	vld [tilespmem:$0x4B0];
	v49 =	vshll.u32 v31, $0x1;
	v0 =	vadd.s32 v2, v0  }
0x57: {  	v52 =	vmul.u32 $0xC, v36;
	v53 =	vld [tilespmem:$0x440];
	v54 =	vshll.u32 v37, $0x1;
	v1 =	vadd.s32 v5, v1;
	[tilespmem:$0x1000] =	vst v0  }
0x58: {  	v55 =	vld [tilespmem:$0x4C0];
	v56 =	vmul.u32 $0xC, v39;
	v60 =	vmul.u32 $0xC, v42;
	v4 =	vadd.s32 v11, v4;
	[tilespmem:$0x1010] =	vst v1  }
0x59: {  	v57 =	vld [tilespmem:$0x540];
	v28 =	vmul.u32 $0xC, v45;
	v2 =	vadd.s32 v50, v51;
	v7 =	vadd.s32 v14, v7;
	[tilespmem:$0x1030] =	vst v4  }
0x5a: {  	v61 =	vld [tilespmem:$0x450];
	v10 =	vadd.s32 v17, v10;
	v11 =	vadd.s32 v58, v59;
	v50 =	vmul.u32 $0xC, v33;
	[tilespmem:$0x1040] =	vst v7  }
0x5b: {  	v31 =	vld [tilespmem:$0x550];
	v51 =	vshll.u32 v34, $0x1;
	v59 =	vshll.u32 v40, $0x1;
	v2 =	vadd.s32 v8, v2;
	[tilespmem:$0x1080] =	vst v10  }
0x5c: {  	v42 =	vld [tilespmem:$0x470];
	v11 =	vadd.s32 v20, v11;
	v0 =	vadd.s32 v23, v63;
	v1 =	vadd.s32 v26, v27;
	[tilespmem:$0x1020] =	vst v2  }
0x5d: {  	v45 =	vld [tilespmem:$0x4F0];
	v4 =	vadd.s32 v47, v49;
	v10 =	vadd.s32 v52, v54;
	v62 =	vadd.s32 v56, v59;
	[tilespmem:$0x1090] =	vst v11  }
0x5e: {  	v5 =	vld [tilespmem:$0x480];
	v63 =	vshll.u32 v43, $0x1;
	v2 =	vadd.s32 v29, v46;
	v4 =	vadd.s32 v32, v4;
	[tilespmem:$0x10A0] =	vst v0  }
0x5f: {  	v14 =	vld [tilespmem:$0x510];
	v7 =	vadd.s32 v50, v51;
	v58 =	vadd.s32 v38, v10;
	[tilespmem:$0x10B0] =	vst v1;
	v1 =	vadd.s32 v41, v62  }
0x60: {  	v33 =	vld [tilespmem:$0x460];
	v30 =	vadd.s32 v60, v63;
	v3 =	vshll.u32 v3, $0x1;
	v32 =	vmul.u32 $0xC, v9;
	[tilespmem:$0x10C0] =	vst v2  }
0x61: {  	v8 =	vld [tilespmem:$0x500];
	v34 =	vmul.u32 $0xC, v12;
	v37 =	vshll.u32 v15, $0x1;
	v38 =	vmul.u32 $0xC, v16;
	[tilespmem:$0x1100] =	vst v4  }
0x62: {  	v20 =	vld [tilespmem:$0x520];
	v41 =	vshll.u32 v19, $0x1;
	v7 =	vadd.s32 v35, v7;
	v3 =	vadd.s32 v28, v3;
	[tilespmem:$0x1120] =	vst v58  }
0x63: {  	v52 =	vld [tilespmem:$0x680];
	v2 =	vadd.s32 v44, v30;
	[tilespmem:$0x1130] =	vst v1;
	v44 =	vmul.u32 $0xC, v18;
	v3 =	vadd.s32 v6, v3  }
0x64: {  	v29 =	vld [tilespmem:$0x4D0];
	[tilespmem:$0x1110] =	vst v7;
	v40 =	vadd.s32 v34, v37;
	v43 =	vadd.s32 v38, v41;
	v46 =	vshll.u32 v48, $0x1  }
0x65: {  	v35 =	vld [tilespmem:$0x4E0];
	[tilespmem:$0x1140] =	vst v2;
	v47 =	vmul.u32 $0xC, v53;
	v50 =	vshll.u32 v55, $0x1;
	v51 =	vmul.u32 $0xC, v61  }
0x66: {  	v48 =	vld [tilespmem:$0x600];
	v6 =	vmul.u32 $0xC, v42;
	v5 =	vshll.u32 v5, $0x1;
	v1 =	vadd.s32 v14, v40;
	[tilespmem:$0x1180] =	vst v3  }
0x67: {  	v55 =	vld [tilespmem:$0x570];
	v62 =	vshll.u32 v45, $0x1;
	v36 =	vadd.s32 v32, v5;
	v2 =	vadd.s32 v20, v43;
	[tilespmem:$0x11A0] =	vst v1  }
0x68: {  	v39 =	vld [tilespmem:$0x560];
	v49 =	vadd.s32 v44, v46;
	v53 =	vadd.s32 v47, v50;
	v0 =	vadd.s32 v8, v36;
	[tilespmem:$0x11B0] =	vst v2  }
0x69: {  	v58 =	vld [tilespmem:$0x700];
	v7 =	vadd.s32 v6, v62;
	v54 =	vshll.u32 v29, $0x1;
	v1 =	vadd.s32 v57, v53;
	[tilespmem:$0x1190] =	vst v0  }
0x6a: {  	v57 =	vmul.u32 $0xC, v33;
	v0 =	vadd.s32 v22, v49;
	v56 =	vadd.s32 v51, v54;
	[tilespmem:$0x1200] =	vst v1  }
0x6b: {  	v60 =	vshll.u32 v35, $0x1;
	[tilespmem:$0x11C0] =	vst v0;
	v59 =	vadd.s32 v31, v56;
	v63 =	vmul.u32 $0xC, v48  }
0x6c: {  	v9 =	vshll.u32 v52, $0x1;
	v61 =	vadd.s32 v57, v60;
	v10 =	vadd.s32 v55, v7;
	[tilespmem:$0x1210] =	vst v59  }
0x6d: {  	v5 =	vadd.s32 v39, v61;
	[tilespmem:$0x1230] =	vst v10;
	v11 =	vadd.s32 v63, v9  }
0x6e: {  	[tilespmem:$0x1220] =	vst v5;
	v12 =	vadd.s32 v58, v11  }
0x6f: {  	s16 =	simm.s32 $0x800;
	[tilespmem:$0x1240] =	vst v12  }
0x70: {  	[tilespmem:s16], [sflag:$0x3] =	stream.linear.gather [hbm4b:s5+s2], $0x800, $0x38;
	[tilespmem:$0x1A5E0] =	vst v63  }
0x71: {  	_ = 	snop  }
0x72: {  	[tilespmem:s14], [sflag:$0x1] =	stream.indirect.gather [spmem:s1], $0x80, s13, s12, $0xb8;
	[tilespmem:$0x1A5E0] =	vst v63  }
0x73: {  	s26 =	simm.s32 $0x3C00  }
0x74: {  	[tilespmem:s26], [sflag:$0x1] =	stream.indirect.gather [spmem:s1], $0x80, s15, s12, $0xb8;
	[tilespmem:$0x1A5E0] =	vst v63  }
0x75: {  	s18 =	simm.s32 $0x6400  }
0x76: {  	[tilespmem:s18], [sflag:$0x1] =	stream.indirect.gather [spmem:s1], $0x80, s17, s12, $0xb8;
	[tilespmem:$0x1A5E0] =	vst v63  }
0x77: {  	_ = 	snop  }
0x78: {  	[tilespmem:s20], [sflag:$0x1] =	stream.indirect.gather [spmem:s1], $0x80, s19, s12, $0xb8;
	[tilespmem:$0x1A5E0] =	vst v63  }
0x79: {  	_ = 	snop  }
0x7a: {  	[tilespmem:s22], [sflag:$0x1] =	stream.indirect.gather [spmem:s1], $0x80, s21, s12, $0xb8;
	[tilespmem:$0x1A5E0] =	vst v63  }
0x7b: {  	_ =	swait.ge [sflag:s23], $0x2800  }
0x7c: {  	[sflag:s23] =	ssyncset.done $0x0  }
0x7d: {  	[sflag:s23] =	ssyncadd.s32 $0xFFFFD800  }
0x7e: {  	_ =	swait.ge [sflag:s23], $0x2800  }
0x7f: {  	[sflag:s23] =	ssyncset.done $0x0  }
0x80: {  	[sflag:s23] =	ssyncadd.s32 $0xFFFFD800  }
0x81: {  	_ =	swait.ge [sflag:s23], $0x2800  }
0x82: {  	[sflag:s23] =	ssyncset.done $0x0  }
0x83: {  	[sflag:s23] =	ssyncadd.s32 $0xFFFFD800  }
0x84: {  	_ =	swait.ge [sflag:s23], $0x2800  }
0x85: {  	s26 =	sand.u32 $0x1, s2;
	[sflag:s23] =	ssyncset.done $0x0  }
0x86: {  	s18 =	smul.u32 $0x32000, s26;
	[sflag:s23] =	ssyncadd.s32 $0xFFFFD800  }
0x87: {  	_ =	swait.ge [sflag:s23], $0x2800  }
0x88: {  	s18 =	sshrl.u32 s18, $0x2;
	[sflag:s23] =	ssyncset.done $0x0  }
0x89: {  	s18 =	sadd.s32 $0x1400, s18;
	[sflag:s23] =	ssyncadd.s32 $0xFFFFD800  }
0x8a: {  	[hbm4b:s9+s2] =	stream.linear.scatter [tilespmem:s18], [sflag:$0x2], $0xC800, $0x38;
	[tilespmem:$0x1A5E0] =	vst v63  }
0x8b: {  	_ =	swait.ge [sflag:s11], $0x800  }
0x8c: {  	[sflag:s11] =	ssyncset.done $0x0  }
0x8d: {  	s16 =	sand.u32 $0x800, s16;
	[sflag:s11] =	ssyncadd.s32 $0xFFFFF800  }
0x8e: {  	v13 =	vld [tilespmem:s16+$0x0]  }
0x8f: {  	v14 =	vld [tilespmem:s16+$0x80];
	_ =	sdelay $0x1  }
0x90: {  	v15 =	vld [tilespmem:s16+$0x100];
	_ =	sdelay $0x1  }
0x91: {  	v0 =	vmul.u32 $0xC, v13  }
0x92: {  	v1 =	vshll.u32 v14, $0x1  }
0x93: {  	v0 =	vadd.s32 v0, v1  }
0x94: {  	v0 =	vadd.s32 v15, v0  }
0x95: {  	[tilespmem:$0x1000] =	vst v0  }
0x96: {  	v0 =	vld [tilespmem:s16+$0x10]  }
0x97: {  	v16 =	vld [tilespmem:s16+$0x90];
	_ =	sdelay $0x1  }
0x98: {  	v17 =	vld [tilespmem:s16+$0x110];
	_ =	sdelay $0x1  }
0x99: {  	v0 =	vmul.u32 $0xC, v0  }
0x9a: {  	v1 =	vshll.u32 v16, $0x1  }
0x9b: {  	v0 =	vadd.s32 v0, v1  }
0x9c: {  	v0 =	vadd.s32 v17, v0  }
0x9d: {  	[tilespmem:$0x1010] =	vst v0  }
0x9e: {  	v0 =	vld [tilespmem:s16+$0x20]  }
0x9f: {  	v18 =	vld [tilespmem:s16+$0xA0];
	_ =	sdelay $0x1  }
0xa0: {  	v19 =	vld [tilespmem:s16+$0x120];
	_ =	sdelay $0x1  }
0xa1: {  	v0 =	vmul.u32 $0xC, v0  }
0xa2: {  	v1 =	vshll.u32 v18, $0x1  }
0xa3: {  	v0 =	vadd.s32 v0, v1  }
0xa4: {  	v0 =	vadd.s32 v19, v0  }
0xa5: {  	[tilespmem:$0x1020] =	vst v0  }
0xa6: {  	v0 =	vld [tilespmem:s16+$0x30]  }
0xa7: {  	v20 =	vld [tilespmem:s16+$0xB0];
	_ =	sdelay $0x1  }
0xa8: {  	v21 =	vld [tilespmem:s16+$0x130];
	_ =	sdelay $0x1  }
0xa9: {  	v0 =	vmul.u32 $0xC, v0  }
0xaa: {  	v1 =	vshll.u32 v20, $0x1  }
0xab: {  	v0 =	vadd.s32 v0, v1  }
0xac: {  	v0 =	vadd.s32 v21, v0  }
0xad: {  	[tilespmem:$0x1030] =	vst v0  }
0xae: {  	v0 =	vld [tilespmem:s16+$0x40]  }
0xaf: {  	v22 =	vld [tilespmem:s16+$0xC0];
	_ =	sdelay $0x1  }
0xb0: {  	v23 =	vld [tilespmem:s16+$0x140];
	_ =	sdelay $0x1  }
0xb1: {  	v0 =	vmul.u32 $0xC, v0  }
0xb2: {  	v1 =	vshll.u32 v22, $0x1  }
0xb3: {  	v0 =	vadd.s32 v0, v1  }
0xb4: {  	v0 =	vadd.s32 v23, v0  }
0xb5: {  	[tilespmem:$0x1040] =	vst v0  }
0xb6: {  	v0 =	vld [tilespmem:s16+$0x50]  }
0xb7: {  	v24 =	vld [tilespmem:s16+$0xD0];
	_ =	sdelay $0x1  }
0xb8: {  	v25 =	vld [tilespmem:s16+$0x150];
	_ =	sdelay $0x1  }
0xb9: {  	v0 =	vmul.u32 $0xC, v0  }
0xba: {  	v1 =	vshll.u32 v24, $0x1  }
0xbb: {  	v0 =	vadd.s32 v0, v1  }
0xbc: {  	v0 =	vadd.s32 v25, v0  }
0xbd: {  	[tilespmem:$0x1080] =	vst v0  }
0xbe: {  	v0 =	vld [tilespmem:s16+$0x60]  }
0xbf: {  	v26 =	vld [tilespmem:s16+$0xE0];
	_ =	sdelay $0x1  }
0xc0: {  	v27 =	vld [tilespmem:s16+$0x160];
	_ =	sdelay $0x1  }
0xc1: {  	v0 =	vmul.u32 $0xC, v0  }
0xc2: {  	v1 =	vshll.u32 v26, $0x1  }
0xc3: {  	v0 =	vadd.s32 v0, v1  }
0xc4: {  	v0 =	vadd.s32 v27, v0  }
0xc5: {  	[tilespmem:$0x1090] =	vst v0  }
0xc6: {  	v0 =	vld [tilespmem:s16+$0x70]  }
0xc7: {  	v28 =	vld [tilespmem:s16+$0xF0];
	_ =	sdelay $0x1  }
0xc8: {  	v29 =	vld [tilespmem:s16+$0x170];
	_ =	sdelay $0x1  }
0xc9: {  	v0 =	vmul.u32 $0xC, v0  }
0xca: {  	v1 =	vshll.u32 v28, $0x1  }
0xcb: {  	v0 =	vadd.s32 v0, v1  }
0xcc: {  	v0 =	vadd.s32 v29, v0  }
0xcd: {  	[tilespmem:$0x10A0] =	vst v0  }
0xce: {  	v0 =	vld [tilespmem:s16+$0x200]  }
0xcf: {  	v30 =	vld [tilespmem:s16+$0x280];
	_ =	sdelay $0x1  }
0xd0: {  	v31 =	vld [tilespmem:s16+$0x300];
	_ =	sdelay $0x1  }
0xd1: {  	v0 =	vmul.u32 $0xC, v0  }
0xd2: {  	v1 =	vshll.u32 v30, $0x1  }
0xd3: {  	v0 =	vadd.s32 v0, v1  }
0xd4: {  	v0 =	vadd.s32 v31, v0  }
0xd5: {  	[tilespmem:$0x10B0] =	vst v0  }
0xd6: {  	v0 =	vld [tilespmem:s16+$0x210]  }
0xd7: {  	v32 =	vld [tilespmem:s16+$0x290];
	_ =	sdelay $0x1  }
0xd8: {  	v33 =	vld [tilespmem:s16+$0x310];
	_ =	sdelay $0x1  }
0xd9: {  	v0 =	vmul.u32 $0xC, v0  }
0xda: {  	v1 =	vshll.u32 v32, $0x1  }
0xdb: {  	v0 =	vadd.s32 v0, v1  }
0xdc: {  	v0 =	vadd.s32 v33, v0  }
0xdd: {  	[tilespmem:$0x10C0] =	vst v0  }
0xde: {  	v0 =	vld [tilespmem:s16+$0x220]  }
0xdf: {  	v34 =	vld [tilespmem:s16+$0x2A0];
	_ =	sdelay $0x1  }
0xe0: {  	v35 =	vld [tilespmem:s16+$0x320];
	_ =	sdelay $0x1  }
0xe1: {  	v0 =	vmul.u32 $0xC, v0  }
0xe2: {  	v1 =	vshll.u32 v34, $0x1  }
0xe3: {  	v0 =	vadd.s32 v0, v1  }
0xe4: {  	v0 =	vadd.s32 v35, v0  }
0xe5: {  	[tilespmem:$0x1100] =	vst v0  }
0xe6: {  	v0 =	vld [tilespmem:s16+$0x230]  }
0xe7: {  	v36 =	vld [tilespmem:s16+$0x2B0];
	_ =	sdelay $0x1  }
0xe8: {  	v37 =	vld [tilespmem:s16+$0x330];
	_ =	sdelay $0x1  }
0xe9: {  	v0 =	vmul.u32 $0xC, v0  }
0xea: {  	v1 =	vshll.u32 v36, $0x1  }
0xeb: {  	v0 =	vadd.s32 v0, v1  }
0xec: {  	v0 =	vadd.s32 v37, v0  }
0xed: {  	[tilespmem:$0x1110] =	vst v0  }
0xee: {  	v0 =	vld [tilespmem:s16+$0x240]  }
0xef: {  	v38 =	vld [tilespmem:s16+$0x2C0];
	_ =	sdelay $0x1  }
0xf0: {  	v39 =	vld [tilespmem:s16+$0x340];
	_ =	sdelay $0x1  }
0xf1: {  	v0 =	vmul.u32 $0xC, v0  }
0xf2: {  	v1 =	vshll.u32 v38, $0x1  }
0xf3: {  	v0 =	vadd.s32 v0, v1  }
0xf4: {  	v0 =	vadd.s32 v39, v0  }
0xf5: {  	[tilespmem:$0x1120] =	vst v0  }
0xf6: {  	v0 =	vld [tilespmem:s16+$0x250]  }
0xf7: {  	v40 =	vld [tilespmem:s16+$0x2D0];
	_ =	sdelay $0x1  }
0xf8: {  	v41 =	vld [tilespmem:s16+$0x350];
	_ =	sdelay $0x1  }
0xf9: {  	v0 =	vmul.u32 $0xC, v0  }
0xfa: {  	v1 =	vshll.u32 v40, $0x1  }
0xfb: {  	v0 =	vadd.s32 v0, v1  }
0xfc: {  	v0 =	vadd.s32 v41, v0  }
0xfd: {  	[tilespmem:$0x1130] =	vst v0  }
0xfe: {  	v0 =	vld [tilespmem:s16+$0x260]  }
0xff: {  	v42 =	vld [tilespmem:s16+$0x2E0];
	_ =	sdelay $0x1  }
0x100: {  	v43 =	vld [tilespmem:s16+$0x360];
	_ =	sdelay $0x1  }
0x101: {  	v0 =	vmul.u32 $0xC, v0  }
0x102: {  	v1 =	vshll.u32 v42, $0x1  }
0x103: {  	v0 =	vadd.s32 v0, v1  }
0x104: {  	v0 =	vadd.s32 v43, v0  }
0x105: {  	[tilespmem:$0x1140] =	vst v0  }
0x106: {  	v0 =	vld [tilespmem:s16+$0x270]  }
0x107: {  	v44 =	vld [tilespmem:s16+$0x2F0];
	_ =	sdelay $0x1  }
0x108: {  	v45 =	vld [tilespmem:s16+$0x370];
	_ =	sdelay $0x1  }
0x109: {  	v0 =	vmul.u32 $0xC, v0  }
0x10a: {  	v1 =	vshll.u32 v44, $0x1  }
0x10b: {  	v0 =	vadd.s32 v0, v1  }
0x10c: {  	v0 =	vadd.s32 v45, v0  }
0x10d: {  	[tilespmem:$0x1180] =	vst v0  }
0x10e: {  	v0 =	vld [tilespmem:s16+$0x400]  }
0x10f: {  	v46 =	vld [tilespmem:s16+$0x480];
	_ =	sdelay $0x1  }
0x110: {  	v47 =	vld [tilespmem:s16+$0x500];
	_ =	sdelay $0x1  }
0x111: {  	v0 =	vmul.u32 $0xC, v0  }
0x112: {  	v1 =	vshll.u32 v46, $0x1  }
0x113: {  	v0 =	vadd.s32 v0, v1  }
0x114: {  	v0 =	vadd.s32 v47, v0  }
0x115: {  	[tilespmem:$0x1190] =	vst v0  }
0x116: {  	v0 =	vld [tilespmem:s16+$0x410]  }
0x117: {  	v48 =	vld [tilespmem:s16+$0x490];
	_ =	sdelay $0x1  }
0x118: {  	v49 =	vld [tilespmem:s16+$0x510];
	_ =	sdelay $0x1  }
0x119: {  	v0 =	vmul.u32 $0xC, v0  }
0x11a: {  	v1 =	vshll.u32 v48, $0x1  }
0x11b: {  	v0 =	vadd.s32 v0, v1  }
0x11c: {  	v0 =	vadd.s32 v49, v0  }
0x11d: {  	[tilespmem:$0x11A0] =	vst v0  }
0x11e: {  	v0 =	vld [tilespmem:s16+$0x420]  }
0x11f: {  	v50 =	vld [tilespmem:s16+$0x4A0];
	_ =	sdelay $0x1  }
0x120: {  	v51 =	vld [tilespmem:s16+$0x520];
	_ =	sdelay $0x1  }
0x121: {  	v0 =	vmul.u32 $0xC, v0  }
0x122: {  	v1 =	vshll.u32 v50, $0x1  }
0x123: {  	v0 =	vadd.s32 v0, v1  }
0x124: {  	v0 =	vadd.s32 v51, v0  }
0x125: {  	[tilespmem:$0x11B0] =	vst v0  }
0x126: {  	v0 =	vld [tilespmem:s16+$0x430]  }
0x127: {  	v52 =	vld [tilespmem:s16+$0x4B0];
	_ =	sdelay $0x1  }
0x128: {  	v53 =	vld [tilespmem:s16+$0x530];
	_ =	sdelay $0x1  }
0x129: {  	v0 =	vmul.u32 $0xC, v0  }
0x12a: {  	v1 =	vshll.u32 v52, $0x1  }
0x12b: {  	v0 =	vadd.s32 v0, v1  }
0x12c: {  	v0 =	vadd.s32 v53, v0  }
0x12d: {  	[tilespmem:$0x11C0] =	vst v0  }
0x12e: {  	v0 =	vld [tilespmem:s16+$0x440]  }
0x12f: {  	v54 =	vld [tilespmem:s16+$0x4C0];
	_ =	sdelay $0x1  }
0x130: {  	v55 =	vld [tilespmem:s16+$0x540];
	_ =	sdelay $0x1  }
0x131: {  	v0 =	vmul.u32 $0xC, v0  }
0x132: {  	v1 =	vshll.u32 v54, $0x1  }
0x133: {  	v0 =	vadd.s32 v0, v1  }
0x134: {  	v0 =	vadd.s32 v55, v0  }
0x135: {  	[tilespmem:$0x1200] =	vst v0  }
0x136: {  	v0 =	vld [tilespmem:s16+$0x450]  }
0x137: {  	v56 =	vld [tilespmem:s16+$0x4D0];
	_ =	sdelay $0x1  }
0x138: {  	v57 =	vld [tilespmem:s16+$0x550];
	_ =	sdelay $0x1  }
0x139: {  	v0 =	vmul.u32 $0xC, v0  }
0x13a: {  	v1 =	vshll.u32 v56, $0x1  }
0x13b: {  	v0 =	vadd.s32 v0, v1  }
0x13c: {  	v0 =	vadd.s32 v57, v0  }
0x13d: {  	[tilespmem:$0x1210] =	vst v0  }
0x13e: {  	v0 =	vld [tilespmem:s16+$0x460]  }
0x13f: {  	v58 =	vld [tilespmem:s16+$0x4E0];
	_ =	sdelay $0x1  }
0x140: {  	v59 =	vld [tilespmem:s16+$0x560];
	_ =	sdelay $0x1  }
0x141: {  	v0 =	vmul.u32 $0xC, v0  }
0x142: {  	v1 =	vshll.u32 v58, $0x1  }
0x143: {  	v0 =	vadd.s32 v0, v1  }
0x144: {  	v0 =	vadd.s32 v59, v0  }
0x145: {  	[tilespmem:$0x1220] =	vst v0  }
0x146: {  	v0 =	vld [tilespmem:s16+$0x470]  }
0x147: {  	v60 =	vld [tilespmem:s16+$0x4F0];
	_ =	sdelay $0x1  }
0x148: {  	v61 =	vld [tilespmem:s16+$0x570];
	_ =	sdelay $0x1  }
0x149: {  	v0 =	vmul.u32 $0xC, v0  }
0x14a: {  	v1 =	vshll.u32 v60, $0x1  }
0x14b: {  	v0 =	vadd.s32 v0, v1  }
0x14c: {  	v0 =	vadd.s32 v61, v0  }
0x14d: {  	[tilespmem:$0x1230] =	vst v0  }
0x14e: {  	v0 =	vld [tilespmem:s16+$0x600]  }
0x14f: {  	v62 =	vld [tilespmem:s16+$0x680];
	_ =	sdelay $0x1  }
0x150: {  	v63 =	vld [tilespmem:s16+$0x700];
	_ =	sdelay $0x1  }
0x151: {  	v0 =	vmul.u32 $0xC, v0  }
0x152: {  	s0 =	sxor.u32 $0x1, s26;
	v1 =	vshll.u32 v62, $0x1  }
0x153: {  	s0 =	smul.u32 $0x32000, s0;
	v0 =	vadd.s32 v0, v1  }
0x154: {  	p1 =	por $0x0, $0x0;
	v0 =	vadd.s32 v63, v0  }
0x155: {  	s0 =	sshrl.u32 s0, $0x2;
	s18 =	simm.s32 @!p1 $0x0;
	s16 =	ssub.s32 @!p1 $0x800, s16;
	[tilespmem:$0x1240] =	vst v0  }
0x156: {  	[tilespmem:s16], [sflag:$0x3] =	stream.linear.gather @!p1 [hbm4b:s8+s18], $0x800, $0x38;
	[tilespmem:$0x1A5E0] =	vst v63  }
0x157: {  	s18 =	sadd.s32 $0x1400, s0  }
0x158: {  	[tilespmem:s18], [sflag:$0x1] =	stream.indirect.gather [spmem:s1], $0x80, s13, s12, $0xb8;
	[tilespmem:$0x1A5E0] =	vst v63  }
0x159: {  	s26 =	sadd.s32 $0x3C00, s0  }
0x15a: {  	[tilespmem:s26], [sflag:$0x1] =	stream.indirect.gather [spmem:s1], $0x80, s15, s12, $0xb8;
	[tilespmem:$0x1A5E0] =	vst v63  }
0x15b: {  	s18 =	sadd.s32 $0x6400, s0  }
0x15c: {  	[tilespmem:s18], [sflag:$0x1] =	stream.indirect.gather [spmem:s1], $0x80, s17, s12, $0xb8;
	[tilespmem:$0x1A5E0] =	vst v63  }
0x15d: {  	s26 =	sadd.s32 $0x8C00, s0  }
0x15e: {  	[tilespmem:s26], [sflag:$0x1] =	stream.indirect.gather [spmem:s1], $0x80, s19, s12, $0xb8;
	[tilespmem:$0x1A5E0] =	vst v63  }
0x15f: {  	s0 =	sadd.s32 $0xB400, s0  }
0x160: {  	[tilespmem:s0], [sflag:$0x1] =	stream.indirect.gather [spmem:s1], $0x80, s21, s12, $0xb8;
	[tilespmem:$0x1A5E0] =	vst v63  }
0x161: {  	_ =	swait.ge [sflag:s23], $0x2800  }
0x162: {  	[sflag:s23] =	ssyncset.done $0x0  }
0x163: {  	[sflag:s23] =	ssyncadd.s32 $0xFFFFD800  }
0x164: {  	_ =	swait.ge [sflag:s23], $0x2800  }
0x165: {  	[sflag:s23] =	ssyncset.done $0x0  }
0x166: {  	[sflag:s23] =	ssyncadd.s32 $0xFFFFD800  }
0x167: {  	_ =	swait.ge [sflag:s23], $0x2800  }
0x168: {  	[sflag:s23] =	ssyncset.done $0x0  }
0x169: {  	[sflag:s23] =	ssyncadd.s32 $0xFFFFD800  }
0x16a: {  	_ =	swait.ge [sflag:s23], $0x2800  }
0x16b: {  	[sflag:s23] =	ssyncset.done $0x0  }
0x16c: {  	[sflag:s23] =	ssyncadd.s32 $0xFFFFD800  }
0x16d: {  	s31 =	simm.s32 $0x2;
	s26 =	simm.s32 $0x1;
	_ =	swait.ge [sflag:s23], $0x2800  }
0x16e: {  	s30 =	simm.s32 $0x1000;
	s16 =	sand.u32 $0x1, s26;
	[sflag:s23] =	ssyncset.done $0x0  }
0x16f: {  	s18 =	smul.u32 $0x32000, s16;
	s0 =	sxor.u32 $0x1, s16;
	[sflag:s23] =	ssyncadd.s32 $0xFFFFD800  }
0x170: {  	s28 =	sadd.s32 $0x100, s8;
	s29 =	smul.u32 $0x32000, s0;
	_ =	swait.ge [sflag:s24], $0xC800  }
0x171: {  	s0 =	sadd.s32 $0x1900, s9;
	s16 =	sshrl.u32 s18, $0x2;
	[sflag:s24] =	ssyncset.done $0x0  }
.LBB2_2:
0x172: {  	s18 =	sadd.s32 $0x1400, s16  }
0x173: {  	[sflag:s24] =	ssyncadd.s32 $0xFFFF3800;
	s16 =	smov.u32 s31;
	s31 =	sadd.s32 $0x1, s31  }
0x174: {  	[hbm4b:s0+s2] =	stream.linear.scatter [tilespmem:s18], [sflag:$0x2], $0xC800, $0x38;
	[tilespmem:$0x1A5E0] =	vst v63  }
0x175: {  	p1 =	sne.s32 s31, $0x18;
	_ =	swait.ge [sflag:s11], $0x800  }
0x176: {  	[sflag:s11] =	ssyncset.done $0x0  }
0x177: {  	s18 =	sand.u32 $0x800, s30;
	[sflag:s11] =	ssyncadd.s32 $0xFFFFF800  }
0x178: {  	v0 =	vld [tilespmem:s18+$0x0]  }
0x179: {  	v1 =	vld [tilespmem:s18+$0x80];
	_ =	sdelay $0x1  }
0x17a: {  	v2 =	vld [tilespmem:s18+$0x100];
	_ =	sdelay $0x1  }
0x17b: {  	v0 =	vmul.u32 $0xC, v0  }
0x17c: {  	v1 =	vshll.u32 v1, $0x1  }
0x17d: {  	v0 =	vadd.s32 v0, v1  }
0x17e: {  	v0 =	vadd.s32 v2, v0  }
0x17f: {  	[tilespmem:$0x1000] =	vst v0  }
0x180: {  	v0 =	vld [tilespmem:s18+$0x10]  }
0x181: {  	v1 =	vld [tilespmem:s18+$0x90];
	_ =	sdelay $0x1  }
0x182: {  	v2 =	vld [tilespmem:s18+$0x110];
	_ =	sdelay $0x1  }
0x183: {  	v0 =	vmul.u32 $0xC, v0  }
0x184: {  	v1 =	vshll.u32 v1, $0x1  }
0x185: {  	v0 =	vadd.s32 v0, v1  }
0x186: {  	v0 =	vadd.s32 v2, v0  }
0x187: {  	[tilespmem:$0x1010] =	vst v0  }
0x188: {  	v0 =	vld [tilespmem:s18+$0x20]  }
0x189: {  	v1 =	vld [tilespmem:s18+$0xA0];
	_ =	sdelay $0x1  }
0x18a: {  	v2 =	vld [tilespmem:s18+$0x120];
	_ =	sdelay $0x1  }
0x18b: {  	v0 =	vmul.u32 $0xC, v0  }
0x18c: {  	v1 =	vshll.u32 v1, $0x1  }
0x18d: {  	v0 =	vadd.s32 v0, v1  }
0x18e: {  	v0 =	vadd.s32 v2, v0  }
0x18f: {  	[tilespmem:$0x1020] =	vst v0  }
0x190: {  	v0 =	vld [tilespmem:s18+$0x30]  }
0x191: {  	v1 =	vld [tilespmem:s18+$0xB0];
	_ =	sdelay $0x1  }
0x192: {  	v2 =	vld [tilespmem:s18+$0x130];
	_ =	sdelay $0x1  }
0x193: {  	v0 =	vmul.u32 $0xC, v0  }
0x194: {  	v1 =	vshll.u32 v1, $0x1  }
0x195: {  	v0 =	vadd.s32 v0, v1  }
0x196: {  	v0 =	vadd.s32 v2, v0  }
0x197: {  	[tilespmem:$0x1030] =	vst v0  }
0x198: {  	v0 =	vld [tilespmem:s18+$0x40]  }
0x199: {  	v1 =	vld [tilespmem:s18+$0xC0];
	_ =	sdelay $0x1  }
0x19a: {  	v2 =	vld [tilespmem:s18+$0x140];
	_ =	sdelay $0x1  }
0x19b: {  	v0 =	vmul.u32 $0xC, v0  }
0x19c: {  	v1 =	vshll.u32 v1, $0x1  }
0x19d: {  	v0 =	vadd.s32 v0, v1  }
0x19e: {  	v0 =	vadd.s32 v2, v0  }
0x19f: {  	[tilespmem:$0x1040] =	vst v0  }
0x1a0: {  	v0 =	vld [tilespmem:s18+$0x50]  }
0x1a1: {  	v1 =	vld [tilespmem:s18+$0xD0];
	_ =	sdelay $0x1  }
0x1a2: {  	v2 =	vld [tilespmem:s18+$0x150];
	_ =	sdelay $0x1  }
0x1a3: {  	v0 =	vmul.u32 $0xC, v0  }
0x1a4: {  	v1 =	vshll.u32 v1, $0x1  }
0x1a5: {  	v0 =	vadd.s32 v0, v1  }
0x1a6: {  	v0 =	vadd.s32 v2, v0  }
0x1a7: {  	[tilespmem:$0x1080] =	vst v0  }
0x1a8: {  	v0 =	vld [tilespmem:s18+$0x60]  }
0x1a9: {  	v1 =	vld [tilespmem:s18+$0xE0];
	_ =	sdelay $0x1  }
0x1aa: {  	v2 =	vld [tilespmem:s18+$0x160];
	_ =	sdelay $0x1  }
0x1ab: {  	v0 =	vmul.u32 $0xC, v0  }
0x1ac: {  	v1 =	vshll.u32 v1, $0x1  }
0x1ad: {  	v0 =	vadd.s32 v0, v1  }
0x1ae: {  	v0 =	vadd.s32 v2, v0  }
0x1af: {  	[tilespmem:$0x1090] =	vst v0  }
0x1b0: {  	v0 =	vld [tilespmem:s18+$0x70]  }
0x1b1: {  	v1 =	vld [tilespmem:s18+$0xF0];
	_ =	sdelay $0x1  }
0x1b2: {  	v2 =	vld [tilespmem:s18+$0x170];
	_ =	sdelay $0x1  }
0x1b3: {  	v0 =	vmul.u32 $0xC, v0  }
0x1b4: {  	v1 =	vshll.u32 v1, $0x1  }
0x1b5: {  	v0 =	vadd.s32 v0, v1  }
0x1b6: {  	v0 =	vadd.s32 v2, v0  }
0x1b7: {  	[tilespmem:$0x10A0] =	vst v0  }
0x1b8: {  	v0 =	vld [tilespmem:s18+$0x200]  }
0x1b9: {  	v1 =	vld [tilespmem:s18+$0x280];
	_ =	sdelay $0x1  }
0x1ba: {  	v2 =	vld [tilespmem:s18+$0x300];
	_ =	sdelay $0x1  }
0x1bb: {  	v0 =	vmul.u32 $0xC, v0  }
0x1bc: {  	v1 =	vshll.u32 v1, $0x1  }
0x1bd: {  	v0 =	vadd.s32 v0, v1  }
0x1be: {  	v0 =	vadd.s32 v2, v0  }
0x1bf: {  	[tilespmem:$0x10B0] =	vst v0  }
0x1c0: {  	v0 =	vld [tilespmem:s18+$0x210]  }
0x1c1: {  	v1 =	vld [tilespmem:s18+$0x290];
	_ =	sdelay $0x1  }
0x1c2: {  	v2 =	vld [tilespmem:s18+$0x310];
	_ =	sdelay $0x1  }
0x1c3: {  	v0 =	vmul.u32 $0xC, v0  }
0x1c4: {  	v1 =	vshll.u32 v1, $0x1  }
0x1c5: {  	v0 =	vadd.s32 v0, v1  }
0x1c6: {  	v0 =	vadd.s32 v2, v0  }
0x1c7: {  	[tilespmem:$0x10C0] =	vst v0  }
0x1c8: {  	v0 =	vld [tilespmem:s18+$0x220]  }
0x1c9: {  	v1 =	vld [tilespmem:s18+$0x2A0];
	_ =	sdelay $0x1  }
0x1ca: {  	v2 =	vld [tilespmem:s18+$0x320];
	_ =	sdelay $0x1  }
0x1cb: {  	v0 =	vmul.u32 $0xC, v0  }
0x1cc: {  	v1 =	vshll.u32 v1, $0x1  }
0x1cd: {  	v0 =	vadd.s32 v0, v1  }
0x1ce: {  	v0 =	vadd.s32 v2, v0  }
0x1cf: {  	[tilespmem:$0x1100] =	vst v0  }
0x1d0: {  	v0 =	vld [tilespmem:s18+$0x230]  }
0x1d1: {  	v1 =	vld [tilespmem:s18+$0x2B0];
	_ =	sdelay $0x1  }
0x1d2: {  	v2 =	vld [tilespmem:s18+$0x330];
	_ =	sdelay $0x1  }
0x1d3: {  	v0 =	vmul.u32 $0xC, v0  }
0x1d4: {  	v1 =	vshll.u32 v1, $0x1  }
0x1d5: {  	v0 =	vadd.s32 v0, v1  }
0x1d6: {  	v0 =	vadd.s32 v2, v0  }
0x1d7: {  	[tilespmem:$0x1110] =	vst v0  }
0x1d8: {  	v0 =	vld [tilespmem:s18+$0x240]  }
0x1d9: {  	v1 =	vld [tilespmem:s18+$0x2C0];
	_ =	sdelay $0x1  }
0x1da: {  	v2 =	vld [tilespmem:s18+$0x340];
	_ =	sdelay $0x1  }
0x1db: {  	v0 =	vmul.u32 $0xC, v0  }
0x1dc: {  	v1 =	vshll.u32 v1, $0x1  }
0x1dd: {  	v0 =	vadd.s32 v0, v1  }
0x1de: {  	v0 =	vadd.s32 v2, v0  }
0x1df: {  	[tilespmem:$0x1120] =	vst v0  }
0x1e0: {  	v0 =	vld [tilespmem:s18+$0x250]  }
0x1e1: {  	v1 =	vld [tilespmem:s18+$0x2D0];
	_ =	sdelay $0x1  }
0x1e2: {  	v2 =	vld [tilespmem:s18+$0x350];
	_ =	sdelay $0x1  }
0x1e3: {  	v0 =	vmul.u32 $0xC, v0  }
0x1e4: {  	v1 =	vshll.u32 v1, $0x1  }
0x1e5: {  	v0 =	vadd.s32 v0, v1  }
0x1e6: {  	v0 =	vadd.s32 v2, v0  }
0x1e7: {  	[tilespmem:$0x1130] =	vst v0  }
0x1e8: {  	v0 =	vld [tilespmem:s18+$0x260]  }
0x1e9: {  	v1 =	vld [tilespmem:s18+$0x2E0];
	_ =	sdelay $0x1  }
0x1ea: {  	v2 =	vld [tilespmem:s18+$0x360];
	_ =	sdelay $0x1  }
0x1eb: {  	v0 =	vmul.u32 $0xC, v0  }
0x1ec: {  	v1 =	vshll.u32 v1, $0x1  }
0x1ed: {  	v0 =	vadd.s32 v0, v1  }
0x1ee: {  	v0 =	vadd.s32 v2, v0  }
0x1ef: {  	[tilespmem:$0x1140] =	vst v0  }
0x1f0: {  	v0 =	vld [tilespmem:s18+$0x270]  }
0x1f1: {  	v1 =	vld [tilespmem:s18+$0x2F0];
	_ =	sdelay $0x1  }
0x1f2: {  	v2 =	vld [tilespmem:s18+$0x370];
	_ =	sdelay $0x1  }
0x1f3: {  	v0 =	vmul.u32 $0xC, v0  }
0x1f4: {  	v1 =	vshll.u32 v1, $0x1  }
0x1f5: {  	v0 =	vadd.s32 v0, v1  }
0x1f6: {  	v0 =	vadd.s32 v2, v0  }
0x1f7: {  	[tilespmem:$0x1180] =	vst v0  }
0x1f8: {  	v0 =	vld [tilespmem:s18+$0x400]  }
0x1f9: {  	v1 =	vld [tilespmem:s18+$0x480]  }
0x1fa: {  	v2 =	vld [tilespmem:s18+$0x500];
	_ =	sdelay $0x2  }
0x1fb: {  	v0 =	vmul.u32 $0xC, v0  }
0x1fc: {  	v1 =	vshll.u32 v1, $0x1  }
0x1fd: {  	v0 =	vadd.s32 v0, v1  }
0x1fe: {  	v0 =	vadd.s32 v2, v0  }
0x1ff: {  	[tilespmem:$0x1190] =	vst v0  }
0x200: {  	v0 =	vld [tilespmem:s18+$0x410]  }
0x201: {  	v1 =	vld [tilespmem:s18+$0x490]  }
0x202: {  	v2 =	vld [tilespmem:s18+$0x510];
	_ =	sdelay $0x2  }
0x203: {  	v0 =	vmul.u32 $0xC, v0  }
0x204: {  	v1 =	vshll.u32 v1, $0x1  }
0x205: {  	v0 =	vadd.s32 v0, v1  }
0x206: {  	v0 =	vadd.s32 v2, v0  }
0x207: {  	[tilespmem:$0x11A0] =	vst v0  }
0x208: {  	v0 =	vld [tilespmem:s18+$0x420]  }
0x209: {  	v1 =	vld [tilespmem:s18+$0x4A0]  }
0x20a: {  	v2 =	vld [tilespmem:s18+$0x520];
	_ =	sdelay $0x2  }
0x20b: {  	v0 =	vmul.u32 $0xC, v0  }
0x20c: {  	v1 =	vshll.u32 v1, $0x1  }
0x20d: {  	v0 =	vadd.s32 v0, v1  }
0x20e: {  	v0 =	vadd.s32 v2, v0  }
0x20f: {  	[tilespmem:$0x11B0] =	vst v0  }
0x210: {  	v0 =	vld [tilespmem:s18+$0x430]  }
0x211: {  	v1 =	vld [tilespmem:s18+$0x4B0]  }
0x212: {  	v2 =	vld [tilespmem:s18+$0x530];
	_ =	sdelay $0x2  }
0x213: {  	v0 =	vmul.u32 $0xC, v0  }
0x214: {  	v1 =	vshll.u32 v1, $0x1  }
0x215: {  	v0 =	vadd.s32 v0, v1  }
0x216: {  	v0 =	vadd.s32 v2, v0  }
0x217: {  	[tilespmem:$0x11C0] =	vst v0  }
0x218: {  	v0 =	vld [tilespmem:s18+$0x440]  }
0x219: {  	v1 =	vld [tilespmem:s18+$0x4C0]  }
0x21a: {  	v2 =	vld [tilespmem:s18+$0x540];
	_ =	sdelay $0x2  }
0x21b: {  	v0 =	vmul.u32 $0xC, v0  }
0x21c: {  	v1 =	vshll.u32 v1, $0x1  }
0x21d: {  	v0 =	vadd.s32 v0, v1  }
0x21e: {  	v0 =	vadd.s32 v2, v0  }
0x21f: {  	[tilespmem:$0x1200] =	vst v0  }
0x220: {  	v0 =	vld [tilespmem:s18+$0x450]  }
0x221: {  	v1 =	vld [tilespmem:s18+$0x4D0]  }
0x222: {  	v2 =	vld [tilespmem:s18+$0x550];
	_ =	sdelay $0x2  }
0x223: {  	v0 =	vmul.u32 $0xC, v0  }
0x224: {  	v1 =	vshll.u32 v1, $0x1  }
0x225: {  	v0 =	vadd.s32 v0, v1  }
0x226: {  	v0 =	vadd.s32 v2, v0  }
0x227: {  	[tilespmem:$0x1210] =	vst v0  }
0x228: {  	v0 =	vld [tilespmem:s18+$0x460]  }
0x229: {  	v1 =	vld [tilespmem:s18+$0x4E0]  }
0x22a: {  	v2 =	vld [tilespmem:s18+$0x560];
	_ =	sdelay $0x2  }
0x22b: {  	v0 =	vmul.u32 $0xC, v0  }
0x22c: {  	v1 =	vshll.u32 v1, $0x1  }
0x22d: {  	v0 =	vadd.s32 v0, v1  }
0x22e: {  	v0 =	vadd.s32 v2, v0  }
0x22f: {  	[tilespmem:$0x1220] =	vst v0  }
0x230: {  	v0 =	vld [tilespmem:s18+$0x470]  }
0x231: {  	v1 =	vld [tilespmem:s18+$0x4F0]  }
0x232: {  	v2 =	vld [tilespmem:s18+$0x570];
	_ =	sdelay $0x2  }
0x233: {  	v0 =	vmul.u32 $0xC, v0  }
0x234: {  	v1 =	vshll.u32 v1, $0x1  }
0x235: {  	v0 =	vadd.s32 v0, v1  }
0x236: {  	v0 =	vadd.s32 v2, v0  }
0x237: {  	[tilespmem:$0x1230] =	vst v0  }
0x238: {  	v0 =	vld [tilespmem:s18+$0x600]  }
0x239: {  	v1 =	vld [tilespmem:s18+$0x680]  }
0x23a: {  	v2 =	vld [tilespmem:s18+$0x700];
	_ =	sdelay $0x2  }
0x23b: {  	v0 =	vmul.u32 $0xC, v0  }
0x23c: {  	v1 =	vshll.u32 v1, $0x1  }
0x23d: {  	v0 =	vadd.s32 v0, v1  }
0x23e: {  	p2 =	seq.s32 s26, $0x17;
	s26 =	smov.u32 s16;
	v0 =	vadd.s32 v2, v0  }
0x23f: {  	s29 =	sshrl.u32 s29, $0x2;
	s16 =	ssub.s32 @!p2 $0x800, s18;
	s18 =	simm.s32 @!p2 $0x0;
	[tilespmem:$0x1240] =	vst v0  }
0x240: {  	[tilespmem:s16], [sflag:$0x3] =	stream.linear.gather @!p2 [hbm4b:s28+s18], $0x800, $0x38;
	[tilespmem:$0x1A5E0] =	vst v63  }
0x241: {  	s16 =	sadd.s32 $0x1400, s29  }
0x242: {  	[tilespmem:s16], [sflag:$0x1] =	stream.indirect.gather [spmem:s1], $0x80, s13, s12, $0xb8;
	[tilespmem:$0x1A5E0] =	vst v63  }
0x243: {  	s16 =	sadd.s32 $0x3C00, s29  }
0x244: {  	[tilespmem:s16], [sflag:$0x1] =	stream.indirect.gather [spmem:s1], $0x80, s15, s12, $0xb8;
	[tilespmem:$0x1A5E0] =	vst v63  }
0x245: {  	s16 =	sadd.s32 $0x6400, s29  }
0x246: {  	[tilespmem:s16], [sflag:$0x1] =	stream.indirect.gather [spmem:s1], $0x80, s17, s12, $0xb8;
	[tilespmem:$0x1A5E0] =	vst v63  }
0x247: {  	s16 =	sadd.s32 $0x8C00, s29  }
0x248: {  	[tilespmem:s16], [sflag:$0x1] =	stream.indirect.gather [spmem:s1], $0x80, s19, s12, $0xb8;
	[tilespmem:$0x1A5E0] =	vst v63  }
0x249: {  	s16 =	sadd.s32 $0xB400, s29  }
0x24a: {  	[tilespmem:s16], [sflag:$0x1] =	stream.indirect.gather [spmem:s1], $0x80, s21, s12, $0xb8;
	[tilespmem:$0x1A5E0] =	vst v63  }
0x24b: {  	_ =	swait.ge [sflag:s23], $0x2800  }
0x24c: {  	[sflag:s23] =	ssyncset.done $0x0  }
0x24d: {  	[sflag:s23] =	ssyncadd.s32 $0xFFFFD800  }
0x24e: {  	_ =	swait.ge [sflag:s23], $0x2800  }
0x24f: {  	[sflag:s23] =	ssyncset.done $0x0  }
0x250: {  	[sflag:s23] =	ssyncadd.s32 $0xFFFFD800  }
0x251: {  	_ =	swait.ge [sflag:s23], $0x2800  }
0x252: {  	[sflag:s23] =	ssyncset.done $0x0  }
0x253: {  	[sflag:s23] =	ssyncadd.s32 $0xFFFFD800  }
0x254: {  	_ =	swait.ge [sflag:s23], $0x2800  }
0x255: {  	[sflag:s23] =	ssyncset.done $0x0  }
0x256: {  	[sflag:s23] =	ssyncadd.s32 $0xFFFFD800  }
.Ltmp0:
0x257: {  	_ =	swait.ge [sflag:s23], $0x2800;
	(pc) =	sbr.rel @p1 .LBB2_2-.Ltmp0, $4  }
0x258: {  	s30 =	sadd.s32 $0x800, s30;
	s16 =	sand.u32 $0x1, s26;
	[sflag:s23] =	ssyncset.done $0x0  }
0x259: {  	s18 =	smul.u32 $0x32000, s16;
	s16 =	sxor.u32 $0x1, s16;
	[sflag:s23] =	ssyncadd.s32 $0xFFFFD800  }
0x25a: {  	s0 =	sadd.s32 $0x1900, s0;
	s29 =	smul.u32 $0x32000, s16;
	_ =	swait.ge [sflag:s24], $0xC800  }
0x25b: {  	s28 =	sadd.s32 $0x100, s28;
	s16 =	sshrl.u32 s18, $0x2;
	[sflag:s24] =	ssyncset.done $0x0  }
0x25c: {  	s16 =	sadd.s32 $0x1400, s16;
	[sflag:s24] =	ssyncadd.s32 $0xFFFF3800  }
0x25d: {  	[hbm4b:s0+s2] =	stream.linear.scatter [tilespmem:s16], [sflag:$0x2], $0xC800, $0x38;
	[tilespmem:$0x1A5E0] =	vst v63  }
0x25e: {  	_ =	swait.ge [sflag:s11], $0x800  }
0x25f: {  	[sflag:s11] =	ssyncset.done $0x0  }
0x260: {  	s0 =	sand.u32 $0x800, s30;
	[sflag:s11] =	ssyncadd.s32 $0xFFFFF800  }
0x261: {  	v0 =	vld [tilespmem:s0+$0x0]  }
0x262: {  	v1 =	vld [tilespmem:s0+$0x80];
	_ =	sdelay $0x1  }
0x263: {  	v2 =	vld [tilespmem:s0+$0x100];
	_ =	sdelay $0x1  }
0x264: {  	v0 =	vmul.u32 $0xC, v0  }
0x265: {  	v1 =	vshll.u32 v1, $0x1  }
0x266: {  	v0 =	vadd.s32 v0, v1  }
0x267: {  	v0 =	vadd.s32 v2, v0  }
0x268: {  	[tilespmem:$0x1000] =	vst v0  }
0x269: {  	v0 =	vld [tilespmem:s0+$0x10]  }
0x26a: {  	v16 =	vld [tilespmem:s0+$0x90];
	_ =	sdelay $0x1  }
0x26b: {  	v17 =	vld [tilespmem:s0+$0x110];
	_ =	sdelay $0x1  }
0x26c: {  	v0 =	vmul.u32 $0xC, v0  }
0x26d: {  	v1 =	vshll.u32 v16, $0x1  }
0x26e: {  	v0 =	vadd.s32 v0, v1  }
0x26f: {  	v0 =	vadd.s32 v17, v0  }
0x270: {  	[tilespmem:$0x1010] =	vst v0  }
0x271: {  	v0 =	vld [tilespmem:s0+$0x20]  }
0x272: {  	v18 =	vld [tilespmem:s0+$0xA0];
	_ =	sdelay $0x1  }
0x273: {  	v19 =	vld [tilespmem:s0+$0x120];
	_ =	sdelay $0x1  }
0x274: {  	v0 =	vmul.u32 $0xC, v0  }
0x275: {  	v1 =	vshll.u32 v18, $0x1  }
0x276: {  	v0 =	vadd.s32 v0, v1  }
0x277: {  	v0 =	vadd.s32 v19, v0  }
0x278: {  	[tilespmem:$0x1020] =	vst v0  }
0x279: {  	v0 =	vld [tilespmem:s0+$0x30]  }
0x27a: {  	v20 =	vld [tilespmem:s0+$0xB0];
	_ =	sdelay $0x1  }
0x27b: {  	v21 =	vld [tilespmem:s0+$0x130];
	_ =	sdelay $0x1  }
0x27c: {  	v0 =	vmul.u32 $0xC, v0  }
0x27d: {  	v1 =	vshll.u32 v20, $0x1  }
0x27e: {  	v0 =	vadd.s32 v0, v1  }
0x27f: {  	v0 =	vadd.s32 v21, v0  }
0x280: {  	[tilespmem:$0x1030] =	vst v0  }
0x281: {  	v0 =	vld [tilespmem:s0+$0x40]  }
0x282: {  	v22 =	vld [tilespmem:s0+$0xC0];
	_ =	sdelay $0x1  }
0x283: {  	v23 =	vld [tilespmem:s0+$0x140];
	_ =	sdelay $0x1  }
0x284: {  	v0 =	vmul.u32 $0xC, v0  }
0x285: {  	v1 =	vshll.u32 v22, $0x1  }
0x286: {  	v0 =	vadd.s32 v0, v1  }
0x287: {  	v0 =	vadd.s32 v23, v0  }
0x288: {  	[tilespmem:$0x1040] =	vst v0  }
0x289: {  	v0 =	vld [tilespmem:s0+$0x50]  }
0x28a: {  	v24 =	vld [tilespmem:s0+$0xD0];
	_ =	sdelay $0x1  }
0x28b: {  	v25 =	vld [tilespmem:s0+$0x150];
	_ =	sdelay $0x1  }
0x28c: {  	v0 =	vmul.u32 $0xC, v0  }
0x28d: {  	v1 =	vshll.u32 v24, $0x1  }
0x28e: {  	v0 =	vadd.s32 v0, v1  }
0x28f: {  	v0 =	vadd.s32 v25, v0  }
0x290: {  	[tilespmem:$0x1080] =	vst v0  }
0x291: {  	v0 =	vld [tilespmem:s0+$0x60]  }
0x292: {  	v26 =	vld [tilespmem:s0+$0xE0];
	_ =	sdelay $0x1  }
0x293: {  	v27 =	vld [tilespmem:s0+$0x160];
	_ =	sdelay $0x1  }
0x294: {  	v0 =	vmul.u32 $0xC, v0  }
0x295: {  	v1 =	vshll.u32 v26, $0x1  }
0x296: {  	v0 =	vadd.s32 v0, v1  }
0x297: {  	v0 =	vadd.s32 v27, v0  }
0x298: {  	[tilespmem:$0x1090] =	vst v0  }
0x299: {  	v0 =	vld [tilespmem:s0+$0x70]  }
0x29a: {  	v28 =	vld [tilespmem:s0+$0xF0];
	_ =	sdelay $0x1  }
0x29b: {  	v29 =	vld [tilespmem:s0+$0x170];
	_ =	sdelay $0x1  }
0x29c: {  	v0 =	vmul.u32 $0xC, v0  }
0x29d: {  	v1 =	vshll.u32 v28, $0x1  }
0x29e: {  	v0 =	vadd.s32 v0, v1  }
0x29f: {  	v0 =	vadd.s32 v29, v0  }
0x2a0: {  	[tilespmem:$0x10A0] =	vst v0  }
0x2a1: {  	v0 =	vld [tilespmem:s0+$0x200]  }
0x2a2: {  	v30 =	vld [tilespmem:s0+$0x280];
	_ =	sdelay $0x1  }
0x2a3: {  	v31 =	vld [tilespmem:s0+$0x300];
	_ =	sdelay $0x1  }
0x2a4: {  	v0 =	vmul.u32 $0xC, v0  }
0x2a5: {  	v1 =	vshll.u32 v30, $0x1  }
0x2a6: {  	v0 =	vadd.s32 v0, v1  }
0x2a7: {  	v0 =	vadd.s32 v31, v0  }
0x2a8: {  	[tilespmem:$0x10B0] =	vst v0  }
0x2a9: {  	v0 =	vld [tilespmem:s0+$0x210]  }
0x2aa: {  	v32 =	vld [tilespmem:s0+$0x290];
	_ =	sdelay $0x1  }
0x2ab: {  	v33 =	vld [tilespmem:s0+$0x310];
	_ =	sdelay $0x1  }
0x2ac: {  	v0 =	vmul.u32 $0xC, v0  }
0x2ad: {  	v1 =	vshll.u32 v32, $0x1  }
0x2ae: {  	v0 =	vadd.s32 v0, v1  }
0x2af: {  	v0 =	vadd.s32 v33, v0  }
0x2b0: {  	[tilespmem:$0x10C0] =	vst v0  }
0x2b1: {  	v0 =	vld [tilespmem:s0+$0x220]  }
0x2b2: {  	v34 =	vld [tilespmem:s0+$0x2A0];
	_ =	sdelay $0x1  }
0x2b3: {  	v35 =	vld [tilespmem:s0+$0x320];
	_ =	sdelay $0x1  }
0x2b4: {  	v0 =	vmul.u32 $0xC, v0  }
0x2b5: {  	v1 =	vshll.u32 v34, $0x1  }
0x2b6: {  	v0 =	vadd.s32 v0, v1  }
0x2b7: {  	v0 =	vadd.s32 v35, v0  }
0x2b8: {  	[tilespmem:$0x1100] =	vst v0  }
0x2b9: {  	v0 =	vld [tilespmem:s0+$0x230]  }
0x2ba: {  	v36 =	vld [tilespmem:s0+$0x2B0];
	_ =	sdelay $0x1  }
0x2bb: {  	v37 =	vld [tilespmem:s0+$0x330];
	_ =	sdelay $0x1  }
0x2bc: {  	v0 =	vmul.u32 $0xC, v0  }
0x2bd: {  	v1 =	vshll.u32 v36, $0x1  }
0x2be: {  	v0 =	vadd.s32 v0, v1  }
0x2bf: {  	v0 =	vadd.s32 v37, v0  }
0x2c0: {  	[tilespmem:$0x1110] =	vst v0  }
0x2c1: {  	v0 =	vld [tilespmem:s0+$0x240]  }
0x2c2: {  	v38 =	vld [tilespmem:s0+$0x2C0];
	_ =	sdelay $0x1  }
0x2c3: {  	v39 =	vld [tilespmem:s0+$0x340];
	_ =	sdelay $0x1  }
0x2c4: {  	v0 =	vmul.u32 $0xC, v0  }
0x2c5: {  	v1 =	vshll.u32 v38, $0x1  }
0x2c6: {  	v0 =	vadd.s32 v0, v1  }
0x2c7: {  	v0 =	vadd.s32 v39, v0  }
0x2c8: {  	[tilespmem:$0x1120] =	vst v0  }
0x2c9: {  	v0 =	vld [tilespmem:s0+$0x250]  }
0x2ca: {  	v40 =	vld [tilespmem:s0+$0x2D0];
	_ =	sdelay $0x1  }
0x2cb: {  	v41 =	vld [tilespmem:s0+$0x350];
	_ =	sdelay $0x1  }
0x2cc: {  	v0 =	vmul.u32 $0xC, v0  }
0x2cd: {  	v1 =	vshll.u32 v40, $0x1  }
0x2ce: {  	v0 =	vadd.s32 v0, v1  }
0x2cf: {  	v0 =	vadd.s32 v41, v0  }
0x2d0: {  	[tilespmem:$0x1130] =	vst v0  }
0x2d1: {  	v0 =	vld [tilespmem:s0+$0x260]  }
0x2d2: {  	v42 =	vld [tilespmem:s0+$0x2E0];
	_ =	sdelay $0x1  }
0x2d3: {  	v43 =	vld [tilespmem:s0+$0x360];
	_ =	sdelay $0x1  }
0x2d4: {  	v0 =	vmul.u32 $0xC, v0  }
0x2d5: {  	v1 =	vshll.u32 v42, $0x1  }
0x2d6: {  	v0 =	vadd.s32 v0, v1  }
0x2d7: {  	v0 =	vadd.s32 v43, v0  }
0x2d8: {  	[tilespmem:$0x1140] =	vst v0  }
0x2d9: {  	v0 =	vld [tilespmem:s0+$0x270]  }
0x2da: {  	v44 =	vld [tilespmem:s0+$0x2F0];
	_ =	sdelay $0x1  }
0x2db: {  	v45 =	vld [tilespmem:s0+$0x370];
	_ =	sdelay $0x1  }
0x2dc: {  	v0 =	vmul.u32 $0xC, v0  }
0x2dd: {  	v1 =	vshll.u32 v44, $0x1  }
0x2de: {  	v0 =	vadd.s32 v0, v1  }
0x2df: {  	v0 =	vadd.s32 v45, v0  }
0x2e0: {  	[tilespmem:$0x1180] =	vst v0  }
0x2e1: {  	v0 =	vld [tilespmem:s0+$0x400]  }
0x2e2: {  	v46 =	vld [tilespmem:s0+$0x480];
	_ =	sdelay $0x1  }
0x2e3: {  	v47 =	vld [tilespmem:s0+$0x500];
	_ =	sdelay $0x1  }
0x2e4: {  	v0 =	vmul.u32 $0xC, v0  }
0x2e5: {  	v1 =	vshll.u32 v46, $0x1  }
0x2e6: {  	v0 =	vadd.s32 v0, v1  }
0x2e7: {  	v0 =	vadd.s32 v47, v0  }
0x2e8: {  	[tilespmem:$0x1190] =	vst v0  }
0x2e9: {  	v0 =	vld [tilespmem:s0+$0x410]  }
0x2ea: {  	v48 =	vld [tilespmem:s0+$0x490];
	_ =	sdelay $0x1  }
0x2eb: {  	v49 =	vld [tilespmem:s0+$0x510];
	_ =	sdelay $0x1  }
0x2ec: {  	v0 =	vmul.u32 $0xC, v0  }
0x2ed: {  	v1 =	vshll.u32 v48, $0x1  }
0x2ee: {  	v0 =	vadd.s32 v0, v1  }
0x2ef: {  	v0 =	vadd.s32 v49, v0  }
0x2f0: {  	[tilespmem:$0x11A0] =	vst v0  }
0x2f1: {  	v0 =	vld [tilespmem:s0+$0x420]  }
0x2f2: {  	v50 =	vld [tilespmem:s0+$0x4A0];
	_ =	sdelay $0x1  }
0x2f3: {  	v51 =	vld [tilespmem:s0+$0x520];
	_ =	sdelay $0x1  }
0x2f4: {  	v0 =	vmul.u32 $0xC, v0  }
0x2f5: {  	v1 =	vshll.u32 v50, $0x1  }
0x2f6: {  	v0 =	vadd.s32 v0, v1  }
0x2f7: {  	v0 =	vadd.s32 v51, v0  }
0x2f8: {  	[tilespmem:$0x11B0] =	vst v0  }
0x2f9: {  	v0 =	vld [tilespmem:s0+$0x430]  }
0x2fa: {  	v52 =	vld [tilespmem:s0+$0x4B0];
	_ =	sdelay $0x1  }
0x2fb: {  	v53 =	vld [tilespmem:s0+$0x530];
	_ =	sdelay $0x1  }
0x2fc: {  	v0 =	vmul.u32 $0xC, v0  }
0x2fd: {  	v1 =	vshll.u32 v52, $0x1  }
0x2fe: {  	v0 =	vadd.s32 v0, v1  }
0x2ff: {  	v0 =	vadd.s32 v53, v0  }
0x300: {  	[tilespmem:$0x11C0] =	vst v0  }
0x301: {  	v0 =	vld [tilespmem:s0+$0x440]  }
0x302: {  	v54 =	vld [tilespmem:s0+$0x4C0];
	_ =	sdelay $0x1  }
0x303: {  	v55 =	vld [tilespmem:s0+$0x540];
	_ =	sdelay $0x1  }
0x304: {  	v0 =	vmul.u32 $0xC, v0  }
0x305: {  	v1 =	vshll.u32 v54, $0x1  }
0x306: {  	v0 =	vadd.s32 v0, v1  }
0x307: {  	v0 =	vadd.s32 v55, v0  }
0x308: {  	[tilespmem:$0x1200] =	vst v0  }
0x309: {  	v0 =	vld [tilespmem:s0+$0x450]  }
0x30a: {  	v56 =	vld [tilespmem:s0+$0x4D0];
	_ =	sdelay $0x1  }
0x30b: {  	v57 =	vld [tilespmem:s0+$0x550];
	_ =	sdelay $0x1  }
0x30c: {  	v0 =	vmul.u32 $0xC, v0  }
0x30d: {  	v1 =	vshll.u32 v56, $0x1  }
0x30e: {  	v0 =	vadd.s32 v0, v1  }
0x30f: {  	v0 =	vadd.s32 v57, v0  }
0x310: {  	[tilespmem:$0x1210] =	vst v0  }
0x311: {  	v0 =	vld [tilespmem:s0+$0x460]  }
0x312: {  	v58 =	vld [tilespmem:s0+$0x4E0];
	_ =	sdelay $0x1  }
0x313: {  	v59 =	vld [tilespmem:s0+$0x560];
	_ =	sdelay $0x1  }
0x314: {  	v0 =	vmul.u32 $0xC, v0  }
0x315: {  	v1 =	vshll.u32 v58, $0x1  }
0x316: {  	v0 =	vadd.s32 v0, v1  }
0x317: {  	v0 =	vadd.s32 v59, v0  }
0x318: {  	[tilespmem:$0x1220] =	vst v0  }
0x319: {  	v0 =	vld [tilespmem:s0+$0x470]  }
0x31a: {  	v60 =	vld [tilespmem:s0+$0x4F0];
	_ =	sdelay $0x1  }
0x31b: {  	v61 =	vld [tilespmem:s0+$0x570];
	_ =	sdelay $0x1  }
0x31c: {  	v0 =	vmul.u32 $0xC, v0  }
0x31d: {  	v1 =	vshll.u32 v60, $0x1  }
0x31e: {  	v0 =	vadd.s32 v0, v1  }
0x31f: {  	v0 =	vadd.s32 v61, v0  }
0x320: {  	[tilespmem:$0x1230] =	vst v0  }
0x321: {  	v0 =	vld [tilespmem:s0+$0x600]  }
0x322: {  	v62 =	vld [tilespmem:s0+$0x680];
	_ =	sdelay $0x1  }
0x323: {  	v63 =	vld [tilespmem:s0+$0x700];
	_ =	sdelay $0x1  }
0x324: {  	v0 =	vmul.u32 $0xC, v0  }
0x325: {  	v1 =	vshll.u32 v62, $0x1  }
0x326: {  	v0 =	vadd.s32 v0, v1  }
0x327: {  	p1 =	seq.s32 s26, $0x17;
	v0 =	vadd.s32 v63, v0  }
0x328: {  	s18 =	sshrl.u32 s29, $0x2;
	s16 =	simm.s32 @!p1 $0x0;
	s0 =	ssub.s32 @!p1 $0x800, s0;
	[tilespmem:$0x1240] =	vst v0  }
0x329: {  	[tilespmem:s0], [sflag:$0x3] =	stream.linear.gather @!p1 [hbm4b:s28+s16], $0x800, $0x38;
	[tilespmem:$0x1A5E0] =	vst v63  }
0x32a: {  	s26 =	sadd.s32 $0x1400, s18  }
0x32b: {  	[tilespmem:s26], [sflag:$0x1] =	stream.indirect.gather [spmem:s1], $0x80, s13, s12, $0xb8;
	[tilespmem:$0x1A5E0] =	vst v63  }
0x32c: {  	s28 =	sadd.s32 $0x3C00, s18  }
0x32d: {  	[tilespmem:s28], [sflag:$0x1] =	stream.indirect.gather [spmem:s1], $0x80, s15, s12, $0xb8;
	[tilespmem:$0x1A5E0] =	vst v63  }
0x32e: {  	s29 =	sadd.s32 $0x6400, s18  }
0x32f: {  	[tilespmem:s29], [sflag:$0x1] =	stream.indirect.gather [spmem:s1], $0x80, s17, s12, $0xb8;
	[tilespmem:$0x1A5E0] =	vst v63  }
0x330: {  	s30 =	sadd.s32 $0x8C00, s18  }
0x331: {  	[tilespmem:s30], [sflag:$0x1] =	stream.indirect.gather [spmem:s1], $0x80, s19, s12, $0xb8;
	[tilespmem:$0x1A5E0] =	vst v63  }
0x332: {  	s31 =	sadd.s32 $0xB400, s18  }
0x333: {  	[tilespmem:s31], [sflag:$0x1] =	stream.indirect.gather [spmem:s1], $0x80, s21, s12, $0xb8;
	[tilespmem:$0x1A5E0] =	vst v63  }
0x334: {  	_ =	swait.ge [sflag:s23], $0x2800  }
0x335: {  	[sflag:s23] =	ssyncset.done $0x0  }
0x336: {  	[sflag:s23] =	ssyncadd.s32 $0xFFFFD800  }
0x337: {  	_ =	swait.ge [sflag:s23], $0x2800  }
0x338: {  	[sflag:s23] =	ssyncset.done $0x0  }
0x339: {  	[sflag:s23] =	ssyncadd.s32 $0xFFFFD800  }
0x33a: {  	_ =	swait.ge [sflag:s23], $0x2800  }
0x33b: {  	[sflag:s23] =	ssyncset.done $0x0  }
0x33c: {  	[sflag:s23] =	ssyncadd.s32 $0xFFFFD800  }
0x33d: {  	_ =	swait.ge [sflag:s23], $0x2800  }
0x33e: {  	[sflag:s23] =	ssyncset.done $0x0  }
0x33f: {  	[sflag:s23] =	ssyncadd.s32 $0xFFFFD800  }
0x340: {  	_ =	swait.ge [sflag:s23], $0x2800  }
0x341: {  	[sflag:s23] =	ssyncset.done $0x0  }
0x342: {  	[sflag:s23] =	ssyncadd.s32 $0xFFFFD800  }
0x343: {  	s25 =	sadd.s32 $0x1, s25;
	_ =	swait.ge [sflag:s24], $0xC800  }
0x344: {  	p1 =	sne.s32 s25, s7;
	[sflag:s24] =	ssyncset.done $0x0  }
.Ltmp1:
0x345: {  	[sflag:s24] =	ssyncadd.s32 $0xFFFF3800;
	(pc) =	sbr.rel @p1 .LBB2_1-.Ltmp1, $4  }
0x346: {  	[hbm4b:s6+s2] =	stream.linear.scatter [tilespmem:s14], [sflag:$0x2], $0xC800, $0x38;
	[tilespmem:$0x1A5E0] =	vst v63  }
0x347: {  	_ =	swait.ge [sflag:s24], $0xC800  }
0x348: {  	[sflag:s24] =	ssyncset.done $0x0  }
0x349: {  	[sflag:s24] =	ssyncadd.s32 $0xFFFF3800  }
0x34a: {  	_ =	sfence.sel $0x180000  }
0x34b: {  	[bflag:$0x0] =	sbarrier.arrive $0xFFFF  }
0x34c: {  	_ =	strace $0x90000047  }
0x34d: {  	[bflag:$0x2] =	sbarrier.arrive $0xFFFF  }
0x34e: {  	s0 =	rddreg [dreg:$0x3]  }
0x34f: {  	s0 =	sadd.s32 @!p0 $0x100000, s0  }
0x350: {  	[sflag:s0] =	ssyncadd.tile.s32 @!p0 $0x1;
	_ =	shalt  }
.Lfunc_end2:
_tile_overlayer_lowered:
.L_overlay_start_2:
0x351: {  	(tag) =	ssettag $0x2  }
0x352: {  	s0 =	rddreg [dreg:$0x0];
	s2 =	stileid.u32  }
0x353: {  	s1 =	rddreg [dreg:$0x1];
	p0 =	sne.s32 s2, $0x0  }
0x354: {  	s3 =	rddreg [dreg:$0x2];
	[bflag:$0x3] =	sbarrier.arrive $0xFFFF;
	s2 =	simm.s32 @!p0 $0x1C04  }
0x355: {  	[timem:s3], [sflag:s2] =	dma.local @!p0 [hbm:s0], s1  }
0x356: {  	s0 =	simm.s32 @!p0 $0x4  }
0x357: {  	_ =	swait.ge @!p0 [sflag:s0], s1  }
0x358: {  	s1 =	ssub.s32 @!p0 $0x0, s1;
	[sflag:s0] =	ssyncset.done @!p0 $0x0  }
0x359: {  	[sflag:s0] =	ssyncadd.s32 @!p0 s1  }
0x35a: {  	[bflag:$0x3] =	sbarrier.arrive $0xFFFF  }
0x35b: {  	_ =	shalt  }

</sc_bundles>
